<compile_context>
chip_gen: v7x
topology: tpu7x:2x2x1
jax: 0.10.2.dev20260603
libtpu: 0.0.44.dev20260713+nightly
codegen_flags: <defaults>
</compile_context>

<pallas_src>
import jax
import jax.numpy as jnp
from jax.experimental import pallas as pl
from jax.experimental.pallas import tpu as pltpu
from jax.experimental.pallas import tpu_sc as plsc

NUM_ENT = 100000
DIM = 512
BATCH = 1024
K = 50
CHUNK = 2048
NCHUNK = (NUM_ENT + CHUNK - 1) // CHUNK
NPAD = NCHUNK * CHUNK
GL = 128
NG = NPAD // GL
GPC = CHUNK // GL
RT = BATCH // 8
TPG = NG * 8
NGK = 56
NCAND = NGK * GL
RB = 64
GWIN = 128
CWIN = 128
QS = 4
QL = DIM // QS


def _sc_gather_lhs(head, chain, entity_emb, rel_emb):
    nq = BATCH * QS
    q = jnp.arange(QS, dtype=jnp.int32)[None, :]
    hq = (head.astype(jnp.int32)[:, None] * QS + q).reshape(1, nq)
    cq = (chain.astype(jnp.int32)[:, None] * QS + q).reshape(1, nq)
    entq = entity_emb.reshape(NUM_ENT * QS, QL)
    relq = rel_emb.reshape(-1, QL)
    mesh = plsc.VectorSubcoreMesh(core_axis_name="core", subcore_axis_name="subcore")

    @pl.kernel(
        out_type=(
            jax.ShapeDtypeStruct((nq, QL), jnp.float32),
            jax.ShapeDtypeStruct((nq, QL), jnp.float32),
        ),
        mesh=mesh,
    )
    def gather_kernel(ent_hbm, rel_hbm, h_hbm, c_hbm, he_hbm, re_hbm):
        def body(hi, ci, he_out, re_out):
            pltpu.sync_copy(ent_hbm.at[hi.at[0]], he_out)
            pltpu.sync_copy(rel_hbm.at[ci.at[0]], re_out)

        pltpu.emit_pipeline(
            body,
            grid=(nq // GWIN,),
            in_specs=[
                pl.BlockSpec((1, GWIN), lambda i: (0, i)),
                pl.BlockSpec((1, GWIN), lambda i: (0, i)),
            ],
            out_specs=[
                pl.BlockSpec((GWIN, QL), lambda i: (i, 0)),
                pl.BlockSpec((GWIN, QL), lambda i: (i, 0)),
            ],
            core_axis_name=("core", "subcore"),
            dimension_semantics=(pltpu.PARALLEL,),
        )(h_hbm, c_hbm, he_hbm, re_hbm)

    heq, req = gather_kernel(entq, relq, hq, cq)
    return heq.reshape(BATCH, DIM), req.reshape(BATCH, DIM)


def _k1_body(he_ref, re_ref, head_ref, head1r_ref, ent_ref, s4_ref, gt_ref):
    j = pl.program_id(0)
    lhs = he_ref[...] * re_ref[...]
    ent = ent_ref[...]
    sA = jax.lax.dot_general(
        lhs,
        ent,
        dimension_numbers=(((1,), (1,)), ((), ())),
        preferred_element_type=jnp.float32,
        precision=jax.lax.Precision.DEFAULT,
    )
    col = j * CHUNK + jax.lax.broadcasted_iota(jnp.int32, (BATCH, CHUNK), 1)
    sA = jnp.where((col == head_ref[...]) | (col >= NUM_ENT), -jnp.inf, sA)
    for ctl in range(GPC):
        s4_ref[:, ctl] = sA[:, ctl * GL:(ctl + 1) * GL].reshape(RT, 8, GL)
    sB = jax.lax.dot_general(
        ent,
        lhs,
        dimension_numbers=(((1,), (1,)), ((), ())),
        preferred_element_type=jnp.float32,
        precision=jax.lax.Precision.DEFAULT,
    )
    row = j * CHUNK + jax.lax.broadcasted_iota(jnp.int32, (CHUNK, BATCH), 0)
    sB = jnp.where((row == head1r_ref[...]) | (row >= NUM_ENT), -jnp.inf, sB)
    gt_ref[...] = jnp.max(sB.reshape(GPC, GL, BATCH), axis=1)


def _k1(he, re, head2d, head1r, entity_emb):
    return pl.pallas_call(
        _k1_body,
        grid=(NCHUNK,),
        in_specs=[
            pl.BlockSpec((BATCH, DIM), lambda j: (0, 0)),
            pl.BlockSpec((BATCH, DIM), lambda j: (0, 0)),
            pl.BlockSpec((BATCH, 1), lambda j: (0, 0)),
            pl.BlockSpec((1, BATCH), lambda j: (0, 0)),
            pl.BlockSpec((CHUNK, DIM), lambda j: (j, 0)),
        ],
        out_specs=[
            pl.BlockSpec((RT, GPC, 8, GL), lambda j: (0, j, 0, 0)),
            pl.BlockSpec((GPC, BATCH), lambda j: (j, 0)),
        ],
        out_shape=[
            jax.ShapeDtypeStruct((RT, NG, 8, GL), jnp.float32),
            jax.ShapeDtypeStruct((NG, BATCH), jnp.float32),
        ],
    )(he, re, head2d, head1r, entity_emb)


def _k2a_body(gt_ref, gid_ref):
    G = gt_ref[...]
    riota = jax.lax.broadcasted_iota(jnp.int32, (NG, BATCH), 0)
    kio = jax.lax.broadcasted_iota(jnp.int32, (NGK, BATCH), 0)

    def round_fn(r, carry):
        G, ids = carry
        m = jnp.max(G, axis=0, keepdims=True)
        a = jnp.min(
            jnp.where(G == m, riota, NG), axis=0, keepdims=True
        )
        G = jnp.where(riota == a, -jnp.inf, G)
        ids = jnp.where(kio == r, a, ids)
        return G, ids

    _, ids = jax.lax.fori_loop(
        0, NGK, round_fn, (G, jnp.zeros((NGK, BATCH), jnp.int32))
    )
    rank = jnp.zeros((NGK, BATCH), jnp.int32)
    for j in range(NGK):
        rank = rank + (ids[j:j + 1, :] < ids).astype(jnp.int32)
    out = jnp.zeros((NGK, BATCH), jnp.int32)
    for j in range(NGK):
        out = jnp.where(kio == rank[j:j + 1, :], ids[j:j + 1, :], out)
    gid_ref[...] = out


def _k2a(gt):
    return pl.pallas_call(
        _k2a_body,
        grid=(1,),
        in_specs=[pl.BlockSpec((NG, BATCH), lambda i: (0, 0))],
        out_specs=pl.BlockSpec((NGK, BATCH), lambda i: (0, 0)),
        out_shape=jax.ShapeDtypeStruct((NGK, BATCH), jnp.int32),
    )(gt)


def _sc_compact(s2d, fidx):
    nidx = BATCH * NGK
    mesh = plsc.VectorSubcoreMesh(core_axis_name="core", subcore_axis_name="subcore")

    @pl.kernel(
        out_type=jax.ShapeDtypeStruct((nidx, GL), jnp.float32),
        mesh=mesh,
    )
    def compact_kernel(s_hbm, i_hbm, o_hbm):
        def body(iv, ov):
            pltpu.sync_copy(s_hbm.at[iv.at[0]], ov)

        pltpu.emit_pipeline(
            body,
            grid=(nidx // CWIN,),
            in_specs=[pl.BlockSpec((1, CWIN), lambda i: (0, i))],
            out_specs=[pl.BlockSpec((CWIN, GL), lambda i: (i, 0))],
            core_axis_name=("core", "subcore"),
            dimension_semantics=(pltpu.PARALLEL,),
        )(i_hbm, o_hbm)

    return compact_kernel(s2d, fidx)


def _k2b_body(c2_ref, gid_ref, ov_ref, oi_ref):
    c2 = c2_ref[...]
    gids = gid_ref[...]
    fliota = jax.lax.broadcasted_iota(jnp.int32, (RB, NCAND), 1)
    kiota = jax.lax.broadcasted_iota(jnp.int32, (RB, K), 1)

    def round_fn(r, carry):
        c2, av, ai = carry
        v = jnp.max(c2, axis=1)[:, None]
        p = jnp.argmax(c2, axis=1).astype(jnp.int32)[:, None]
        c2 = jnp.where(fliota == p, -jnp.inf, c2)
        g = jnp.take_along_axis(gids, p // GL, axis=1)
        av = jnp.where(kiota == r, v, av)
        ai = jnp.where(kiota == r, g * GL + p % GL, ai)
        return c2, av, ai

    _, av, ai = jax.lax.fori_loop(
        0,
        K,
        round_fn,
        (c2, jnp.zeros((RB, K), jnp.float32), jnp.zeros((RB, K), jnp.int32)),
    )
    ov_ref[...] = av
    oi_ref[...] = ai


def _k2b(c2, gids):
    return pl.pallas_call(
        _k2b_body,
        grid=(BATCH // RB,),
        in_specs=[
            pl.BlockSpec((RB, NCAND), lambda i: (i, 0)),
            pl.BlockSpec((RB, NGK), lambda i: (i, 0)),
        ],
        out_specs=[
            pl.BlockSpec((RB, K), lambda i: (i, 0)),
            pl.BlockSpec((RB, K), lambda i: (i, 0)),
        ],
        out_shape=[
            jax.ShapeDtypeStruct((BATCH, K), jnp.float32),
            jax.ShapeDtypeStruct((BATCH, K), jnp.int32),
        ],
    )(c2, gids)


def kernel(head, chain, k, entity_emb, rel_emb):
    del k
    he, re = _sc_gather_lhs(head, chain, entity_emb, rel_emb)
    head2d = head.reshape(BATCH, 1).astype(jnp.int32)
    head1r = head.reshape(1, BATCH).astype(jnp.int32)
    s4, gt = _k1(he, re, head2d, head1r, entity_emb)
    gidsT = _k2a(gt)
    gids = gidsT.T
    r = jnp.arange(BATCH, dtype=jnp.int32)[:, None]
    fidx = ((r // 8) * TPG + 8 * gids + (r % 8)).reshape(1, -1)
    cand = _sc_compact(s4.reshape(RT * NG * 8, GL), fidx)
    c2 = cand.reshape(BATCH, NCAND)
    return _k2b(c2, gids)

# --- scband reference (transcript-rebuilt; emitter-appended) ---
"""Pipeline reference for scband-base-qamodel-86895778332855 (READ-ONLY COPY).

The authoritative reference and input builder live on the scoring server;
editing this copy changes nothing except your own understanding.
"""

import jax, jax.numpy as jnp
import numpy as np

NUM_ENTITIES = 100000
NUM_RELATIONS = 1000
DIM = 512
BATCH = 1024
TOPK = 50


def setup_inputs(seed: int = 0) -> dict:
    key = jax.random.key(seed)
    k1, k2, k3, k4 = jax.random.split(key, 4)
    head = jax.random.randint(k1, (BATCH,), 0, NUM_ENTITIES, dtype=jnp.int64 if jax.config.jax_enable_x64 else jnp.int32)
    chain = jax.random.randint(k2, (BATCH,), 0, NUM_RELATIONS, dtype=jnp.int64 if jax.config.jax_enable_x64 else jnp.int32)
    entity_emb = jax.random.normal(k3, (NUM_ENTITIES, DIM), dtype=jnp.float32) * 0.05
    rel_emb = jax.random.normal(k4, (NUM_RELATIONS, DIM), dtype=jnp.float32) * 0.05
    return {"head": head, "chain": chain, "k": TOPK, "entity_emb": entity_emb, "rel_emb": rel_emb}


def reference(head, chain, k, entity_emb, rel_emb):
    # KGQA scoring step (get_score_ranked3 + masking + topk from get_score_ranked_complex):
    # lhs_e = get_queries(head, relation_emb)  [DistMult-style elementwise query]
    relation_embedding = jnp.take(rel_emb, chain, axis=0)          # gather [B, D]
    head_embedding = jnp.take(entity_emb, head, axis=0)            # gather [B, D]
    lhs_e = head_embedding * relation_embedding                    # [B, D]
    # rhs_e = get_rhs(); similarity_score = lhs_e @ rhs_e.T
    scores = lhs_e @ entity_emb.T                                  # [B, N] compute-heavy
    # mask the source head entity: s1[:, head] = -inf
    batch_idx = jnp.arange(head.shape[0])
    scores = scores.at[batch_idx, head].set(-jnp.inf)
    # scores, idx = torch.topk(scores, k=k, largest=True)
    top_scores, top_idx = jax.lax.top_k(scores, TOPK)
    top_idx = top_idx + jnp.asarray(k, dtype=top_idx.dtype) * 0
    return top_scores, top_idx

if __name__ == "__main__":
    import jax
    _d = setup_inputs()
    print(jax.jit(kernel)(*tuple(_d.values())))

</pallas_src>

<mosaic_0001>
#map = affine_map<(d0, d1) -> (0, 0)>
module attributes {stable_mosaic.version = 14 : i64} {
  func.func @gather_kernel(%arg0: i32, %arg1: i32, %arg2: memref<400000x128xf32, #tpu.memory_space<hbm>>, %arg3: memref<4000x128xf32, #tpu.memory_space<hbm>>, %arg4: memref<1x4096xi32, #tpu.memory_space<hbm>>, %arg5: memref<1x4096xi32, #tpu.memory_space<hbm>>, %arg6: memref<4096x128xf32, #tpu.memory_space<hbm>>, %arg7: memref<4096x128xf32, #tpu.memory_space<hbm>>) attributes {dimension_semantics = [#tpu.dimension_semantics<core_parallel>, #tpu.dimension_semantics<subcore_parallel>], iteration_bounds = array<i64: 2, 16>, scalar_prefetch = 0 : i64, scratch_operands = 0 : i64, tpu.core_type = #tpu.core_type<sc_vector_subcore>, window_params = [{transform_indices = #map}, {transform_indices = #map}, {transform_indices = #map}, {transform_indices = #map}, {transform_indices = #map}, {transform_indices = #map}]} {
    %mul3A = arith.constant 1 : i32
    %mul3A_0 = arith.muli %arg1, %mul3A : i32
    %add3A = arith.constant 0 : i32
    %add3A_1 = arith.addi %add3A, %mul3A_0 : i32
    %mul3A_2 = arith.constant 16 : i32
    %mul3A_3 = arith.muli %arg0, %mul3A_2 : i32
    %add3A_4 = arith.addi %add3A_1, %mul3A_3 : i32
    %mul3A_5 = arith.constant 1 : i32
    %mul3A_6 = arith.muli %add3A_4, %mul3A_5 : i32
    "tpu.region"() ({
      %run_scoped3A = memref.alloca() : memref<2x1x128xi32, #tpu.memory_space<vmem>>
      %run_scoped3A_7 = tpu.sem_alloc : memref<2x!tpu.dma_semaphore, #tpu.memory_space<semaphore_mem>>
      %run_scoped3A_8 = memref.alloca() : memref<2x1x128xi32, #tpu.memory_space<vmem>>
      %run_scoped3A_9 = tpu.sem_alloc : memref<2x!tpu.dma_semaphore, #tpu.memory_space<semaphore_mem>>
      %run_scoped3A_10 = memref.alloca() : memref<2x128x128xf32, #tpu.memory_space<vmem>>
      %run_scoped3A_11 = tpu.sem_alloc : memref<2x!tpu.dma_semaphore, #tpu.memory_space<semaphore_mem>>
      %run_scoped3A_12 = memref.alloca() : memref<2x128x128xf32, #tpu.memory_space<vmem>>
      %run_scoped3A_13 = tpu.sem_alloc : memref<2x!tpu.dma_semaphore, #tpu.memory_space<semaphore_mem>>
      %add3A_14 = arith.constant 0 : i32
      %add3A_15 = arith.addi %add3A_14, %mul3A_6 : i32
      %select_n3A = arith.constant true
      %select_n3A_16 = arith.constant 0 : i32
      %select_n3A_17 = arith.constant -1 : i32
      %select_n3A_18 = arith.select %select_n3A, %select_n3A_17, %select_n3A_16 : i32
      %eq3A = arith.constant -1 : i32
      %eq3A_19 = arith.cmpi eq, %select_n3A_18, %eq3A : i32
      %select_n3A_20 = arith.constant 0 : i32
      %select_n3A_21 = arith.select %eq3A_19, %select_n3A_20, %select_n3A_18 : i32
      %add3A_22 = arith.constant 0 : i32
      %add3A_23 = arith.addi %add3A_22, %mul3A_6 : i32
      %select_n3A_24 = arith.constant true
      %select_n3A_25 = arith.constant 0 : i32
      %select_n3A_26 = arith.constant 1 : i32
      %select_n3A_27 = arith.select %select_n3A_24, %select_n3A_26, %select_n3A_25 : i32
      %eq3A_28 = arith.constant 1 : i32
      %eq3A_29 = arith.cmpi eq, %select_n3A_27, %eq3A_28 : i32
      %select_n3A_30 = arith.constant 0 : i32
      %select_n3A_31 = arith.select %eq3A_29, %select_n3A_30, %select_n3A_27 : i32
      %add3A_32 = arith.constant 0 : i32
      %add3A_33 = arith.addi %add3A_32, %mul3A_6 : i32
      %select_n3A_34 = arith.constant true
      %select_n3A_35 = arith.constant 0 : i32
      %select_n3A_36 = arith.constant 1 : i32
      %select_n3A_37 = arith.select %select_n3A_34, %select_n3A_36, %select_n3A_35 : i32
      %eq3A_38 = arith.constant 1 : i32
      %eq3A_39 = arith.cmpi eq, %select_n3A_37, %eq3A_38 : i32
      %select_n3A_40 = arith.constant 0 : i32
      %select_n3A_41 = arith.select %eq3A_39, %select_n3A_40, %select_n3A_37 : i32
      %add3A_42 = arith.constant 0 : i32
      %add3A_43 = arith.addi %add3A_42, %mul3A_6 : i32
      "tpu.trace_start"() <{level = 10 : i32, message = "ep_initialize_0"}> : () -> ()
      %rem3A = arith.constant 0 : i32
      %rem3A_44 = arith.constant 2 : i32
      %rem3A_45 = arith.remui %rem3A, %rem3A_44 : i32
      %mul3A_46 = arith.constant 128 : i32
      %mul3A_47 = arith.muli %mul3A_46, %add3A_15 : i32
      %dma_start3A = arith.constant 0 : i32
      %dma_start3A_48 = arith.constant 0 : i32
      %dma_start3A_49 = tpu.memref_slice %run_scoped3A[%rem3A_45, %dma_start3A, %dma_start3A_48] : memref<2x1x128xi32, #tpu.memory_space<vmem>> -> memref<1x1x128xi32, #tpu.memory_space<vmem>>
      %dma_start3A_50 = tpu.memref_squeeze %dma_start3A_49 : memref<1x1x128xi32, #tpu.memory_space<vmem>> -> memref<1x128xi32, #tpu.memory_space<vmem>>
      %dma_start3A_51 = arith.constant 0 : i32
      %dma_start3A_52 = tpu.memref_slice %arg4[%dma_start3A_51, %mul3A_47] : memref<1x4096xi32, #tpu.memory_space<hbm>> -> memref<1x128xi32, #tpu.memory_space<hbm>>
      %dma_start3A_53 = tpu.memref_slice %run_scoped3A_7[%rem3A_45] : memref<2x!tpu.dma_semaphore, #tpu.memory_space<semaphore_mem>> -> memref<1x!tpu.dma_semaphore, #tpu.memory_space<semaphore_mem>>
      %dma_start3A_54 = tpu.memref_squeeze %dma_start3A_53 : memref<1x!tpu.dma_semaphore, #tpu.memory_space<semaphore_mem>> -> memref<!tpu.dma_semaphore, #tpu.memory_space<semaphore_mem>>
      %dma_start3A_55 = arith.constant 0 : i32
      %dma_start3A_56 = arith.constant 0 : i32
      %dma_start3A_57 = tpu.memref_slice %run_scoped3A[%rem3A_45, %dma_start3A_55, %dma_start3A_56] : memref<2x1x128xi32, #tpu.memory_space<vmem>> -> memref<1x1x128xi32, #tpu.memory_space<vmem>>
      %dma_start3A_58 = tpu.memref_squeeze %dma_start3A_57 : memref<1x1x128xi32, #tpu.memory_space<vmem>> -> memref<1x128xi32, #tpu.memory_space<vmem>>
      %dma_start3A_59 = arith.constant 0 : i32
      %dma_start3A_60 = tpu.memref_slice %arg4[%dma_start3A_59, %mul3A_47] : memref<1x4096xi32, #tpu.memory_space<hbm>> -> memref<1x128xi32, #tpu.memory_space<hbm>>
      tpu.enqueue_dma source(%dma_start3A_60 : memref<1x128xi32, #tpu.memory_space<hbm>>) target(%dma_start3A_58 : memref<1x128xi32, #tpu.memory_space<vmem>>) target_semaphore(%dma_start3A_54 : memref<!tpu.dma_semaphore, #tpu.memory_space<semaphore_mem>>)
      %add3A_61 = arith.constant 0 : i32
      %add3A_62 = arith.constant 1 : i32
      %add3A_63 = arith.addi %add3A_61, %add3A_62 : i32
      %select_n3A_64 = arith.constant true
      %select_n3A_65 = arith.constant 0 : i32
      %select_n3A_66 = arith.select %select_n3A_64, %add3A_63, %select_n3A_65 : i32
      %rem3A_67 = arith.constant 0 : i32
      %rem3A_68 = arith.constant 2 : i32
      %rem3A_69 = arith.remui %rem3A_67, %rem3A_68 : i32
      %mul3A_70 = arith.constant 128 : i32
      %mul3A_71 = arith.muli %mul3A_70, %add3A_15 : i32
      %dma_start3A_72 = arith.constant 0 : i32
      %dma_start3A_73 = arith.constant 0 : i32
      %dma_start3A_74 = tpu.memref_slice %run_scoped3A_8[%rem3A_69, %dma_start3A_72, %dma_start3A_73] : memref<2x1x128xi32, #tpu.memory_space<vmem>> -> memref<1x1x128xi32, #tpu.memory_space<vmem>>
      %dma_start3A_75 = tpu.memref_squeeze %dma_start3A_74 : memref<1x1x128xi32, #tpu.memory_space<vmem>> -> memref<1x128xi32, #tpu.memory_space<vmem>>
      %dma_start3A_76 = arith.constant 0 : i32
      %dma_start3A_77 = tpu.memref_slice %arg5[%dma_start3A_76, %mul3A_71] : memref<1x4096xi32, #tpu.memory_space<hbm>> -> memref<1x128xi32, #tpu.memory_space<hbm>>
      %dma_start3A_78 = tpu.memref_slice %run_scoped3A_9[%rem3A_69] : memref<2x!tpu.dma_semaphore, #tpu.memory_space<semaphore_mem>> -> memref<1x!tpu.dma_semaphore, #tpu.memory_space<semaphore_mem>>
      %dma_start3A_79 = tpu.memref_squeeze %dma_start3A_78 : memref<1x!tpu.dma_semaphore, #tpu.memory_space<semaphore_mem>> -> memref<!tpu.dma_semaphore, #tpu.memory_space<semaphore_mem>>
      %dma_start3A_80 = arith.constant 0 : i32
      %dma_start3A_81 = arith.constant 0 : i32
      %dma_start3A_82 = tpu.memref_slice %run_scoped3A_8[%rem3A_69, %dma_start3A_80, %dma_start3A_81] : memref<2x1x128xi32, #tpu.memory_space<vmem>> -> memref<1x1x128xi32, #tpu.memory_space<vmem>>
      %dma_start3A_83 = tpu.memref_squeeze %dma_start3A_82 : memref<1x1x128xi32, #tpu.memory_space<vmem>> -> memref<1x128xi32, #tpu.memory_space<vmem>>
      %dma_start3A_84 = arith.constant 0 : i32
      %dma_start3A_85 = tpu.memref_slice %arg5[%dma_start3A_84, %mul3A_71] : memref<1x4096xi32, #tpu.memory_space<hbm>> -> memref<1x128xi32, #tpu.memory_space<hbm>>
      tpu.enqueue_dma source(%dma_start3A_85 : memref<1x128xi32, #tpu.memory_space<hbm>>) target(%dma_start3A_83 : memref<1x128xi32, #tpu.memory_space<vmem>>) target_semaphore(%dma_start3A_79 : memref<!tpu.dma_semaphore, #tpu.memory_space<semaphore_mem>>)
      %add3A_86 = arith.constant 0 : i32
      %add3A_87 = arith.constant 1 : i32
      %add3A_88 = arith.addi %add3A_86, %add3A_87 : i32
      %select_n3A_89 = arith.constant true
      %select_n3A_90 = arith.constant 0 : i32
      %select_n3A_91 = arith.select %select_n3A_89, %add3A_88, %select_n3A_90 : i32
      "tpu.trace_stop"() : () -> ()
      %scan3A = arith.constant 0 : i32
      %scan3A_92 = arith.constant 0 : i32
      %scan3A_93 = arith.constant 0 : i32
      %scan3A_94 = arith.constant 0 : i32
      %scan3A_95 = arith.constant 0 : i32
      %scan3A_96 = arith.constant 0 : i32
      %scan3A_97 = arith.constant 0 : i32
      %scan3A_98 = arith.constant 0 : i32
      %eq3A_99 = arith.constant 0 : i32
      %eq3A_100 = arith.cmpi eq, %scan3A_98, %eq3A_99 : i32
      %eq3A_101 = arith.constant 0 : i32
      %eq3A_102 = arith.cmpi eq, %scan3A_98, %eq3A_101 : i32
      %add3A_103 = arith.constant 0 : i32
      %add3A_104 = arith.addi %add3A_103, %mul3A_6 : i32
      %select_n3A_105 = arith.constant true
      %select_n3A_106 = arith.constant 0 : i32
      %select_n3A_107 = arith.constant -1 : i32
      %select_n3A_108 = arith.select %select_n3A_105, %select_n3A_107, %select_n3A_106 : i32
      %eq3A_109 = arith.constant -1 : i32
      %eq3A_110 = arith.cmpi eq, %select_n3A_108, %eq3A_109 : i32
      %select_n3A_111 = arith.constant 0 : i32
      %select_n3A_112 = arith.select %eq3A_110, %select_n3A_111, %select_n3A_108 : i32
      %add3A_113 = arith.constant 0 : i32
      %add3A_114 = arith.addi %add3A_113, %mul3A_6 : i32
      %select_n3A_115 = arith.constant true
      %select_n3A_116 = arith.constant 0 : i32
      %select_n3A_117 = arith.constant 1 : i32
      %select_n3A_118 = arith.select %select_n3A_115, %select_n3A_117, %select_n3A_116 : i32
      %eq3A_119 = arith.constant 1 : i32
      %eq3A_120 = arith.cmpi eq, %select_n3A_118, %eq3A_119 : i32
      %select_n3A_121 = arith.constant 0 : i32
      %select_n3A_122 = arith.select %eq3A_120, %select_n3A_121, %select_n3A_118 : i32
      %add3A_123 = arith.constant 0 : i32
      %add3A_124 = arith.addi %add3A_123, %mul3A_6 : i32
      %select_n3A_125 = arith.constant true
      %select_n3A_126 = arith.constant 0 : i32
      %select_n3A_127 = arith.constant 1 : i32
      %select_n3A_128 = arith.select %select_n3A_125, %select_n3A_127, %select_n3A_126 : i32
      %eq3A_129 = arith.constant 1 : i32
      %eq3A_130 = arith.cmpi eq, %select_n3A_128, %eq3A_129 : i32
      %select_n3A_131 = arith.constant 0 : i32
      %select_n3A_132 = arith.select %eq3A_130, %select_n3A_131, %select_n3A_128 : i32
      %add3A_133 = arith.constant 0 : i32
      %add3A_134 = arith.addi %add3A_133, %mul3A_6 : i32
      %ne3A = arith.cmpi ne, %add3A_104, %add3A_124 : i32
      %or3A = arith.constant false
      %or3A_135 = arith.ori %or3A, %ne3A : i1
      %ge3A = arith.constant 0 : i32
      %ge3A_136 = arith.cmpi sge, %scan3A_98, %ge3A : i32
      %not3A = arith.constant true
      %not3A_137 = arith.xori %ge3A_136, %not3A : i1
      %and3A = arith.andi %or3A_135, %not3A_137 : i1
      %convert_element_type3A = arith.extui %and3A : i1 to i32
      %cond3A = arith.constant 0 : i32
      %cond3A_138 = arith.cmpi ne, %convert_element_type3A, %cond3A : i32
      scf.if %cond3A_138 {
        "tpu.trace_start"() <{level = 10 : i32, message = "ep_copy_in"}> : () -> ()
        %rem3A_420 = arith.constant 2 : i32
        %rem3A_421 = arith.remui %select_n3A_66, %rem3A_420 : i32
        %mul3A_422 = arith.constant 128 : i32
        %mul3A_423 = arith.muli %mul3A_422, %add3A_124 : i32
        %dma_start3A_424 = arith.constant 0 : i32
        %dma_start3A_425 = arith.constant 0 : i32
        %dma_start3A_426 = tpu.memref_slice %run_scoped3A[%rem3A_421, %dma_start3A_424, %dma_start3A_425] : memref<2x1x128xi32, #tpu.memory_space<vmem>> -> memref<1x1x128xi32, #tpu.memory_space<vmem>>
        %dma_start3A_427 = tpu.memref_squeeze %dma_start3A_426 : memref<1x1x128xi32, #tpu.memory_space<vmem>> -> memref<1x128xi32, #tpu.memory_space<vmem>>
        %dma_start3A_428 = arith.constant 0 : i32
        %dma_start3A_429 = tpu.memref_slice %arg4[%dma_start3A_428, %mul3A_423] : memref<1x4096xi32, #tpu.memory_space<hbm>> -> memref<1x128xi32, #tpu.memory_space<hbm>>
        %dma_start3A_430 = tpu.memref_slice %run_scoped3A_7[%rem3A_421] : memref<2x!tpu.dma_semaphore, #tpu.memory_space<semaphore_mem>> -> memref<1x!tpu.dma_semaphore, #tpu.memory_space<semaphore_mem>>
        %dma_start3A_431 = tpu.memref_squeeze %dma_start3A_430 : memref<1x!tpu.dma_semaphore, #tpu.memory_space<semaphore_mem>> -> memref<!tpu.dma_semaphore, #tpu.memory_space<semaphore_mem>>
        %dma_start3A_432 = arith.constant 0 : i32
        %dma_start3A_433 = arith.constant 0 : i32
        %dma_start3A_434 = tpu.memref_slice %run_scoped3A[%rem3A_421, %dma_start3A_432, %dma_start3A_433] : memref<2x1x128xi32, #tpu.memory_space<vmem>> -> memref<1x1x128xi32, #tpu.memory_space<vmem>>
        %dma_start3A_435 = tpu.memref_squeeze %dma_start3A_434 : memref<1x1x128xi32, #tpu.memory_space<vmem>> -> memref<1x128xi32, #tpu.memory_space<vmem>>
        %dma_start3A_436 = arith.constant 0 : i32
        %dma_start3A_437 = tpu.memref_slice %arg4[%dma_start3A_436, %mul3A_423] : memref<1x4096xi32, #tpu.memory_space<hbm>> -> memref<1x128xi32, #tpu.memory_space<hbm>>
        tpu.enqueue_dma source(%dma_start3A_437 : memref<1x128xi32, #tpu.memory_space<hbm>>) target(%dma_start3A_435 : memref<1x128xi32, #tpu.memory_space<vmem>>) target_semaphore(%dma_start3A_431 : memref<!tpu.dma_semaphore, #tpu.memory_space<semaphore_mem>>)
        "tpu.trace_stop"() : () -> ()
      } else {
      }
      %and3A_139 = arith.constant true
      %and3A_140 = arith.andi %and3A, %and3A_139 : i1
      %add3A_141 = arith.constant 1 : i32
      %add3A_142 = arith.addi %select_n3A_66, %add3A_141 : i32
      %select_n3A_143 = arith.select %and3A_140, %add3A_142, %select_n3A_66 : i32
      %ne3A_144 = arith.cmpi ne, %add3A_104, %add3A_124 : i32
      %or3A_145 = arith.constant false
      %or3A_146 = arith.ori %or3A_145, %ne3A_144 : i1
      %ge3A_147 = arith.constant 0 : i32
      %ge3A_148 = arith.cmpi sge, %scan3A_98, %ge3A_147 : i32
      %not3A_149 = arith.constant true
      %not3A_150 = arith.xori %ge3A_148, %not3A_149 : i1
      %and3A_151 = arith.andi %or3A_146, %not3A_150 : i1
      %convert_element_type3A_152 = arith.extui %and3A_151 : i1 to i32
      %cond3A_153 = arith.constant 0 : i32
      %cond3A_154 = arith.cmpi ne, %convert_element_type3A_152, %cond3A_153 : i32
      scf.if %cond3A_154 {
        "tpu.trace_start"() <{level = 10 : i32, message = "ep_copy_in"}> : () -> ()
        %rem3A_420 = arith.constant 2 : i32
        %rem3A_421 = arith.remui %select_n3A_91, %rem3A_420 : i32
        %mul3A_422 = arith.constant 128 : i32
        %mul3A_423 = arith.muli %mul3A_422, %add3A_124 : i32
        %dma_start3A_424 = arith.constant 0 : i32
        %dma_start3A_425 = arith.constant 0 : i32
        %dma_start3A_426 = tpu.memref_slice %run_scoped3A_8[%rem3A_421, %dma_start3A_424, %dma_start3A_425] : memref<2x1x128xi32, #tpu.memory_space<vmem>> -> memref<1x1x128xi32, #tpu.memory_space<vmem>>
        %dma_start3A_427 = tpu.memref_squeeze %dma_start3A_426 : memref<1x1x128xi32, #tpu.memory_space<vmem>> -> memref<1x128xi32, #tpu.memory_space<vmem>>
        %dma_start3A_428 = arith.constant 0 : i32
        %dma_start3A_429 = tpu.memref_slice %arg5[%dma_start3A_428, %mul3A_423] : memref<1x4096xi32, #tpu.memory_space<hbm>> -> memref<1x128xi32, #tpu.memory_space<hbm>>
        %dma_start3A_430 = tpu.memref_slice %run_scoped3A_9[%rem3A_421] : memref<2x!tpu.dma_semaphore, #tpu.memory_space<semaphore_mem>> -> memref<1x!tpu.dma_semaphore, #tpu.memory_space<semaphore_mem>>
        %dma_start3A_431 = tpu.memref_squeeze %dma_start3A_430 : memref<1x!tpu.dma_semaphore, #tpu.memory_space<semaphore_mem>> -> memref<!tpu.dma_semaphore, #tpu.memory_space<semaphore_mem>>
        %dma_start3A_432 = arith.constant 0 : i32
        %dma_start3A_433 = arith.constant 0 : i32
        %dma_start3A_434 = tpu.memref_slice %run_scoped3A_8[%rem3A_421, %dma_start3A_432, %dma_start3A_433] : memref<2x1x128xi32, #tpu.memory_space<vmem>> -> memref<1x1x128xi32, #tpu.memory_space<vmem>>
        %dma_start3A_435 = tpu.memref_squeeze %dma_start3A_434 : memref<1x1x128xi32, #tpu.memory_space<vmem>> -> memref<1x128xi32, #tpu.memory_space<vmem>>
        %dma_start3A_436 = arith.constant 0 : i32
        %dma_start3A_437 = tpu.memref_slice %arg5[%dma_start3A_436, %mul3A_423] : memref<1x4096xi32, #tpu.memory_space<hbm>> -> memref<1x128xi32, #tpu.memory_space<hbm>>
        tpu.enqueue_dma source(%dma_start3A_437 : memref<1x128xi32, #tpu.memory_space<hbm>>) target(%dma_start3A_435 : memref<1x128xi32, #tpu.memory_space<vmem>>) target_semaphore(%dma_start3A_431 : memref<!tpu.dma_semaphore, #tpu.memory_space<semaphore_mem>>)
        "tpu.trace_stop"() : () -> ()
      } else {
      }
      %and3A_155 = arith.constant true
      %and3A_156 = arith.andi %and3A_151, %and3A_155 : i1
      %add3A_157 = arith.constant 1 : i32
      %add3A_158 = arith.addi %select_n3A_91, %add3A_157 : i32
      %select_n3A_159 = arith.select %and3A_156, %add3A_158, %select_n3A_91 : i32
      %ne3A_160 = arith.cmpi ne, %add3A_104, %add3A_124 : i32
      %or3A_161 = arith.constant false
      %or3A_162 = arith.ori %or3A_161, %ne3A_160 : i1
      %or3A_163 = arith.constant false
      %or3A_164 = arith.ori %or3A_162, %or3A_163 : i1
      %ge3A_165 = arith.constant 0 : i32
      %ge3A_166 = arith.cmpi sge, %scan3A_98, %ge3A_165 : i32
      %not3A_167 = arith.constant true
      %not3A_168 = arith.xori %ge3A_166, %not3A_167 : i1
      %and3A_169 = arith.andi %or3A_164, %not3A_168 : i1
      %ne3A_170 = arith.cmpi ne, %add3A_104, %add3A_124 : i32
      %or3A_171 = arith.constant false
      %or3A_172 = arith.ori %or3A_171, %ne3A_170 : i1
      %or3A_173 = arith.constant false
      %or3A_174 = arith.ori %or3A_172, %or3A_173 : i1
      %ge3A_175 = arith.constant 0 : i32
      %ge3A_176 = arith.cmpi sge, %scan3A_98, %ge3A_175 : i32
      %not3A_177 = arith.constant true
      %not3A_178 = arith.xori %ge3A_176, %not3A_177 : i1
      %and3A_179 = arith.andi %or3A_174, %not3A_178 : i1
      %ne3A_180 = arith.cmpi ne, %add3A_104, %add3A_114 : i32
      %or3A_181 = arith.constant false
      %or3A_182 = arith.ori %or3A_181, %ne3A_180 : i1
      %or3A_183 = arith.ori %or3A_182, %eq3A_100 : i1
      %convert_element_type3A_184 = arith.extui %or3A_183 : i1 to i32
      %cond3A_185 = arith.constant 0 : i32
      %cond3A_186 = arith.cmpi ne, %convert_element_type3A_184, %cond3A_185 : i32
      scf.if %cond3A_186 {
        "tpu.trace_start"() <{level = 10 : i32, message = "ep_wait_in"}> : () -> ()
        %mul3A_420 = arith.constant 128 : i32
        %mul3A_421 = arith.muli %mul3A_420, %add3A_104 : i32
        %rem3A_422 = arith.constant 2 : i32
        %rem3A_423 = arith.remui %scan3A, %rem3A_422 : i32
        %dma_wait3A_424 = arith.constant 0 : i32
        %dma_wait3A_425 = arith.constant 0 : i32
        %dma_wait3A_426 = tpu.memref_slice %run_scoped3A[%rem3A_423, %dma_wait3A_424, %dma_wait3A_425] : memref<2x1x128xi32, #tpu.memory_space<vmem>> -> memref<1x1x128xi32, #tpu.memory_space<vmem>>
        %dma_wait3A_427 = tpu.memref_squeeze %dma_wait3A_426 : memref<1x1x128xi32, #tpu.memory_space<vmem>> -> memref<1x128xi32, #tpu.memory_space<vmem>>
        %dma_wait3A_428 = arith.constant 0 : i32
        %dma_wait3A_429 = tpu.memref_slice %arg4[%dma_wait3A_428, %mul3A_421] : memref<1x4096xi32, #tpu.memory_space<hbm>> -> memref<1x128xi32, #tpu.memory_space<hbm>>
        %dma_wait3A_430 = tpu.memref_slice %run_scoped3A_7[%rem3A_423] : memref<2x!tpu.dma_semaphore, #tpu.memory_space<semaphore_mem>> -> memref<1x!tpu.dma_semaphore, #tpu.memory_space<semaphore_mem>>
        %dma_wait3A_431 = tpu.memref_squeeze %dma_wait3A_430 : memref<1x!tpu.dma_semaphore, #tpu.memory_space<semaphore_mem>> -> memref<!tpu.dma_semaphore, #tpu.memory_space<semaphore_mem>>
        %dma_wait3A_432 = arith.constant 0 : i32
        %dma_wait3A_433 = arith.constant 0 : i32
        %dma_wait3A_434 = tpu.memref_slice %run_scoped3A[%rem3A_423, %dma_wait3A_432, %dma_wait3A_433] : memref<2x1x128xi32, #tpu.memory_space<vmem>> -> memref<1x1x128xi32, #tpu.memory_space<vmem>>
        %dma_wait3A_435 = tpu.memref_squeeze %dma_wait3A_434 : memref<1x1x128xi32, #tpu.memory_space<vmem>> -> memref<1x128xi32, #tpu.memory_space<vmem>>
        %dma_wait3A_436 = arith.constant 0 : i32
        %dma_wait3A_437 = tpu.memref_slice %arg4[%dma_wait3A_436, %mul3A_421] : memref<1x4096xi32, #tpu.memory_space<hbm>> -> memref<1x128xi32, #tpu.memory_space<hbm>>
        tpu.wait_dma2 semaphore(%dma_wait3A_431 : memref<!tpu.dma_semaphore, #tpu.memory_space<semaphore_mem>>) src(%dma_wait3A_437 : memref<1x128xi32, #tpu.memory_space<hbm>>) dst(%dma_wait3A_435 : memref<1x128xi32, #tpu.memory_space<vmem>>)
        "tpu.trace_stop"() : () -> ()
      } else {
      }
      %ne3A_187 = arith.cmpi ne, %add3A_104, %add3A_114 : i32
      %or3A_188 = arith.constant false
      %or3A_189 = arith.ori %or3A_188, %ne3A_187 : i1
      %or3A_190 = arith.ori %or3A_189, %eq3A_100 : i1
      %convert_element_type3A_191 = arith.extui %or3A_190 : i1 to i32
      %cond3A_192 = arith.constant 0 : i32
      %cond3A_193 = arith.cmpi ne, %convert_element_type3A_191, %cond3A_192 : i32
      scf.if %cond3A_193 {
        "tpu.trace_start"() <{level = 10 : i32, message = "ep_wait_in"}> : () -> ()
        %mul3A_420 = arith.constant 128 : i32
        %mul3A_421 = arith.muli %mul3A_420, %add3A_104 : i32
        %rem3A_422 = arith.constant 2 : i32
        %rem3A_423 = arith.remui %scan3A_92, %rem3A_422 : i32
        %dma_wait3A_424 = arith.constant 0 : i32
        %dma_wait3A_425 = arith.constant 0 : i32
        %dma_wait3A_426 = tpu.memref_slice %run_scoped3A_8[%rem3A_423, %dma_wait3A_424, %dma_wait3A_425] : memref<2x1x128xi32, #tpu.memory_space<vmem>> -> memref<1x1x128xi32, #tpu.memory_space<vmem>>
        %dma_wait3A_427 = tpu.memref_squeeze %dma_wait3A_426 : memref<1x1x128xi32, #tpu.memory_space<vmem>> -> memref<1x128xi32, #tpu.memory_space<vmem>>
        %dma_wait3A_428 = arith.constant 0 : i32
        %dma_wait3A_429 = tpu.memref_slice %arg5[%dma_wait3A_428, %mul3A_421] : memref<1x4096xi32, #tpu.memory_space<hbm>> -> memref<1x128xi32, #tpu.memory_space<hbm>>
        %dma_wait3A_430 = tpu.memref_slice %run_scoped3A_9[%rem3A_423] : memref<2x!tpu.dma_semaphore, #tpu.memory_space<semaphore_mem>> -> memref<1x!tpu.dma_semaphore, #tpu.memory_space<semaphore_mem>>
        %dma_wait3A_431 = tpu.memref_squeeze %dma_wait3A_430 : memref<1x!tpu.dma_semaphore, #tpu.memory_space<semaphore_mem>> -> memref<!tpu.dma_semaphore, #tpu.memory_space<semaphore_mem>>
        %dma_wait3A_432 = arith.constant 0 : i32
        %dma_wait3A_433 = arith.constant 0 : i32
        %dma_wait3A_434 = tpu.memref_slice %run_scoped3A_8[%rem3A_423, %dma_wait3A_432, %dma_wait3A_433] : memref<2x1x128xi32, #tpu.memory_space<vmem>> -> memref<1x1x128xi32, #tpu.memory_space<vmem>>
        %dma_wait3A_435 = tpu.memref_squeeze %dma_wait3A_434 : memref<1x1x128xi32, #tpu.memory_space<vmem>> -> memref<1x128xi32, #tpu.memory_space<vmem>>
        %dma_wait3A_436 = arith.constant 0 : i32
        %dma_wait3A_437 = tpu.memref_slice %arg5[%dma_wait3A_436, %mul3A_421] : memref<1x4096xi32, #tpu.memory_space<hbm>> -> memref<1x128xi32, #tpu.memory_space<hbm>>
        tpu.wait_dma2 semaphore(%dma_wait3A_431 : memref<!tpu.dma_semaphore, #tpu.memory_space<semaphore_mem>>) src(%dma_wait3A_437 : memref<1x128xi32, #tpu.memory_space<hbm>>) dst(%dma_wait3A_435 : memref<1x128xi32, #tpu.memory_space<vmem>>)
        "tpu.trace_stop"() : () -> ()
      } else {
      }
      %ne3A_194 = arith.cmpi ne, %add3A_104, %add3A_114 : i32
      %or3A_195 = arith.constant false
      %or3A_196 = arith.ori %or3A_195, %ne3A_194 : i1
      %or3A_197 = arith.constant false
      %or3A_198 = arith.ori %or3A_196, %or3A_197 : i1
      %or3A_199 = arith.ori %or3A_198, %eq3A_100 : i1
      %convert_element_type3A_200 = arith.extui %or3A_199 : i1 to i32
      %cond3A_201 = arith.constant 0 : i32
      %cond3A_202 = arith.cmpi ne, %convert_element_type3A_200, %cond3A_201 : i32
      scf.if %cond3A_202 {
      } else {
      }
      %ne3A_203 = arith.cmpi ne, %add3A_104, %add3A_114 : i32
      %or3A_204 = arith.constant false
      %or3A_205 = arith.ori %or3A_204, %ne3A_203 : i1
      %or3A_206 = arith.constant false
      %or3A_207 = arith.ori %or3A_205, %or3A_206 : i1
      %or3A_208 = arith.ori %or3A_207, %eq3A_100 : i1
      %convert_element_type3A_209 = arith.extui %or3A_208 : i1 to i32
      %cond3A_210 = arith.constant 0 : i32
      %cond3A_211 = arith.cmpi ne, %convert_element_type3A_209, %cond3A_210 : i32
      scf.if %cond3A_211 {
      } else {
      }
      %rem3A_212 = arith.constant 2 : i32
      %rem3A_213 = arith.remui %scan3A, %rem3A_212 : i32
      %rem3A_214 = arith.constant 2 : i32
      %rem3A_215 = arith.remui %scan3A_92, %rem3A_214 : i32
      %rem3A_216 = arith.constant 2 : i32
      %rem3A_217 = arith.remui %scan3A_93, %rem3A_216 : i32
      %rem3A_218 = arith.constant 2 : i32
      %rem3A_219 = arith.remui %scan3A_95, %rem3A_218 : i32
      %run_scoped3A_220 = arith.constant 0 : i32
      "tpu.trace_start"() <{level = 10 : i32, message = "ep_run_kernel"}> : () -> ()
      "tpu.region"() ({
        %run_scoped3A_420 = tpu.sem_alloc : memref<!tpu.dma_semaphore, #tpu.memory_space<semaphore_mem>>
        %dma_start3A_421 = arith.constant 0 : i32
        %dma_start3A_422 = arith.constant 0 : i32
        %dma_start3A_423 = tpu.memref_slice %run_scoped3A_10[%rem3A_217, %dma_start3A_421, %dma_start3A_422] : memref<2x128x128xf32, #tpu.memory_space<vmem>> -> memref<1x128x128xf32, #tpu.memory_space<vmem>>
        %dma_start3A_424 = tpu.memref_squeeze %dma_start3A_423 : memref<1x128x128xf32, #tpu.memory_space<vmem>> -> memref<128x128xf32, #tpu.memory_space<vmem>>
        %dma_start3A_425 = arith.constant 0 : i32
        %dma_start3A_426 = arith.constant 0 : i32
        %dma_start3A_427 = tpu.memref_slice %run_scoped3A[%rem3A_213, %dma_start3A_425, %dma_start3A_426] : memref<2x1x128xi32, #tpu.memory_space<vmem>> -> memref<1x1x128xi32, #tpu.memory_space<vmem>>
        %dma_start3A_428 = tpu.memref_squeeze %dma_start3A_427 : memref<1x1x128xi32, #tpu.memory_space<vmem>> -> memref<1x128xi32, #tpu.memory_space<vmem>>
        %dma_start3A_429 = arith.constant 0 : i32
        %dma_start3A_430 = tpu.memref_slice %dma_start3A_428[%run_scoped3A_220, %dma_start3A_429] : memref<1x128xi32, #tpu.memory_space<vmem>> -> memref<1x128xi32, #tpu.memory_space<vmem>>
        %dma_start3A_431 = tpu.memref_squeeze %dma_start3A_430 : memref<1x128xi32, #tpu.memory_space<vmem>> -> memref<128xi32, #tpu.memory_space<vmem>>
        %dma_start3A_432 = arith.constant 0 : i32
        %dma_start3A_433 = arith.constant 0 : i32
        %dma_start3A_434 = tpu.memref_slice %arg2[%dma_start3A_432, %dma_start3A_433] : memref<400000x128xf32, #tpu.memory_space<hbm>> -> memref<400000x128xf32, #tpu.memory_space<hbm>>
        tpu.enqueue_indirect_dma source(%dma_start3A_434 : memref<400000x128xf32, #tpu.memory_space<hbm>>) target(%dma_start3A_424 : memref<128x128xf32, #tpu.memory_space<vmem>>) offsets(%dma_start3A_431 : memref<128xi32, #tpu.memory_space<vmem>>) semaphore(%run_scoped3A_420 : memref<!tpu.dma_semaphore, #tpu.memory_space<semaphore_mem>>)
        %dma_wait3A_435 = arith.constant 0 : i32
        %dma_wait3A_436 = arith.constant 0 : i32
        %dma_wait3A_437 = tpu.memref_slice %run_scoped3A_10[%rem3A_217, %dma_wait3A_435, %dma_wait3A_436] : memref<2x128x128xf32, #tpu.memory_space<vmem>> -> memref<1x128x128xf32, #tpu.memory_space<vmem>>
        %dma_wait3A_438 = tpu.memref_squeeze %dma_wait3A_437 : memref<1x128x128xf32, #tpu.memory_space<vmem>> -> memref<128x128xf32, #tpu.memory_space<vmem>>
        %dma_wait3A_439 = arith.constant 0 : i32
        %dma_wait3A_440 = arith.constant 0 : i32
        %dma_wait3A_441 = tpu.memref_slice %run_scoped3A[%rem3A_213, %dma_wait3A_439, %dma_wait3A_440] : memref<2x1x128xi32, #tpu.memory_space<vmem>> -> memref<1x1x128xi32, #tpu.memory_space<vmem>>
        %dma_wait3A_442 = tpu.memref_squeeze %dma_wait3A_441 : memref<1x1x128xi32, #tpu.memory_space<vmem>> -> memref<1x128xi32, #tpu.memory_space<vmem>>
        %dma_wait3A_443 = arith.constant 0 : i32
        %dma_wait3A_444 = tpu.memref_slice %dma_wait3A_442[%run_scoped3A_220, %dma_wait3A_443] : memref<1x128xi32, #tpu.memory_space<vmem>> -> memref<1x128xi32, #tpu.memory_space<vmem>>
        %dma_wait3A_445 = tpu.memref_squeeze %dma_wait3A_444 : memref<1x128xi32, #tpu.memory_space<vmem>> -> memref<128xi32, #tpu.memory_space<vmem>>
        %dma_wait3A_446 = arith.constant 0 : i32
        %dma_wait3A_447 = arith.constant 0 : i32
        %dma_wait3A_448 = tpu.memref_slice %arg2[%dma_wait3A_446, %dma_wait3A_447] : memref<400000x128xf32, #tpu.memory_space<hbm>> -> memref<400000x128xf32, #tpu.memory_space<hbm>>
        tpu.wait_indirect_dma semaphore(%run_scoped3A_420 : memref<!tpu.dma_semaphore, #tpu.memory_space<semaphore_mem>>) src(%dma_wait3A_448 : memref<400000x128xf32, #tpu.memory_space<hbm>>) dst(%dma_wait3A_438 : memref<128x128xf32, #tpu.memory_space<vmem>>)
        tpu.yield
      }) : () -> ()
      %run_scoped3A_221 = arith.constant 0 : i32
      "tpu.region"() ({
        %run_scoped3A_420 = tpu.sem_alloc : memref<!tpu.dma_semaphore, #tpu.memory_space<semaphore_mem>>
        %dma_start3A_421 = arith.constant 0 : i32
        %dma_start3A_422 = arith.constant 0 : i32
        %dma_start3A_423 = tpu.memref_slice %run_scoped3A_12[%rem3A_219, %dma_start3A_421, %dma_start3A_422] : memref<2x128x128xf32, #tpu.memory_space<vmem>> -> memref<1x128x128xf32, #tpu.memory_space<vmem>>
        %dma_start3A_424 = tpu.memref_squeeze %dma_start3A_423 : memref<1x128x128xf32, #tpu.memory_space<vmem>> -> memref<128x128xf32, #tpu.memory_space<vmem>>
        %dma_start3A_425 = arith.constant 0 : i32
        %dma_start3A_426 = arith.constant 0 : i32
        %dma_start3A_427 = tpu.memref_slice %run_scoped3A_8[%rem3A_215, %dma_start3A_425, %dma_start3A_426] : memref<2x1x128xi32, #tpu.memory_space<vmem>> -> memref<1x1x128xi32, #tpu.memory_space<vmem>>
        %dma_start3A_428 = tpu.memref_squeeze %dma_start3A_427 : memref<1x1x128xi32, #tpu.memory_space<vmem>> -> memref<1x128xi32, #tpu.memory_space<vmem>>
        %dma_start3A_429 = arith.constant 0 : i32
        %dma_start3A_430 = tpu.memref_slice %dma_start3A_428[%run_scoped3A_221, %dma_start3A_429] : memref<1x128xi32, #tpu.memory_space<vmem>> -> memref<1x128xi32, #tpu.memory_space<vmem>>
        %dma_start3A_431 = tpu.memref_squeeze %dma_start3A_430 : memref<1x128xi32, #tpu.memory_space<vmem>> -> memref<128xi32, #tpu.memory_space<vmem>>
        %dma_start3A_432 = arith.constant 0 : i32
        %dma_start3A_433 = arith.constant 0 : i32
        %dma_start3A_434 = tpu.memref_slice %arg3[%dma_start3A_432, %dma_start3A_433] : memref<4000x128xf32, #tpu.memory_space<hbm>> -> memref<4000x128xf32, #tpu.memory_space<hbm>>
        tpu.enqueue_indirect_dma source(%dma_start3A_434 : memref<4000x128xf32, #tpu.memory_space<hbm>>) target(%dma_start3A_424 : memref<128x128xf32, #tpu.memory_space<vmem>>) offsets(%dma_start3A_431 : memref<128xi32, #tpu.memory_space<vmem>>) semaphore(%run_scoped3A_420 : memref<!tpu.dma_semaphore, #tpu.memory_space<semaphore_mem>>)
        %dma_wait3A_435 = arith.constant 0 : i32
        %dma_wait3A_436 = arith.constant 0 : i32
        %dma_wait3A_437 = tpu.memref_slice %run_scoped3A_12[%rem3A_219, %dma_wait3A_435, %dma_wait3A_436] : memref<2x128x128xf32, #tpu.memory_space<vmem>> -> memref<1x128x128xf32, #tpu.memory_space<vmem>>
        %dma_wait3A_438 = tpu.memref_squeeze %dma_wait3A_437 : memref<1x128x128xf32, #tpu.memory_space<vmem>> -> memref<128x128xf32, #tpu.memory_space<vmem>>
        %dma_wait3A_439 = arith.constant 0 : i32
        %dma_wait3A_440 = arith.constant 0 : i32
        %dma_wait3A_441 = tpu.memref_slice %run_scoped3A_8[%rem3A_215, %dma_wait3A_439, %dma_wait3A_440] : memref<2x1x128xi32, #tpu.memory_space<vmem>> -> memref<1x1x128xi32, #tpu.memory_space<vmem>>
        %dma_wait3A_442 = tpu.memref_squeeze %dma_wait3A_441 : memref<1x1x128xi32, #tpu.memory_space<vmem>> -> memref<1x128xi32, #tpu.memory_space<vmem>>
        %dma_wait3A_443 = arith.constant 0 : i32
        %dma_wait3A_444 = tpu.memref_slice %dma_wait3A_442[%run_scoped3A_221, %dma_wait3A_443] : memref<1x128xi32, #tpu.memory_space<vmem>> -> memref<1x128xi32, #tpu.memory_space<vmem>>
        %dma_wait3A_445 = tpu.memref_squeeze %dma_wait3A_444 : memref<1x128xi32, #tpu.memory_space<vmem>> -> memref<128xi32, #tpu.memory_space<vmem>>
        %dma_wait3A_446 = arith.constant 0 : i32
        %dma_wait3A_447 = arith.constant 0 : i32
        %dma_wait3A_448 = tpu.memref_slice %arg3[%dma_wait3A_446, %dma_wait3A_447] : memref<4000x128xf32, #tpu.memory_space<hbm>> -> memref<4000x128xf32, #tpu.memory_space<hbm>>
        tpu.wait_indirect_dma semaphore(%run_scoped3A_420 : memref<!tpu.dma_semaphore, #tpu.memory_space<semaphore_mem>>) src(%dma_wait3A_448 : memref<4000x128xf32, #tpu.memory_space<hbm>>) dst(%dma_wait3A_438 : memref<128x128xf32, #tpu.memory_space<vmem>>)
        tpu.yield
      }) : () -> ()
      "tpu.trace_stop"() : () -> ()
      %ne3A_222 = arith.cmpi ne, %add3A_104, %add3A_124 : i32
      %or3A_223 = arith.constant false
      %or3A_224 = arith.ori %or3A_223, %ne3A_222 : i1
      %or3A_225 = arith.ori %or3A_224, %eq3A_102 : i1
      %convert_element_type3A_226 = arith.extui %or3A_225 : i1 to i32
      %cond3A_227 = arith.constant 0 : i32
      %cond3A_228 = arith.cmpi ne, %convert_element_type3A_226, %cond3A_227 : i32
      scf.if %cond3A_228 {
      } else {
      }
      %and3A_229 = arith.constant false
      %and3A_230 = arith.andi %or3A_225, %and3A_229 : i1
      %ne3A_231 = arith.cmpi ne, %add3A_104, %add3A_124 : i32
      %or3A_232 = arith.constant false
      %or3A_233 = arith.ori %or3A_232, %ne3A_231 : i1
      %or3A_234 = arith.ori %or3A_233, %eq3A_102 : i1
      %convert_element_type3A_235 = arith.extui %or3A_234 : i1 to i32
      %cond3A_236 = arith.constant 0 : i32
      %cond3A_237 = arith.cmpi ne, %convert_element_type3A_235, %cond3A_236 : i32
      scf.if %cond3A_237 {
      } else {
      }
      %and3A_238 = arith.constant false
      %and3A_239 = arith.andi %or3A_234, %and3A_238 : i1
      %ne3A_240 = arith.cmpi ne, %add3A_104, %add3A_124 : i32
      %or3A_241 = arith.constant false
      %or3A_242 = arith.ori %or3A_241, %ne3A_240 : i1
      %or3A_243 = arith.constant false
      %or3A_244 = arith.ori %or3A_242, %or3A_243 : i1
      %or3A_245 = arith.ori %or3A_244, %eq3A_102 : i1
      %convert_element_type3A_246 = arith.extui %or3A_245 : i1 to i32
      %cond3A_247 = arith.constant 0 : i32
      %cond3A_248 = arith.cmpi ne, %convert_element_type3A_246, %cond3A_247 : i32
      scf.if %cond3A_248 {
        "tpu.trace_start"() <{level = 10 : i32, message = "ep_copy_out"}> : () -> ()
        %rem3A_420 = arith.constant 2 : i32
        %rem3A_421 = arith.remui %scan3A_93, %rem3A_420 : i32
        %mul3A_422 = arith.constant 128 : i32
        %mul3A_423 = arith.muli %mul3A_422, %add3A_104 : i32
        %dma_start3A_424 = arith.constant 0 : i32
        %dma_start3A_425 = arith.constant 0 : i32
        %dma_start3A_426 = tpu.memref_slice %run_scoped3A_10[%rem3A_421, %dma_start3A_424, %dma_start3A_425] : memref<2x128x128xf32, #tpu.memory_space<vmem>> -> memref<1x128x128xf32, #tpu.memory_space<vmem>>
        %dma_start3A_427 = tpu.memref_squeeze %dma_start3A_426 : memref<1x128x128xf32, #tpu.memory_space<vmem>> -> memref<128x128xf32, #tpu.memory_space<vmem>>
        %dma_start3A_428 = arith.constant 0 : i32
        %dma_start3A_429 = tpu.memref_slice %arg6[%mul3A_423, %dma_start3A_428] : memref<4096x128xf32, #tpu.memory_space<hbm>> -> memref<128x128xf32, #tpu.memory_space<hbm>>
        %dma_start3A_430 = tpu.memref_slice %run_scoped3A_11[%rem3A_421] : memref<2x!tpu.dma_semaphore, #tpu.memory_space<semaphore_mem>> -> memref<1x!tpu.dma_semaphore, #tpu.memory_space<semaphore_mem>>
        %dma_start3A_431 = tpu.memref_squeeze %dma_start3A_430 : memref<1x!tpu.dma_semaphore, #tpu.memory_space<semaphore_mem>> -> memref<!tpu.dma_semaphore, #tpu.memory_space<semaphore_mem>>
        %dma_start3A_432 = arith.constant 0 : i32
        %dma_start3A_433 = tpu.memref_slice %arg6[%mul3A_423, %dma_start3A_432] : memref<4096x128xf32, #tpu.memory_space<hbm>> -> memref<128x128xf32, #tpu.memory_space<hbm>>
        %dma_start3A_434 = arith.constant 0 : i32
        %dma_start3A_435 = arith.constant 0 : i32
        %dma_start3A_436 = tpu.memref_slice %run_scoped3A_10[%rem3A_421, %dma_start3A_434, %dma_start3A_435] : memref<2x128x128xf32, #tpu.memory_space<vmem>> -> memref<1x128x128xf32, #tpu.memory_space<vmem>>
        %dma_start3A_437 = tpu.memref_squeeze %dma_start3A_436 : memref<1x128x128xf32, #tpu.memory_space<vmem>> -> memref<128x128xf32, #tpu.memory_space<vmem>>
        tpu.enqueue_dma source(%dma_start3A_437 : memref<128x128xf32, #tpu.memory_space<vmem>>) target(%dma_start3A_433 : memref<128x128xf32, #tpu.memory_space<hbm>>) target_semaphore(%dma_start3A_431 : memref<!tpu.dma_semaphore, #tpu.memory_space<semaphore_mem>>)
        "tpu.trace_stop"() : () -> ()
      } else {
      }
      %and3A_249 = arith.constant true
      %and3A_250 = arith.andi %or3A_245, %and3A_249 : i1
      %add3A_251 = arith.constant 1 : i32
      %add3A_252 = arith.addi %scan3A_93, %add3A_251 : i32
      %select_n3A_253 = arith.select %and3A_250, %add3A_252, %scan3A_93 : i32
      %ne3A_254 = arith.cmpi ne, %add3A_104, %add3A_124 : i32
      %or3A_255 = arith.constant false
      %or3A_256 = arith.ori %or3A_255, %ne3A_254 : i1
      %or3A_257 = arith.constant false
      %or3A_258 = arith.ori %or3A_256, %or3A_257 : i1
      %or3A_259 = arith.ori %or3A_258, %eq3A_102 : i1
      %convert_element_type3A_260 = arith.extui %or3A_259 : i1 to i32
      %cond3A_261 = arith.constant 0 : i32
      %cond3A_262 = arith.cmpi ne, %convert_element_type3A_260, %cond3A_261 : i32
      scf.if %cond3A_262 {
        "tpu.trace_start"() <{level = 10 : i32, message = "ep_copy_out"}> : () -> ()
        %rem3A_420 = arith.constant 2 : i32
        %rem3A_421 = arith.remui %scan3A_95, %rem3A_420 : i32
        %mul3A_422 = arith.constant 128 : i32
        %mul3A_423 = arith.muli %mul3A_422, %add3A_104 : i32
        %dma_start3A_424 = arith.constant 0 : i32
        %dma_start3A_425 = arith.constant 0 : i32
        %dma_start3A_426 = tpu.memref_slice %run_scoped3A_12[%rem3A_421, %dma_start3A_424, %dma_start3A_425] : memref<2x128x128xf32, #tpu.memory_space<vmem>> -> memref<1x128x128xf32, #tpu.memory_space<vmem>>
        %dma_start3A_427 = tpu.memref_squeeze %dma_start3A_426 : memref<1x128x128xf32, #tpu.memory_space<vmem>> -> memref<128x128xf32, #tpu.memory_space<vmem>>
        %dma_start3A_428 = arith.constant 0 : i32
        %dma_start3A_429 = tpu.memref_slice %arg7[%mul3A_423, %dma_start3A_428] : memref<4096x128xf32, #tpu.memory_space<hbm>> -> memref<128x128xf32, #tpu.memory_space<hbm>>
        %dma_start3A_430 = tpu.memref_slice %run_scoped3A_13[%rem3A_421] : memref<2x!tpu.dma_semaphore, #tpu.memory_space<semaphore_mem>> -> memref<1x!tpu.dma_semaphore, #tpu.memory_space<semaphore_mem>>
        %dma_start3A_431 = tpu.memref_squeeze %dma_start3A_430 : memref<1x!tpu.dma_semaphore, #tpu.memory_space<semaphore_mem>> -> memref<!tpu.dma_semaphore, #tpu.memory_space<semaphore_mem>>
        %dma_start3A_432 = arith.constant 0 : i32
        %dma_start3A_433 = tpu.memref_slice %arg7[%mul3A_423, %dma_start3A_432] : memref<4096x128xf32, #tpu.memory_space<hbm>> -> memref<128x128xf32, #tpu.memory_space<hbm>>
        %dma_start3A_434 = arith.constant 0 : i32
        %dma_start3A_435 = arith.constant 0 : i32
        %dma_start3A_436 = tpu.memref_slice %run_scoped3A_12[%rem3A_421, %dma_start3A_434, %dma_start3A_435] : memref<2x128x128xf32, #tpu.memory_space<vmem>> -> memref<1x128x128xf32, #tpu.memory_space<vmem>>
        %dma_start3A_437 = tpu.memref_squeeze %dma_start3A_436 : memref<1x128x128xf32, #tpu.memory_space<vmem>> -> memref<128x128xf32, #tpu.memory_space<vmem>>
        tpu.enqueue_dma source(%dma_start3A_437 : memref<128x128xf32, #tpu.memory_space<vmem>>) target(%dma_start3A_433 : memref<128x128xf32, #tpu.memory_space<hbm>>) target_semaphore(%dma_start3A_431 : memref<!tpu.dma_semaphore, #tpu.memory_space<semaphore_mem>>)
        "tpu.trace_stop"() : () -> ()
      } else {
      }
      %and3A_263 = arith.constant true
      %and3A_264 = arith.andi %or3A_259, %and3A_263 : i1
      %add3A_265 = arith.constant 1 : i32
      %add3A_266 = arith.addi %scan3A_95, %add3A_265 : i32
      %select_n3A_267 = arith.select %and3A_264, %add3A_266, %scan3A_95 : i32
      %ne3A_268 = arith.cmpi ne, %add3A_104, %add3A_114 : i32
      %or3A_269 = arith.constant false
      %or3A_270 = arith.ori %or3A_269, %ne3A_268 : i1
      %not3A_271 = arith.constant true
      %not3A_272 = arith.xori %eq3A_100, %not3A_271 : i1
      %and3A_273 = arith.andi %or3A_270, %not3A_272 : i1
      %convert_element_type3A_274 = arith.extui %and3A_273 : i1 to i32
      %cond3A_275 = arith.constant 0 : i32
      %cond3A_276 = arith.cmpi ne, %convert_element_type3A_274, %cond3A_275 : i32
      scf.if %cond3A_276 {
      } else {
      }
      %and3A_277 = arith.constant false
      %and3A_278 = arith.andi %and3A_273, %and3A_277 : i1
      %ne3A_279 = arith.cmpi ne, %add3A_104, %add3A_114 : i32
      %or3A_280 = arith.constant false
      %or3A_281 = arith.ori %or3A_280, %ne3A_279 : i1
      %not3A_282 = arith.constant true
      %not3A_283 = arith.xori %eq3A_100, %not3A_282 : i1
      %and3A_284 = arith.andi %or3A_281, %not3A_283 : i1
      %convert_element_type3A_285 = arith.extui %and3A_284 : i1 to i32
      %cond3A_286 = arith.constant 0 : i32
      %cond3A_287 = arith.cmpi ne, %convert_element_type3A_285, %cond3A_286 : i32
      scf.if %cond3A_287 {
      } else {
      }
      %and3A_288 = arith.constant false
      %and3A_289 = arith.andi %and3A_284, %and3A_288 : i1
      %ne3A_290 = arith.cmpi ne, %add3A_104, %add3A_114 : i32
      %or3A_291 = arith.constant false
      %or3A_292 = arith.ori %or3A_291, %ne3A_290 : i1
      %or3A_293 = arith.constant false
      %or3A_294 = arith.ori %or3A_292, %or3A_293 : i1
      %not3A_295 = arith.constant true
      %not3A_296 = arith.xori %eq3A_100, %not3A_295 : i1
      %and3A_297 = arith.andi %or3A_294, %not3A_296 : i1
      %convert_element_type3A_298 = arith.extui %and3A_297 : i1 to i32
      %cond3A_299 = arith.constant 0 : i32
      %cond3A_300 = arith.cmpi ne, %convert_element_type3A_298, %cond3A_299 : i32
      scf.if %cond3A_300 {
        "tpu.trace_start"() <{level = 10 : i32, message = "ep_wait_out"}> : () -> ()
        %rem3A_420 = arith.constant 2 : i32
        %rem3A_421 = arith.remui %scan3A_94, %rem3A_420 : i32
        %mul3A_422 = arith.constant 128 : i32
        %mul3A_423 = arith.muli %mul3A_422, %add3A_114 : i32
        %dma_wait3A_424 = arith.constant 0 : i32
        %dma_wait3A_425 = arith.constant 0 : i32
        %dma_wait3A_426 = tpu.memref_slice %run_scoped3A_10[%rem3A_421, %dma_wait3A_424, %dma_wait3A_425] : memref<2x128x128xf32, #tpu.memory_space<vmem>> -> memref<1x128x128xf32, #tpu.memory_space<vmem>>
        %dma_wait3A_427 = tpu.memref_squeeze %dma_wait3A_426 : memref<1x128x128xf32, #tpu.memory_space<vmem>> -> memref<128x128xf32, #tpu.memory_space<vmem>>
        %dma_wait3A_428 = arith.constant 0 : i32
        %dma_wait3A_429 = tpu.memref_slice %arg6[%mul3A_423, %dma_wait3A_428] : memref<4096x128xf32, #tpu.memory_space<hbm>> -> memref<128x128xf32, #tpu.memory_space<hbm>>
        %dma_wait3A_430 = tpu.memref_slice %run_scoped3A_11[%rem3A_421] : memref<2x!tpu.dma_semaphore, #tpu.memory_space<semaphore_mem>> -> memref<1x!tpu.dma_semaphore, #tpu.memory_space<semaphore_mem>>
        %dma_wait3A_431 = tpu.memref_squeeze %dma_wait3A_430 : memref<1x!tpu.dma_semaphore, #tpu.memory_space<semaphore_mem>> -> memref<!tpu.dma_semaphore, #tpu.memory_space<semaphore_mem>>
        %dma_wait3A_432 = arith.constant 0 : i32
        %dma_wait3A_433 = tpu.memref_slice %arg6[%mul3A_423, %dma_wait3A_432] : memref<4096x128xf32, #tpu.memory_space<hbm>> -> memref<128x128xf32, #tpu.memory_space<hbm>>
        %dma_wait3A_434 = arith.constant 0 : i32
        %dma_wait3A_435 = arith.constant 0 : i32
        %dma_wait3A_436 = tpu.memref_slice %run_scoped3A_10[%rem3A_421, %dma_wait3A_434, %dma_wait3A_435] : memref<2x128x128xf32, #tpu.memory_space<vmem>> -> memref<1x128x128xf32, #tpu.memory_space<vmem>>
        %dma_wait3A_437 = tpu.memref_squeeze %dma_wait3A_436 : memref<1x128x128xf32, #tpu.memory_space<vmem>> -> memref<128x128xf32, #tpu.memory_space<vmem>>
        tpu.wait_dma2 semaphore(%dma_wait3A_431 : memref<!tpu.dma_semaphore, #tpu.memory_space<semaphore_mem>>) src(%dma_wait3A_437 : memref<128x128xf32, #tpu.memory_space<vmem>>) dst(%dma_wait3A_433 : memref<128x128xf32, #tpu.memory_space<hbm>>)
        "tpu.trace_stop"() : () -> ()
      } else {
      }
      %and3A_301 = arith.constant true
      %and3A_302 = arith.andi %and3A_297, %and3A_301 : i1
      %add3A_303 = arith.constant 1 : i32
      %add3A_304 = arith.addi %scan3A_94, %add3A_303 : i32
      %select_n3A_305 = arith.select %and3A_302, %add3A_304, %scan3A_94 : i32
      %ne3A_306 = arith.cmpi ne, %add3A_104, %add3A_114 : i32
      %or3A_307 = arith.constant false
      %or3A_308 = arith.ori %or3A_307, %ne3A_306 : i1
      %or3A_309 = arith.constant false
      %or3A_310 = arith.ori %or3A_308, %or3A_309 : i1
      %not3A_311 = arith.constant true
      %not3A_312 = arith.xori %eq3A_100, %not3A_311 : i1
      %and3A_313 = arith.andi %or3A_310, %not3A_312 : i1
      %convert_element_type3A_314 = arith.extui %and3A_313 : i1 to i32
      %cond3A_315 = arith.constant 0 : i32
      %cond3A_316 = arith.cmpi ne, %convert_element_type3A_314, %cond3A_315 : i32
      scf.if %cond3A_316 {
        "tpu.trace_start"() <{level = 10 : i32, message = "ep_wait_out"}> : () -> ()
        %rem3A_420 = arith.constant 2 : i32
        %rem3A_421 = arith.remui %scan3A_96, %rem3A_420 : i32
        %mul3A_422 = arith.constant 128 : i32
        %mul3A_423 = arith.muli %mul3A_422, %add3A_114 : i32
        %dma_wait3A_424 = arith.constant 0 : i32
        %dma_wait3A_425 = arith.constant 0 : i32
        %dma_wait3A_426 = tpu.memref_slice %run_scoped3A_12[%rem3A_421, %dma_wait3A_424, %dma_wait3A_425] : memref<2x128x128xf32, #tpu.memory_space<vmem>> -> memref<1x128x128xf32, #tpu.memory_space<vmem>>
        %dma_wait3A_427 = tpu.memref_squeeze %dma_wait3A_426 : memref<1x128x128xf32, #tpu.memory_space<vmem>> -> memref<128x128xf32, #tpu.memory_space<vmem>>
        %dma_wait3A_428 = arith.constant 0 : i32
        %dma_wait3A_429 = tpu.memref_slice %arg7[%mul3A_423, %dma_wait3A_428] : memref<4096x128xf32, #tpu.memory_space<hbm>> -> memref<128x128xf32, #tpu.memory_space<hbm>>
        %dma_wait3A_430 = tpu.memref_slice %run_scoped3A_13[%rem3A_421] : memref<2x!tpu.dma_semaphore, #tpu.memory_space<semaphore_mem>> -> memref<1x!tpu.dma_semaphore, #tpu.memory_space<semaphore_mem>>
        %dma_wait3A_431 = tpu.memref_squeeze %dma_wait3A_430 : memref<1x!tpu.dma_semaphore, #tpu.memory_space<semaphore_mem>> -> memref<!tpu.dma_semaphore, #tpu.memory_space<semaphore_mem>>
        %dma_wait3A_432 = arith.constant 0 : i32
        %dma_wait3A_433 = tpu.memref_slice %arg7[%mul3A_423, %dma_wait3A_432] : memref<4096x128xf32, #tpu.memory_space<hbm>> -> memref<128x128xf32, #tpu.memory_space<hbm>>
        %dma_wait3A_434 = arith.constant 0 : i32
        %dma_wait3A_435 = arith.constant 0 : i32
        %dma_wait3A_436 = tpu.memref_slice %run_scoped3A_12[%rem3A_421, %dma_wait3A_434, %dma_wait3A_435] : memref<2x128x128xf32, #tpu.memory_space<vmem>> -> memref<1x128x128xf32, #tpu.memory_space<vmem>>
        %dma_wait3A_437 = tpu.memref_squeeze %dma_wait3A_436 : memref<1x128x128xf32, #tpu.memory_space<vmem>> -> memref<128x128xf32, #tpu.memory_space<vmem>>
        tpu.wait_dma2 semaphore(%dma_wait3A_431 : memref<!tpu.dma_semaphore, #tpu.memory_space<semaphore_mem>>) src(%dma_wait3A_437 : memref<128x128xf32, #tpu.memory_space<vmem>>) dst(%dma_wait3A_433 : memref<128x128xf32, #tpu.memory_space<hbm>>)
        "tpu.trace_stop"() : () -> ()
      } else {
      }
      %and3A_317 = arith.constant true
      %and3A_318 = arith.andi %and3A_313, %and3A_317 : i1
      %add3A_319 = arith.constant 1 : i32
      %add3A_320 = arith.addi %scan3A_96, %add3A_319 : i32
      %select_n3A_321 = arith.select %and3A_318, %add3A_320, %scan3A_96 : i32
      %ne3A_322 = arith.cmpi ne, %add3A_104, %add3A_124 : i32
      %or3A_323 = arith.constant false
      %or3A_324 = arith.ori %or3A_323, %ne3A_322 : i1
      %or3A_325 = arith.ori %or3A_324, %eq3A_102 : i1
      %add3A_326 = arith.constant 1 : i32
      %add3A_327 = arith.addi %scan3A, %add3A_326 : i32
      %select_n3A_328 = arith.select %or3A_325, %add3A_327, %scan3A : i32
      %ne3A_329 = arith.cmpi ne, %add3A_104, %add3A_124 : i32
      %or3A_330 = arith.constant false
      %or3A_331 = arith.ori %or3A_330, %ne3A_329 : i1
      %or3A_332 = arith.ori %or3A_331, %eq3A_102 : i1
      %add3A_333 = arith.constant 1 : i32
      %add3A_334 = arith.addi %scan3A_92, %add3A_333 : i32
      %select_n3A_335 = arith.select %or3A_332, %add3A_334, %scan3A_92 : i32
      %select_n3A_336 = arith.constant true
      %select_n3A_337 = arith.constant 0 : i32
      %select_n3A_338 = arith.constant 1 : i32
      %select_n3A_339 = arith.select %select_n3A_336, %select_n3A_338, %select_n3A_337 : i32
      %eq3A_340 = arith.constant 1 : i32
      %eq3A_341 = arith.cmpi eq, %select_n3A_339, %eq3A_340 : i32
      %select_n3A_342 = arith.constant 0 : i32
      %select_n3A_343 = arith.select %eq3A_341, %select_n3A_342, %select_n3A_339 : i32
      %scan3A_344 = arith.constant 0 : i32
      %scan3A_345 = arith.constant 1 : i32
      %sub3A = arith.constant 1 : i32
      %sub3A_346 = arith.subi %scan3A_344, %sub3A : i32
      %select_n3A_347 = arith.constant true
      %select_n3A_348 = arith.select %select_n3A_347, %sub3A_346, %scan3A_344 : i32
      %eq3A_349 = arith.constant -1 : i32
      %eq3A_350 = arith.cmpi eq, %select_n3A_348, %eq3A_349 : i32
      %select_n3A_351 = arith.constant 0 : i32
      %select_n3A_352 = arith.select %eq3A_350, %select_n3A_351, %select_n3A_348 : i32
      %add3A_353 = arith.constant 0 : i32
      %add3A_354 = arith.addi %add3A_353, %mul3A_6 : i32
      %select_n3A_355 = arith.constant true
      %select_n3A_356 = arith.constant 0 : i32
      %select_n3A_357 = arith.constant -1 : i32
      %select_n3A_358 = arith.select %select_n3A_355, %select_n3A_357, %select_n3A_356 : i32
      %eq3A_359 = arith.constant -1 : i32
      %eq3A_360 = arith.cmpi eq, %select_n3A_358, %eq3A_359 : i32
      %select_n3A_361 = arith.constant 0 : i32
      %select_n3A_362 = arith.select %eq3A_360, %select_n3A_361, %select_n3A_358 : i32
      %add3A_363 = arith.constant 0 : i32
      %add3A_364 = arith.addi %add3A_363, %mul3A_6 : i32
      %select_n3A_365 = arith.constant true
      %select_n3A_366 = arith.constant 0 : i32
      %select_n3A_367 = arith.constant 1 : i32
      %select_n3A_368 = arith.select %select_n3A_365, %select_n3A_367, %select_n3A_366 : i32
      %eq3A_369 = arith.constant 1 : i32
      %eq3A_370 = arith.cmpi eq, %select_n3A_368, %eq3A_369 : i32
      %select_n3A_371 = arith.constant 0 : i32
      %select_n3A_372 = arith.select %eq3A_370, %select_n3A_371, %select_n3A_368 : i32
      %add3A_373 = arith.constant 0 : i32
      %add3A_374 = arith.addi %add3A_373, %mul3A_6 : i32
      %select_n3A_375 = arith.constant true
      %select_n3A_376 = arith.constant 0 : i32
      %select_n3A_377 = arith.constant 1 : i32
      %select_n3A_378 = arith.select %select_n3A_375, %select_n3A_377, %select_n3A_376 : i32
      %eq3A_379 = arith.constant 1 : i32
      %eq3A_380 = arith.cmpi eq, %select_n3A_378, %eq3A_379 : i32
      %select_n3A_381 = arith.constant 0 : i32
      %select_n3A_382 = arith.select %eq3A_380, %select_n3A_381, %select_n3A_378 : i32
      %add3A_383 = arith.constant 0 : i32
      %add3A_384 = arith.addi %add3A_383, %mul3A_6 : i32
      "tpu.trace_start"() <{level = 10 : i32, message = "ep_finalize"}> : () -> ()
      %rem3A_385 = arith.constant 2 : i32
      %rem3A_386 = arith.remui %select_n3A_305, %rem3A_385 : i32
      %mul3A_387 = arith.constant 128 : i32
      %mul3A_388 = arith.muli %mul3A_387, %add3A_354 : i32
      %dma_wait3A = arith.constant 0 : i32
      %dma_wait3A_389 = arith.constant 0 : i32
      %dma_wait3A_390 = tpu.memref_slice %run_scoped3A_10[%rem3A_386, %dma_wait3A, %dma_wait3A_389] : memref<2x128x128xf32, #tpu.memory_space<vmem>> -> memref<1x128x128xf32, #tpu.memory_space<vmem>>
      %dma_wait3A_391 = tpu.memref_squeeze %dma_wait3A_390 : memref<1x128x128xf32, #tpu.memory_space<vmem>> -> memref<128x128xf32, #tpu.memory_space<vmem>>
      %dma_wait3A_392 = arith.constant 0 : i32
      %dma_wait3A_393 = tpu.memref_slice %arg6[%mul3A_388, %dma_wait3A_392] : memref<4096x128xf32, #tpu.memory_space<hbm>> -> memref<128x128xf32, #tpu.memory_space<hbm>>
      %dma_wait3A_394 = tpu.memref_slice %run_scoped3A_11[%rem3A_386] : memref<2x!tpu.dma_semaphore, #tpu.memory_space<semaphore_mem>> -> memref<1x!tpu.dma_semaphore, #tpu.memory_space<semaphore_mem>>
      %dma_wait3A_395 = tpu.memref_squeeze %dma_wait3A_394 : memref<1x!tpu.dma_semaphore, #tpu.memory_space<semaphore_mem>> -> memref<!tpu.dma_semaphore, #tpu.memory_space<semaphore_mem>>
      %dma_wait3A_396 = arith.constant 0 : i32
      %dma_wait3A_397 = tpu.memref_slice %arg6[%mul3A_388, %dma_wait3A_396] : memref<4096x128xf32, #tpu.memory_space<hbm>> -> memref<128x128xf32, #tpu.memory_space<hbm>>
      %dma_wait3A_398 = arith.constant 0 : i32
      %dma_wait3A_399 = arith.constant 0 : i32
      %dma_wait3A_400 = tpu.memref_slice %run_scoped3A_10[%rem3A_386, %dma_wait3A_398, %dma_wait3A_399] : memref<2x128x128xf32, #tpu.memory_space<vmem>> -> memref<1x128x128xf32, #tpu.memory_space<vmem>>
      %dma_wait3A_401 = tpu.memref_squeeze %dma_wait3A_400 : memref<1x128x128xf32, #tpu.memory_space<vmem>> -> memref<128x128xf32, #tpu.memory_space<vmem>>
      tpu.wait_dma2 semaphore(%dma_wait3A_395 : memref<!tpu.dma_semaphore, #tpu.memory_space<semaphore_mem>>) src(%dma_wait3A_401 : memref<128x128xf32, #tpu.memory_space<vmem>>) dst(%dma_wait3A_397 : memref<128x128xf32, #tpu.memory_space<hbm>>)
      %rem3A_402 = arith.constant 2 : i32
      %rem3A_403 = arith.remui %select_n3A_321, %rem3A_402 : i32
      %mul3A_404 = arith.constant 128 : i32
      %mul3A_405 = arith.muli %mul3A_404, %add3A_354 : i32
      %dma_wait3A_406 = arith.constant 0 : i32
      %dma_wait3A_407 = arith.constant 0 : i32
      %dma_wait3A_408 = tpu.memref_slice %run_scoped3A_12[%rem3A_403, %dma_wait3A_406, %dma_wait3A_407] : memref<2x128x128xf32, #tpu.memory_space<vmem>> -> memref<1x128x128xf32, #tpu.memory_space<vmem>>
      %dma_wait3A_409 = tpu.memref_squeeze %dma_wait3A_408 : memref<1x128x128xf32, #tpu.memory_space<vmem>> -> memref<128x128xf32, #tpu.memory_space<vmem>>
      %dma_wait3A_410 = arith.constant 0 : i32
      %dma_wait3A_411 = tpu.memref_slice %arg7[%mul3A_405, %dma_wait3A_410] : memref<4096x128xf32, #tpu.memory_space<hbm>> -> memref<128x128xf32, #tpu.memory_space<hbm>>
      %dma_wait3A_412 = tpu.memref_slice %run_scoped3A_13[%rem3A_403] : memref<2x!tpu.dma_semaphore, #tpu.memory_space<semaphore_mem>> -> memref<1x!tpu.dma_semaphore, #tpu.memory_space<semaphore_mem>>
      %dma_wait3A_413 = tpu.memref_squeeze %dma_wait3A_412 : memref<1x!tpu.dma_semaphore, #tpu.memory_space<semaphore_mem>> -> memref<!tpu.dma_semaphore, #tpu.memory_space<semaphore_mem>>
      %dma_wait3A_414 = arith.constant 0 : i32
      %dma_wait3A_415 = tpu.memref_slice %arg7[%mul3A_405, %dma_wait3A_414] : memref<4096x128xf32, #tpu.memory_space<hbm>> -> memref<128x128xf32, #tpu.memory_space<hbm>>
      %dma_wait3A_416 = arith.constant 0 : i32
      %dma_wait3A_417 = arith.constant 0 : i32
      %dma_wait3A_418 = tpu.memref_slice %run_scoped3A_12[%rem3A_403, %dma_wait3A_416, %dma_wait3A_417] : memref<2x128x128xf32, #tpu.memory_space<vmem>> -> memref<1x128x128xf32, #tpu.memory_space<vmem>>
      %dma_wait3A_419 = tpu.memref_squeeze %dma_wait3A_418 : memref<1x128x128xf32, #tpu.memory_space<vmem>> -> memref<128x128xf32, #tpu.memory_space<vmem>>
      tpu.wait_dma2 semaphore(%dma_wait3A_413 : memref<!tpu.dma_semaphore, #tpu.memory_space<semaphore_mem>>) src(%dma_wait3A_419 : memref<128x128xf32, #tpu.memory_space<vmem>>) dst(%dma_wait3A_415 : memref<128x128xf32, #tpu.memory_space<hbm>>)
      "tpu.trace_stop"() : () -> ()
      tpu.yield
    }) : () -> ()
    return
  }
}

#map = affine_map<(d0, d1) -> (0, 0)>
module attributes {stable_mosaic.version = 14 : i64} {
  func.func @compact_kernel(%arg0: i32, %arg1: i32, %arg2: memref<802816x128xf32, #tpu.memory_space<hbm>>, %arg3: memref<1x57344xi32, #tpu.memory_space<hbm>>, %arg4: memref<57344x128xf32, #tpu.memory_space<hbm>>) attributes {dimension_semantics = [#tpu.dimension_semantics<core_parallel>, #tpu.dimension_semantics<subcore_parallel>], iteration_bounds = array<i64: 2, 16>, scalar_prefetch = 0 : i64, scratch_operands = 0 : i64, tpu.core_type = #tpu.core_type<sc_vector_subcore>, window_params = [{transform_indices = #map}, {transform_indices = #map}, {transform_indices = #map}]} {
    %mul3A = arith.constant 1 : i32
    %mul3A_0 = arith.muli %arg1, %mul3A : i32
    %add3A = arith.constant 0 : i32
    %add3A_1 = arith.addi %add3A, %mul3A_0 : i32
    %mul3A_2 = arith.constant 16 : i32
    %mul3A_3 = arith.muli %arg0, %mul3A_2 : i32
    %add3A_4 = arith.addi %add3A_1, %mul3A_3 : i32
    %mul3A_5 = arith.constant 14 : i32
    %mul3A_6 = arith.muli %add3A_4, %mul3A_5 : i32
    "tpu.region"() ({
      %run_scoped3A = memref.alloca() : memref<2x1x128xi32, #tpu.memory_space<vmem>>
      %run_scoped3A_7 = tpu.sem_alloc : memref<2x!tpu.dma_semaphore, #tpu.memory_space<semaphore_mem>>
      %run_scoped3A_8 = memref.alloca() : memref<2x128x128xf32, #tpu.memory_space<vmem>>
      %run_scoped3A_9 = tpu.sem_alloc : memref<2x!tpu.dma_semaphore, #tpu.memory_space<semaphore_mem>>
      %add3A_10 = arith.constant 0 : i32
      %add3A_11 = arith.addi %add3A_10, %mul3A_6 : i32
      %select_n3A = arith.constant true
      %select_n3A_12 = arith.constant 0 : i32
      %select_n3A_13 = arith.constant -1 : i32
      %select_n3A_14 = arith.select %select_n3A, %select_n3A_13, %select_n3A_12 : i32
      %eq3A = arith.constant -1 : i32
      %eq3A_15 = arith.cmpi eq, %select_n3A_14, %eq3A : i32
      %select_n3A_16 = arith.constant 13 : i32
      %select_n3A_17 = arith.select %eq3A_15, %select_n3A_16, %select_n3A_14 : i32
      %add3A_18 = arith.addi %select_n3A_17, %mul3A_6 : i32
      %select_n3A_19 = arith.constant true
      %select_n3A_20 = arith.constant 0 : i32
      %select_n3A_21 = arith.constant 1 : i32
      %select_n3A_22 = arith.select %select_n3A_19, %select_n3A_21, %select_n3A_20 : i32
      %eq3A_23 = arith.constant 14 : i32
      %eq3A_24 = arith.cmpi eq, %select_n3A_22, %eq3A_23 : i32
      %select_n3A_25 = arith.constant 0 : i32
      %select_n3A_26 = arith.select %eq3A_24, %select_n3A_25, %select_n3A_22 : i32
      %add3A_27 = arith.addi %select_n3A_26, %mul3A_6 : i32
      %add3A_28 = arith.constant 1 : i32
      %add3A_29 = arith.addi %select_n3A_26, %add3A_28 : i32
      %select_n3A_30 = arith.constant true
      %select_n3A_31 = arith.select %select_n3A_30, %add3A_29, %select_n3A_26 : i32
      %eq3A_32 = arith.constant 14 : i32
      %eq3A_33 = arith.cmpi eq, %select_n3A_31, %eq3A_32 : i32
      %select_n3A_34 = arith.constant 0 : i32
      %select_n3A_35 = arith.select %eq3A_33, %select_n3A_34, %select_n3A_31 : i32
      %add3A_36 = arith.addi %select_n3A_35, %mul3A_6 : i32
      "tpu.trace_start"() <{level = 10 : i32, message = "ep_initialize_0"}> : () -> ()
      %rem3A = arith.constant 0 : i32
      %rem3A_37 = arith.constant 2 : i32
      %rem3A_38 = arith.remui %rem3A, %rem3A_37 : i32
      %mul3A_39 = arith.constant 128 : i32
      %mul3A_40 = arith.muli %mul3A_39, %add3A_11 : i32
      %dma_start3A = arith.constant 0 : i32
      %dma_start3A_41 = arith.constant 0 : i32
      %dma_start3A_42 = tpu.memref_slice %run_scoped3A[%rem3A_38, %dma_start3A, %dma_start3A_41] : memref<2x1x128xi32, #tpu.memory_space<vmem>> -> memref<1x1x128xi32, #tpu.memory_space<vmem>>
      %dma_start3A_43 = tpu.memref_squeeze %dma_start3A_42 : memref<1x1x128xi32, #tpu.memory_space<vmem>> -> memref<1x128xi32, #tpu.memory_space<vmem>>
      %dma_start3A_44 = arith.constant 0 : i32
      %dma_start3A_45 = tpu.memref_slice %arg3[%dma_start3A_44, %mul3A_40] : memref<1x57344xi32, #tpu.memory_space<hbm>> -> memref<1x128xi32, #tpu.memory_space<hbm>>
      %dma_start3A_46 = tpu.memref_slice %run_scoped3A_7[%rem3A_38] : memref<2x!tpu.dma_semaphore, #tpu.memory_space<semaphore_mem>> -> memref<1x!tpu.dma_semaphore, #tpu.memory_space<semaphore_mem>>
      %dma_start3A_47 = tpu.memref_squeeze %dma_start3A_46 : memref<1x!tpu.dma_semaphore, #tpu.memory_space<semaphore_mem>> -> memref<!tpu.dma_semaphore, #tpu.memory_space<semaphore_mem>>
      %dma_start3A_48 = arith.constant 0 : i32
      %dma_start3A_49 = arith.constant 0 : i32
      %dma_start3A_50 = tpu.memref_slice %run_scoped3A[%rem3A_38, %dma_start3A_48, %dma_start3A_49] : memref<2x1x128xi32, #tpu.memory_space<vmem>> -> memref<1x1x128xi32, #tpu.memory_space<vmem>>
      %dma_start3A_51 = tpu.memref_squeeze %dma_start3A_50 : memref<1x1x128xi32, #tpu.memory_space<vmem>> -> memref<1x128xi32, #tpu.memory_space<vmem>>
      %dma_start3A_52 = arith.constant 0 : i32
      %dma_start3A_53 = tpu.memref_slice %arg3[%dma_start3A_52, %mul3A_40] : memref<1x57344xi32, #tpu.memory_space<hbm>> -> memref<1x128xi32, #tpu.memory_space<hbm>>
      tpu.enqueue_dma source(%dma_start3A_53 : memref<1x128xi32, #tpu.memory_space<hbm>>) target(%dma_start3A_51 : memref<1x128xi32, #tpu.memory_space<vmem>>) target_semaphore(%dma_start3A_47 : memref<!tpu.dma_semaphore, #tpu.memory_space<semaphore_mem>>)
      %add3A_54 = arith.constant 0 : i32
      %add3A_55 = arith.constant 1 : i32
      %add3A_56 = arith.addi %add3A_54, %add3A_55 : i32
      %select_n3A_57 = arith.constant true
      %select_n3A_58 = arith.constant 0 : i32
      %select_n3A_59 = arith.select %select_n3A_57, %add3A_56, %select_n3A_58 : i32
      "tpu.trace_stop"() : () -> ()
      %scan3A = arith.constant 0 : i32
      %scan3A_60 = arith.constant 0 : i32
      %scan3A_61 = arith.constant 0 : i32
      %scan3A_62 = arith.constant 0 : i32
      %scan3A_63 = arith.constant 0 : i32
      %scan3A_64 = arith.constant 14 : i32
      %scan3A_65 = arith.addi %scan3A_63, %scan3A_64 : i32
      %scan3A_66 = arith.constant 1 : i32
      %scan3A_67:5 = scf.for %scan3A_121 = %scan3A_63 to %scan3A_65 step %scan3A_66 iter_args(%scan3A_122 = %select_n3A_59, %scan3A_123 = %scan3A, %scan3A_124 = %scan3A_60, %scan3A_125 = %scan3A_61, %scan3A_126 = %scan3A_62) -> (i32, i32, i32, i32, i32)  : i32 {
        %eq3A_127 = arith.constant 0 : i32
        %eq3A_128 = arith.cmpi eq, %scan3A_121, %eq3A_127 : i32
        %eq3A_129 = arith.constant 13 : i32
        %eq3A_130 = arith.cmpi eq, %scan3A_121, %eq3A_129 : i32
        %add3A_131 = arith.addi %scan3A_126, %mul3A_6 : i32
        %sub3A_132 = arith.constant 1 : i32
        %sub3A_133 = arith.subi %scan3A_126, %sub3A_132 : i32
        %select_n3A_134 = arith.constant true
        %select_n3A_135 = arith.select %select_n3A_134, %sub3A_133, %scan3A_126 : i32
        %eq3A_136 = arith.constant -1 : i32
        %eq3A_137 = arith.cmpi eq, %select_n3A_135, %eq3A_136 : i32
        %select_n3A_138 = arith.constant 13 : i32
        %select_n3A_139 = arith.select %eq3A_137, %select_n3A_138, %select_n3A_135 : i32
        %add3A_140 = arith.addi %select_n3A_139, %mul3A_6 : i32
        %add3A_141 = arith.constant 1 : i32
        %add3A_142 = arith.addi %scan3A_126, %add3A_141 : i32
        %select_n3A_143 = arith.constant true
        %select_n3A_144 = arith.select %select_n3A_143, %add3A_142, %scan3A_126 : i32
        %eq3A_145 = arith.constant 14 : i32
        %eq3A_146 = arith.cmpi eq, %select_n3A_144, %eq3A_145 : i32
        %select_n3A_147 = arith.constant 0 : i32
        %select_n3A_148 = arith.select %eq3A_146, %select_n3A_147, %select_n3A_144 : i32
        %add3A_149 = arith.addi %select_n3A_148, %mul3A_6 : i32
        %add3A_150 = arith.constant 1 : i32
        %add3A_151 = arith.addi %select_n3A_148, %add3A_150 : i32
        %select_n3A_152 = arith.constant true
        %select_n3A_153 = arith.select %select_n3A_152, %add3A_151, %select_n3A_148 : i32
        %eq3A_154 = arith.constant 14 : i32
        %eq3A_155 = arith.cmpi eq, %select_n3A_153, %eq3A_154 : i32
        %select_n3A_156 = arith.constant 0 : i32
        %select_n3A_157 = arith.select %eq3A_155, %select_n3A_156, %select_n3A_153 : i32
        %add3A_158 = arith.addi %select_n3A_157, %mul3A_6 : i32
        %ne3A = arith.cmpi ne, %add3A_131, %add3A_149 : i32
        %or3A = arith.constant false
        %or3A_159 = arith.ori %or3A, %ne3A : i1
        %ge3A = arith.constant 13 : i32
        %ge3A_160 = arith.cmpi sge, %scan3A_121, %ge3A : i32
        %not3A = arith.constant true
        %not3A_161 = arith.xori %ge3A_160, %not3A : i1
        %and3A = arith.andi %or3A_159, %not3A_161 : i1
        %convert_element_type3A = arith.extui %and3A : i1 to i32
        %cond3A = arith.constant 0 : i32
        %cond3A_162 = arith.cmpi ne, %convert_element_type3A, %cond3A : i32
        scf.if %cond3A_162 {
          "tpu.trace_start"() <{level = 10 : i32, message = "ep_copy_in"}> : () -> ()
          %rem3A_264 = arith.constant 2 : i32
          %rem3A_265 = arith.remui %scan3A_122, %rem3A_264 : i32
          %mul3A_266 = arith.constant 128 : i32
          %mul3A_267 = arith.muli %mul3A_266, %add3A_149 : i32
          %dma_start3A_268 = arith.constant 0 : i32
          %dma_start3A_269 = arith.constant 0 : i32
          %dma_start3A_270 = tpu.memref_slice %run_scoped3A[%rem3A_265, %dma_start3A_268, %dma_start3A_269] : memref<2x1x128xi32, #tpu.memory_space<vmem>> -> memref<1x1x128xi32, #tpu.memory_space<vmem>>
          %dma_start3A_271 = tpu.memref_squeeze %dma_start3A_270 : memref<1x1x128xi32, #tpu.memory_space<vmem>> -> memref<1x128xi32, #tpu.memory_space<vmem>>
          %dma_start3A_272 = arith.constant 0 : i32
          %dma_start3A_273 = tpu.memref_slice %arg3[%dma_start3A_272, %mul3A_267] : memref<1x57344xi32, #tpu.memory_space<hbm>> -> memref<1x128xi32, #tpu.memory_space<hbm>>
          %dma_start3A_274 = tpu.memref_slice %run_scoped3A_7[%rem3A_265] : memref<2x!tpu.dma_semaphore, #tpu.memory_space<semaphore_mem>> -> memref<1x!tpu.dma_semaphore, #tpu.memory_space<semaphore_mem>>
          %dma_start3A_275 = tpu.memref_squeeze %dma_start3A_274 : memref<1x!tpu.dma_semaphore, #tpu.memory_space<semaphore_mem>> -> memref<!tpu.dma_semaphore, #tpu.memory_space<semaphore_mem>>
          %dma_start3A_276 = arith.constant 0 : i32
          %dma_start3A_277 = arith.constant 0 : i32
          %dma_start3A_278 = tpu.memref_slice %run_scoped3A[%rem3A_265, %dma_start3A_276, %dma_start3A_277] : memref<2x1x128xi32, #tpu.memory_space<vmem>> -> memref<1x1x128xi32, #tpu.memory_space<vmem>>
          %dma_start3A_279 = tpu.memref_squeeze %dma_start3A_278 : memref<1x1x128xi32, #tpu.memory_space<vmem>> -> memref<1x128xi32, #tpu.memory_space<vmem>>
          %dma_start3A_280 = arith.constant 0 : i32
          %dma_start3A_281 = tpu.memref_slice %arg3[%dma_start3A_280, %mul3A_267] : memref<1x57344xi32, #tpu.memory_space<hbm>> -> memref<1x128xi32, #tpu.memory_space<hbm>>
          tpu.enqueue_dma source(%dma_start3A_281 : memref<1x128xi32, #tpu.memory_space<hbm>>) target(%dma_start3A_279 : memref<1x128xi32, #tpu.memory_space<vmem>>) target_semaphore(%dma_start3A_275 : memref<!tpu.dma_semaphore, #tpu.memory_space<semaphore_mem>>)
          "tpu.trace_stop"() : () -> ()
        } else {
        }
        %and3A_163 = arith.constant true
        %and3A_164 = arith.andi %and3A, %and3A_163 : i1
        %add3A_165 = arith.constant 1 : i32
        %add3A_166 = arith.addi %scan3A_122, %add3A_165 : i32
        %select_n3A_167 = arith.select %and3A_164, %add3A_166, %scan3A_122 : i32
        %ne3A_168 = arith.cmpi ne, %add3A_131, %add3A_149 : i32
        %or3A_169 = arith.constant false
        %or3A_170 = arith.ori %or3A_169, %ne3A_168 : i1
        %or3A_171 = arith.constant false
        %or3A_172 = arith.ori %or3A_170, %or3A_171 : i1
        %ge3A_173 = arith.constant 13 : i32
        %ge3A_174 = arith.cmpi sge, %scan3A_121, %ge3A_173 : i32
        %not3A_175 = arith.constant true
        %not3A_176 = arith.xori %ge3A_174, %not3A_175 : i1
        %and3A_177 = arith.andi %or3A_172, %not3A_176 : i1
        %ne3A_178 = arith.cmpi ne, %add3A_131, %add3A_140 : i32
        %or3A_179 = arith.constant false
        %or3A_180 = arith.ori %or3A_179, %ne3A_178 : i1
        %or3A_181 = arith.ori %or3A_180, %eq3A_128 : i1
        %convert_element_type3A_182 = arith.extui %or3A_181 : i1 to i32
        %cond3A_183 = arith.constant 0 : i32
        %cond3A_184 = arith.cmpi ne, %convert_element_type3A_182, %cond3A_183 : i32
        scf.if %cond3A_184 {
          "tpu.trace_start"() <{level = 10 : i32, message = "ep_wait_in"}> : () -> ()
          %mul3A_264 = arith.constant 128 : i32
          %mul3A_265 = arith.muli %mul3A_264, %add3A_131 : i32
          %rem3A_266 = arith.constant 2 : i32
          %rem3A_267 = arith.remui %scan3A_123, %rem3A_266 : i32
          %dma_wait3A_268 = arith.constant 0 : i32
          %dma_wait3A_269 = arith.constant 0 : i32
          %dma_wait3A_270 = tpu.memref_slice %run_scoped3A[%rem3A_267, %dma_wait3A_268, %dma_wait3A_269] : memref<2x1x128xi32, #tpu.memory_space<vmem>> -> memref<1x1x128xi32, #tpu.memory_space<vmem>>
          %dma_wait3A_271 = tpu.memref_squeeze %dma_wait3A_270 : memref<1x1x128xi32, #tpu.memory_space<vmem>> -> memref<1x128xi32, #tpu.memory_space<vmem>>
          %dma_wait3A_272 = arith.constant 0 : i32
          %dma_wait3A_273 = tpu.memref_slice %arg3[%dma_wait3A_272, %mul3A_265] : memref<1x57344xi32, #tpu.memory_space<hbm>> -> memref<1x128xi32, #tpu.memory_space<hbm>>
          %dma_wait3A_274 = tpu.memref_slice %run_scoped3A_7[%rem3A_267] : memref<2x!tpu.dma_semaphore, #tpu.memory_space<semaphore_mem>> -> memref<1x!tpu.dma_semaphore, #tpu.memory_space<semaphore_mem>>
          %dma_wait3A_275 = tpu.memref_squeeze %dma_wait3A_274 : memref<1x!tpu.dma_semaphore, #tpu.memory_space<semaphore_mem>> -> memref<!tpu.dma_semaphore, #tpu.memory_space<semaphore_mem>>
          %dma_wait3A_276 = arith.constant 0 : i32
          %dma_wait3A_277 = arith.constant 0 : i32
          %dma_wait3A_278 = tpu.memref_slice %run_scoped3A[%rem3A_267, %dma_wait3A_276, %dma_wait3A_277] : memref<2x1x128xi32, #tpu.memory_space<vmem>> -> memref<1x1x128xi32, #tpu.memory_space<vmem>>
          %dma_wait3A_279 = tpu.memref_squeeze %dma_wait3A_278 : memref<1x1x128xi32, #tpu.memory_space<vmem>> -> memref<1x128xi32, #tpu.memory_space<vmem>>
          %dma_wait3A_280 = arith.constant 0 : i32
          %dma_wait3A_281 = tpu.memref_slice %arg3[%dma_wait3A_280, %mul3A_265] : memref<1x57344xi32, #tpu.memory_space<hbm>> -> memref<1x128xi32, #tpu.memory_space<hbm>>
          tpu.wait_dma2 semaphore(%dma_wait3A_275 : memref<!tpu.dma_semaphore, #tpu.memory_space<semaphore_mem>>) src(%dma_wait3A_281 : memref<1x128xi32, #tpu.memory_space<hbm>>) dst(%dma_wait3A_279 : memref<1x128xi32, #tpu.memory_space<vmem>>)
          "tpu.trace_stop"() : () -> ()
        } else {
        }
        %ne3A_185 = arith.cmpi ne, %add3A_131, %add3A_140 : i32
        %or3A_186 = arith.constant false
        %or3A_187 = arith.ori %or3A_186, %ne3A_185 : i1
        %or3A_188 = arith.constant false
        %or3A_189 = arith.ori %or3A_187, %or3A_188 : i1
        %or3A_190 = arith.ori %or3A_189, %eq3A_128 : i1
        %convert_element_type3A_191 = arith.extui %or3A_190 : i1 to i32
        %cond3A_192 = arith.constant 0 : i32
        %cond3A_193 = arith.cmpi ne, %convert_element_type3A_191, %cond3A_192 : i32
        scf.if %cond3A_193 {
        } else {
        }
        %rem3A_194 = arith.constant 2 : i32
        %rem3A_195 = arith.remui %scan3A_123, %rem3A_194 : i32
        %rem3A_196 = arith.constant 2 : i32
        %rem3A_197 = arith.remui %scan3A_124, %rem3A_196 : i32
        %run_scoped3A_198 = arith.constant 0 : i32
        "tpu.trace_start"() <{level = 10 : i32, message = "ep_run_kernel"}> : () -> ()
        "tpu.region"() ({
          %run_scoped3A_264 = tpu.sem_alloc : memref<!tpu.dma_semaphore, #tpu.memory_space<semaphore_mem>>
          %dma_start3A_265 = arith.constant 0 : i32
          %dma_start3A_266 = arith.constant 0 : i32
          %dma_start3A_267 = tpu.memref_slice %run_scoped3A_8[%rem3A_197, %dma_start3A_265, %dma_start3A_266] : memref<2x128x128xf32, #tpu.memory_space<vmem>> -> memref<1x128x128xf32, #tpu.memory_space<vmem>>
          %dma_start3A_268 = tpu.memref_squeeze %dma_start3A_267 : memref<1x128x128xf32, #tpu.memory_space<vmem>> -> memref<128x128xf32, #tpu.memory_space<vmem>>
          %dma_start3A_269 = arith.constant 0 : i32
          %dma_start3A_270 = arith.constant 0 : i32
          %dma_start3A_271 = tpu.memref_slice %run_scoped3A[%rem3A_195, %dma_start3A_269, %dma_start3A_270] : memref<2x1x128xi32, #tpu.memory_space<vmem>> -> memref<1x1x128xi32, #tpu.memory_space<vmem>>
          %dma_start3A_272 = tpu.memref_squeeze %dma_start3A_271 : memref<1x1x128xi32, #tpu.memory_space<vmem>> -> memref<1x128xi32, #tpu.memory_space<vmem>>
          %dma_start3A_273 = arith.constant 0 : i32
          %dma_start3A_274 = tpu.memref_slice %dma_start3A_272[%run_scoped3A_198, %dma_start3A_273] : memref<1x128xi32, #tpu.memory_space<vmem>> -> memref<1x128xi32, #tpu.memory_space<vmem>>
          %dma_start3A_275 = tpu.memref_squeeze %dma_start3A_274 : memref<1x128xi32, #tpu.memory_space<vmem>> -> memref<128xi32, #tpu.memory_space<vmem>>
          %dma_start3A_276 = arith.constant 0 : i32
          %dma_start3A_277 = arith.constant 0 : i32
          %dma_start3A_278 = tpu.memref_slice %arg2[%dma_start3A_276, %dma_start3A_277] : memref<802816x128xf32, #tpu.memory_space<hbm>> -> memref<802816x128xf32, #tpu.memory_space<hbm>>
          tpu.enqueue_indirect_dma source(%dma_start3A_278 : memref<802816x128xf32, #tpu.memory_space<hbm>>) target(%dma_start3A_268 : memref<128x128xf32, #tpu.memory_space<vmem>>) offsets(%dma_start3A_275 : memref<128xi32, #tpu.memory_space<vmem>>) semaphore(%run_scoped3A_264 : memref<!tpu.dma_semaphore, #tpu.memory_space<semaphore_mem>>)
          %dma_wait3A_279 = arith.constant 0 : i32
          %dma_wait3A_280 = arith.constant 0 : i32
          %dma_wait3A_281 = tpu.memref_slice %run_scoped3A_8[%rem3A_197, %dma_wait3A_279, %dma_wait3A_280] : memref<2x128x128xf32, #tpu.memory_space<vmem>> -> memref<1x128x128xf32, #tpu.memory_space<vmem>>
          %dma_wait3A_282 = tpu.memref_squeeze %dma_wait3A_281 : memref<1x128x128xf32, #tpu.memory_space<vmem>> -> memref<128x128xf32, #tpu.memory_space<vmem>>
          %dma_wait3A_283 = arith.constant 0 : i32
          %dma_wait3A_284 = arith.constant 0 : i32
          %dma_wait3A_285 = tpu.memref_slice %run_scoped3A[%rem3A_195, %dma_wait3A_283, %dma_wait3A_284] : memref<2x1x128xi32, #tpu.memory_space<vmem>> -> memref<1x1x128xi32, #tpu.memory_space<vmem>>
          %dma_wait3A_286 = tpu.memref_squeeze %dma_wait3A_285 : memref<1x1x128xi32, #tpu.memory_space<vmem>> -> memref<1x128xi32, #tpu.memory_space<vmem>>
          %dma_wait3A_287 = arith.constant 0 : i32
          %dma_wait3A_288 = tpu.memref_slice %dma_wait3A_286[%run_scoped3A_198, %dma_wait3A_287] : memref<1x128xi32, #tpu.memory_space<vmem>> -> memref<1x128xi32, #tpu.memory_space<vmem>>
          %dma_wait3A_289 = tpu.memref_squeeze %dma_wait3A_288 : memref<1x128xi32, #tpu.memory_space<vmem>> -> memref<128xi32, #tpu.memory_space<vmem>>
          %dma_wait3A_290 = arith.constant 0 : i32
          %dma_wait3A_291 = arith.constant 0 : i32
          %dma_wait3A_292 = tpu.memref_slice %arg2[%dma_wait3A_290, %dma_wait3A_291] : memref<802816x128xf32, #tpu.memory_space<hbm>> -> memref<802816x128xf32, #tpu.memory_space<hbm>>
          tpu.wait_indirect_dma semaphore(%run_scoped3A_264 : memref<!tpu.dma_semaphore, #tpu.memory_space<semaphore_mem>>) src(%dma_wait3A_292 : memref<802816x128xf32, #tpu.memory_space<hbm>>) dst(%dma_wait3A_282 : memref<128x128xf32, #tpu.memory_space<vmem>>)
          tpu.yield
        }) : () -> ()
        "tpu.trace_stop"() : () -> ()
        %ne3A_199 = arith.cmpi ne, %add3A_131, %add3A_149 : i32
        %or3A_200 = arith.constant false
        %or3A_201 = arith.ori %or3A_200, %ne3A_199 : i1
        %or3A_202 = arith.ori %or3A_201, %eq3A_130 : i1
        %convert_element_type3A_203 = arith.extui %or3A_202 : i1 to i32
        %cond3A_204 = arith.constant 0 : i32
        %cond3A_205 = arith.cmpi ne, %convert_element_type3A_203, %cond3A_204 : i32
        scf.if %cond3A_205 {
        } else {
        }
        %and3A_206 = arith.constant false
        %and3A_207 = arith.andi %or3A_202, %and3A_206 : i1
        %ne3A_208 = arith.cmpi ne, %add3A_131, %add3A_149 : i32
        %or3A_209 = arith.constant false
        %or3A_210 = arith.ori %or3A_209, %ne3A_208 : i1
        %or3A_211 = arith.constant false
        %or3A_212 = arith.ori %or3A_210, %or3A_211 : i1
        %or3A_213 = arith.ori %or3A_212, %eq3A_130 : i1
        %convert_element_type3A_214 = arith.extui %or3A_213 : i1 to i32
        %cond3A_215 = arith.constant 0 : i32
        %cond3A_216 = arith.cmpi ne, %convert_element_type3A_214, %cond3A_215 : i32
        scf.if %cond3A_216 {
          "tpu.trace_start"() <{level = 10 : i32, message = "ep_copy_out"}> : () -> ()
          %rem3A_264 = arith.constant 2 : i32
          %rem3A_265 = arith.remui %scan3A_124, %rem3A_264 : i32
          %mul3A_266 = arith.constant 128 : i32
          %mul3A_267 = arith.muli %mul3A_266, %add3A_131 : i32
          %dma_start3A_268 = arith.constant 0 : i32
          %dma_start3A_269 = arith.constant 0 : i32
          %dma_start3A_270 = tpu.memref_slice %run_scoped3A_8[%rem3A_265, %dma_start3A_268, %dma_start3A_269] : memref<2x128x128xf32, #tpu.memory_space<vmem>> -> memref<1x128x128xf32, #tpu.memory_space<vmem>>
          %dma_start3A_271 = tpu.memref_squeeze %dma_start3A_270 : memref<1x128x128xf32, #tpu.memory_space<vmem>> -> memref<128x128xf32, #tpu.memory_space<vmem>>
          %dma_start3A_272 = arith.constant 0 : i32
          %dma_start3A_273 = tpu.memref_slice %arg4[%mul3A_267, %dma_start3A_272] : memref<57344x128xf32, #tpu.memory_space<hbm>> -> memref<128x128xf32, #tpu.memory_space<hbm>>
          %dma_start3A_274 = tpu.memref_slice %run_scoped3A_9[%rem3A_265] : memref<2x!tpu.dma_semaphore, #tpu.memory_space<semaphore_mem>> -> memref<1x!tpu.dma_semaphore, #tpu.memory_space<semaphore_mem>>
          %dma_start3A_275 = tpu.memref_squeeze %dma_start3A_274 : memref<1x!tpu.dma_semaphore, #tpu.memory_space<semaphore_mem>> -> memref<!tpu.dma_semaphore, #tpu.memory_space<semaphore_mem>>
          %dma_start3A_276 = arith.constant 0 : i32
          %dma_start3A_277 = tpu.memref_slice %arg4[%mul3A_267, %dma_start3A_276] : memref<57344x128xf32, #tpu.memory_space<hbm>> -> memref<128x128xf32, #tpu.memory_space<hbm>>
          %dma_start3A_278 = arith.constant 0 : i32
          %dma_start3A_279 = arith.constant 0 : i32
          %dma_start3A_280 = tpu.memref_slice %run_scoped3A_8[%rem3A_265, %dma_start3A_278, %dma_start3A_279] : memref<2x128x128xf32, #tpu.memory_space<vmem>> -> memref<1x128x128xf32, #tpu.memory_space<vmem>>
          %dma_start3A_281 = tpu.memref_squeeze %dma_start3A_280 : memref<1x128x128xf32, #tpu.memory_space<vmem>> -> memref<128x128xf32, #tpu.memory_space<vmem>>
          tpu.enqueue_dma source(%dma_start3A_281 : memref<128x128xf32, #tpu.memory_space<vmem>>) target(%dma_start3A_277 : memref<128x128xf32, #tpu.memory_space<hbm>>) target_semaphore(%dma_start3A_275 : memref<!tpu.dma_semaphore, #tpu.memory_space<semaphore_mem>>)
          "tpu.trace_stop"() : () -> ()
        } else {
        }
        %and3A_217 = arith.constant true
        %and3A_218 = arith.andi %or3A_213, %and3A_217 : i1
        %add3A_219 = arith.constant 1 : i32
        %add3A_220 = arith.addi %scan3A_124, %add3A_219 : i32
        %select_n3A_221 = arith.select %and3A_218, %add3A_220, %scan3A_124 : i32
        %ne3A_222 = arith.cmpi ne, %add3A_131, %add3A_140 : i32
        %or3A_223 = arith.constant false
        %or3A_224 = arith.ori %or3A_223, %ne3A_222 : i1
        %not3A_225 = arith.constant true
        %not3A_226 = arith.xori %eq3A_128, %not3A_225 : i1
        %and3A_227 = arith.andi %or3A_224, %not3A_226 : i1
        %convert_element_type3A_228 = arith.extui %and3A_227 : i1 to i32
        %cond3A_229 = arith.constant 0 : i32
        %cond3A_230 = arith.cmpi ne, %convert_element_type3A_228, %cond3A_229 : i32
        scf.if %cond3A_230 {
        } else {
        }
        %and3A_231 = arith.constant false
        %and3A_232 = arith.andi %and3A_227, %and3A_231 : i1
        %ne3A_233 = arith.cmpi ne, %add3A_131, %add3A_140 : i32
        %or3A_234 = arith.constant false
        %or3A_235 = arith.ori %or3A_234, %ne3A_233 : i1
        %or3A_236 = arith.constant false
        %or3A_237 = arith.ori %or3A_235, %or3A_236 : i1
        %not3A_238 = arith.constant true
        %not3A_239 = arith.xori %eq3A_128, %not3A_238 : i1
        %and3A_240 = arith.andi %or3A_237, %not3A_239 : i1
        %convert_element_type3A_241 = arith.extui %and3A_240 : i1 to i32
        %cond3A_242 = arith.constant 0 : i32
        %cond3A_243 = arith.cmpi ne, %convert_element_type3A_241, %cond3A_242 : i32
        scf.if %cond3A_243 {
          "tpu.trace_start"() <{level = 10 : i32, message = "ep_wait_out"}> : () -> ()
          %rem3A_264 = arith.constant 2 : i32
          %rem3A_265 = arith.remui %scan3A_125, %rem3A_264 : i32
          %mul3A_266 = arith.constant 128 : i32
          %mul3A_267 = arith.muli %mul3A_266, %add3A_140 : i32
          %dma_wait3A_268 = arith.constant 0 : i32
          %dma_wait3A_269 = arith.constant 0 : i32
          %dma_wait3A_270 = tpu.memref_slice %run_scoped3A_8[%rem3A_265, %dma_wait3A_268, %dma_wait3A_269] : memref<2x128x128xf32, #tpu.memory_space<vmem>> -> memref<1x128x128xf32, #tpu.memory_space<vmem>>
          %dma_wait3A_271 = tpu.memref_squeeze %dma_wait3A_270 : memref<1x128x128xf32, #tpu.memory_space<vmem>> -> memref<128x128xf32, #tpu.memory_space<vmem>>
          %dma_wait3A_272 = arith.constant 0 : i32
          %dma_wait3A_273 = tpu.memref_slice %arg4[%mul3A_267, %dma_wait3A_272] : memref<57344x128xf32, #tpu.memory_space<hbm>> -> memref<128x128xf32, #tpu.memory_space<hbm>>
          %dma_wait3A_274 = tpu.memref_slice %run_scoped3A_9[%rem3A_265] : memref<2x!tpu.dma_semaphore, #tpu.memory_space<semaphore_mem>> -> memref<1x!tpu.dma_semaphore, #tpu.memory_space<semaphore_mem>>
          %dma_wait3A_275 = tpu.memref_squeeze %dma_wait3A_274 : memref<1x!tpu.dma_semaphore, #tpu.memory_space<semaphore_mem>> -> memref<!tpu.dma_semaphore, #tpu.memory_space<semaphore_mem>>
          %dma_wait3A_276 = arith.constant 0 : i32
          %dma_wait3A_277 = tpu.memref_slice %arg4[%mul3A_267, %dma_wait3A_276] : memref<57344x128xf32, #tpu.memory_space<hbm>> -> memref<128x128xf32, #tpu.memory_space<hbm>>
          %dma_wait3A_278 = arith.constant 0 : i32
          %dma_wait3A_279 = arith.constant 0 : i32
          %dma_wait3A_280 = tpu.memref_slice %run_scoped3A_8[%rem3A_265, %dma_wait3A_278, %dma_wait3A_279] : memref<2x128x128xf32, #tpu.memory_space<vmem>> -> memref<1x128x128xf32, #tpu.memory_space<vmem>>
          %dma_wait3A_281 = tpu.memref_squeeze %dma_wait3A_280 : memref<1x128x128xf32, #tpu.memory_space<vmem>> -> memref<128x128xf32, #tpu.memory_space<vmem>>
          tpu.wait_dma2 semaphore(%dma_wait3A_275 : memref<!tpu.dma_semaphore, #tpu.memory_space<semaphore_mem>>) src(%dma_wait3A_281 : memref<128x128xf32, #tpu.memory_space<vmem>>) dst(%dma_wait3A_277 : memref<128x128xf32, #tpu.memory_space<hbm>>)
          "tpu.trace_stop"() : () -> ()
        } else {
        }
        %and3A_244 = arith.constant true
        %and3A_245 = arith.andi %and3A_240, %and3A_244 : i1
        %add3A_246 = arith.constant 1 : i32
        %add3A_247 = arith.addi %scan3A_125, %add3A_246 : i32
        %select_n3A_248 = arith.select %and3A_245, %add3A_247, %scan3A_125 : i32
        %ne3A_249 = arith.cmpi ne, %add3A_131, %add3A_149 : i32
        %or3A_250 = arith.constant false
        %or3A_251 = arith.ori %or3A_250, %ne3A_249 : i1
        %or3A_252 = arith.ori %or3A_251, %eq3A_130 : i1
        %add3A_253 = arith.constant 1 : i32
        %add3A_254 = arith.addi %scan3A_123, %add3A_253 : i32
        %select_n3A_255 = arith.select %or3A_252, %add3A_254, %scan3A_123 : i32
        %add3A_256 = arith.constant 1 : i32
        %add3A_257 = arith.addi %scan3A_126, %add3A_256 : i32
        %select_n3A_258 = arith.constant true
        %select_n3A_259 = arith.select %select_n3A_258, %add3A_257, %scan3A_126 : i32
        %eq3A_260 = arith.constant 14 : i32
        %eq3A_261 = arith.cmpi eq, %select_n3A_259, %eq3A_260 : i32
        %select_n3A_262 = arith.constant 0 : i32
        %select_n3A_263 = arith.select %eq3A_261, %select_n3A_262, %select_n3A_259 : i32
        scf.yield %select_n3A_167, %select_n3A_255, %select_n3A_221, %select_n3A_248, %select_n3A_263 : i32, i32, i32, i32, i32
      }
      %scan3A_68 = arith.constant 14 : i32
      %sub3A = arith.constant 1 : i32
      %sub3A_69 = arith.subi %scan3A_67#4, %sub3A : i32
      %select_n3A_70 = arith.constant true
      %select_n3A_71 = arith.select %select_n3A_70, %sub3A_69, %scan3A_67#4 : i32
      %eq3A_72 = arith.constant -1 : i32
      %eq3A_73 = arith.cmpi eq, %select_n3A_71, %eq3A_72 : i32
      %select_n3A_74 = arith.constant 13 : i32
      %select_n3A_75 = arith.select %eq3A_73, %select_n3A_74, %select_n3A_71 : i32
      %add3A_76 = arith.addi %select_n3A_75, %mul3A_6 : i32
      %sub3A_77 = arith.constant 1 : i32
      %sub3A_78 = arith.subi %select_n3A_75, %sub3A_77 : i32
      %select_n3A_79 = arith.constant true
      %select_n3A_80 = arith.select %select_n3A_79, %sub3A_78, %select_n3A_75 : i32
      %eq3A_81 = arith.constant -1 : i32
      %eq3A_82 = arith.cmpi eq, %select_n3A_80, %eq3A_81 : i32
      %select_n3A_83 = arith.constant 13 : i32
      %select_n3A_84 = arith.select %eq3A_82, %select_n3A_83, %select_n3A_80 : i32
      %add3A_85 = arith.addi %select_n3A_84, %mul3A_6 : i32
      %add3A_86 = arith.constant 1 : i32
      %add3A_87 = arith.addi %select_n3A_75, %add3A_86 : i32
      %select_n3A_88 = arith.constant true
      %select_n3A_89 = arith.select %select_n3A_88, %add3A_87, %select_n3A_75 : i32
      %eq3A_90 = arith.constant 14 : i32
      %eq3A_91 = arith.cmpi eq, %select_n3A_89, %eq3A_90 : i32
      %select_n3A_92 = arith.constant 0 : i32
      %select_n3A_93 = arith.select %eq3A_91, %select_n3A_92, %select_n3A_89 : i32
      %add3A_94 = arith.addi %select_n3A_93, %mul3A_6 : i32
      %add3A_95 = arith.constant 1 : i32
      %add3A_96 = arith.addi %select_n3A_93, %add3A_95 : i32
      %select_n3A_97 = arith.constant true
      %select_n3A_98 = arith.select %select_n3A_97, %add3A_96, %select_n3A_93 : i32
      %eq3A_99 = arith.constant 14 : i32
      %eq3A_100 = arith.cmpi eq, %select_n3A_98, %eq3A_99 : i32
      %select_n3A_101 = arith.constant 0 : i32
      %select_n3A_102 = arith.select %eq3A_100, %select_n3A_101, %select_n3A_98 : i32
      %add3A_103 = arith.addi %select_n3A_102, %mul3A_6 : i32
      "tpu.trace_start"() <{level = 10 : i32, message = "ep_finalize"}> : () -> ()
      %rem3A_104 = arith.constant 2 : i32
      %rem3A_105 = arith.remui %scan3A_67#3, %rem3A_104 : i32
      %mul3A_106 = arith.constant 128 : i32
      %mul3A_107 = arith.muli %mul3A_106, %add3A_76 : i32
      %dma_wait3A = arith.constant 0 : i32
      %dma_wait3A_108 = arith.constant 0 : i32
      %dma_wait3A_109 = tpu.memref_slice %run_scoped3A_8[%rem3A_105, %dma_wait3A, %dma_wait3A_108] : memref<2x128x128xf32, #tpu.memory_space<vmem>> -> memref<1x128x128xf32, #tpu.memory_space<vmem>>
      %dma_wait3A_110 = tpu.memref_squeeze %dma_wait3A_109 : memref<1x128x128xf32, #tpu.memory_space<vmem>> -> memref<128x128xf32, #tpu.memory_space<vmem>>
      %dma_wait3A_111 = arith.constant 0 : i32
      %dma_wait3A_112 = tpu.memref_slice %arg4[%mul3A_107, %dma_wait3A_111] : memref<57344x128xf32, #tpu.memory_space<hbm>> -> memref<128x128xf32, #tpu.memory_space<hbm>>
      %dma_wait3A_113 = tpu.memref_slice %run_scoped3A_9[%rem3A_105] : memref<2x!tpu.dma_semaphore, #tpu.memory_space<semaphore_mem>> -> memref<1x!tpu.dma_semaphore, #tpu.memory_space<semaphore_mem>>
      %dma_wait3A_114 = tpu.memref_squeeze %dma_wait3A_113 : memref<1x!tpu.dma_semaphore, #tpu.memory_space<semaphore_mem>> -> memref<!tpu.dma_semaphore, #tpu.memory_space<semaphore_mem>>
      %dma_wait3A_115 = arith.constant 0 : i32
      %dma_wait3A_116 = tpu.memref_slice %arg4[%mul3A_107, %dma_wait3A_115] : memref<57344x128xf32, #tpu.memory_space<hbm>> -> memref<128x128xf32, #tpu.memory_space<hbm>>
      %dma_wait3A_117 = arith.constant 0 : i32
      %dma_wait3A_118 = arith.constant 0 : i32
      %dma_wait3A_119 = tpu.memref_slice %run_scoped3A_8[%rem3A_105, %dma_wait3A_117, %dma_wait3A_118] : memref<2x128x128xf32, #tpu.memory_space<vmem>> -> memref<1x128x128xf32, #tpu.memory_space<vmem>>
      %dma_wait3A_120 = tpu.memref_squeeze %dma_wait3A_119 : memref<1x128x128xf32, #tpu.memory_space<vmem>> -> memref<128x128xf32, #tpu.memory_space<vmem>>
      tpu.wait_dma2 semaphore(%dma_wait3A_114 : memref<!tpu.dma_semaphore, #tpu.memory_space<semaphore_mem>>) src(%dma_wait3A_120 : memref<128x128xf32, #tpu.memory_space<vmem>>) dst(%dma_wait3A_116 : memref<128x128xf32, #tpu.memory_space<hbm>>)
      "tpu.trace_stop"() : () -> ()
      tpu.yield
    }) : () -> ()
    return
  }
}

module attributes {stable_mosaic.version = 14 : i64} {
  func.func @_k1_body(%arg0: i32, %arg1: memref<1024x512xf32, #tpu.memory_space<vmem>>, %arg2: memref<1024x512xf32, #tpu.memory_space<vmem>>, %arg3: memref<1024x1xi32, #tpu.memory_space<vmem>>, %arg4: memref<1x1024xi32, #tpu.memory_space<vmem>>, %arg5: memref<2048x512xf32, #tpu.memory_space<vmem>>, %arg6: memref<128x16x8x128xf32, #tpu.memory_space<vmem>>, %arg7: memref<16x1024xf32, #tpu.memory_space<vmem>>) attributes {dimension_semantics = [#tpu.dimension_semantics<arbitrary>], iteration_bounds = array<i64: 49>, scalar_prefetch = 0 : i64, scratch_operands = 0 : i64, tpu.core_type = #tpu.core_type<tc>, window_params = [{pipeline_mode = #tpu.pipeline_mode<synchronous>, transform_indices = @transform_0, window_bounds = array<i64: 1024, 512>}, {pipeline_mode = #tpu.pipeline_mode<synchronous>, transform_indices = @transform_1, window_bounds = array<i64: 1024, 512>}, {pipeline_mode = #tpu.pipeline_mode<synchronous>, transform_indices = @transform_2, window_bounds = array<i64: 1024, 1>}, {pipeline_mode = #tpu.pipeline_mode<synchronous>, transform_indices = @transform_3, window_bounds = array<i64: 1, 1024>}, {transform_indices = @transform_4, window_bounds = array<i64: 2048, 512>}, {transform_indices = @transform_5, window_bounds = array<i64: 128, 16, 8, 128>}, {transform_indices = @transform_6, window_bounds = array<i64: 16, 1024>}]} {
    %get3A = arith.constant 0 : index
    %get3A_0 = arith.constant 0 : index
    %get3A_1 = vector.load %arg1[%get3A, %get3A_0] : memref<1024x512xf32, #tpu.memory_space<vmem>>, vector<1024x512xf32>
    %get3A_2 = arith.constant 0 : index
    %get3A_3 = arith.constant 0 : index
    %get3A_4 = vector.load %arg2[%get3A_2, %get3A_3] : memref<1024x512xf32, #tpu.memory_space<vmem>>, vector<1024x512xf32>
    %mul3A = arith.mulf %get3A_1, %get3A_4 : vector<1024x512xf32>
    %get3A_5 = arith.constant 0 : index
    %get3A_6 = arith.constant 0 : index
    %get3A_7 = vector.load %arg5[%get3A_5, %get3A_6] : memref<2048x512xf32, #tpu.memory_space<vmem>>, vector<2048x512xf32>
    %dot_general3A = arith.constant dense<0.000000e+00> : vector<1024x2048xf32>
    %dot_general3A_8 = tpu.matmul %mul3A, %get3A_7, %dot_general3A {dimension_numbers = #tpu.dot_dimension_numbers<[1], [1], [0], [0], [0, 0, 1, 0], [], []>, transpose_lhs_hint = false} : vector<1024x512xf32>, vector<2048x512xf32>, vector<1024x2048xf32> -> vector<1024x2048xf32>
    %mul3A_9 = arith.constant 2048 : i32
    %mul3A_10 = arith.muli %arg0, %mul3A_9 : i32
    %iota3A = tpu.iota {dimensions = array<i32: 1>} : vector<1024x2048xi32>
    %add3A = vector.broadcast %mul3A_10 : i32 to vector<1024x2048xi32>
    %add3A_11 = arith.addi %add3A, %iota3A : vector<1024x2048xi32>
    %get3A_12 = arith.constant 0 : index
    %get3A_13 = arith.constant 0 : index
    %get3A_14 = vector.load %arg3[%get3A_12, %get3A_13] : memref<1024x1xi32, #tpu.memory_space<vmem>>, vector<1024x1xi32>
    %eq3A = vector.broadcast %get3A_14 : vector<1024x1xi32> to vector<1024x2048xi32>
    %eq3A_15 = arith.cmpi eq, %add3A_11, %eq3A : vector<1024x2048xi32>
    %ge3A = arith.constant 100000 : i32
    %ge3A_16 = vector.broadcast %ge3A : i32 to vector<1024x2048xi32>
    %ge3A_17 = arith.cmpi sge, %add3A_11, %ge3A_16 : vector<1024x2048xi32>
    %or3A = arith.ori %eq3A_15, %ge3A_17 : vector<1024x2048xi1>
    %jit3A = arith.constant 0xFF800000 : f32
    %broadcast_in_dim3A = vector.broadcast %jit3A : f32 to vector<1024x2048xf32>
    %select_n3A = arith.select %or3A, %broadcast_in_dim3A, %dot_general3A_8 : vector<1024x2048xi1>, vector<1024x2048xf32>
    %slice3A = vector.extract_strided_slice %select_n3A {offsets = [0, 0], sizes = [1024, 128], strides = [1, 1]} : vector<1024x2048xf32> to vector<1024x128xf32>
    %reshape3A = vector.shape_cast %slice3A : vector<1024x128xf32> to vector<128x8x128xf32>
    %swap3A = arith.constant 0 : index
    %swap3A_18 = arith.constant 0 : index
    %swap3A_19 = arith.constant 0 : index
    %swap3A_20 = arith.constant 0 : index
    %swap3A_21 = vector.load %arg6[%swap3A, %swap3A_18, %swap3A_19, %swap3A_20] : memref<128x16x8x128xf32, #tpu.memory_space<vmem>>, vector<128x1x8x128xf32>
    %swap3A_22 = vector.shape_cast %swap3A_21 : vector<128x1x8x128xf32> to vector<128x8x128xf32>
    %swap3A_23 = vector.shape_cast %reshape3A : vector<128x8x128xf32> to vector<128x1x8x128xf32>
    tpu.vector_store %arg6[%swap3A, %swap3A_18, %swap3A_19, %swap3A_20], %swap3A_23 {strides = array<i32>} : memref<128x16x8x128xf32, #tpu.memory_space<vmem>>, vector<128x1x8x128xf32>,
    %slice3A_24 = vector.extract_strided_slice %select_n3A {offsets = [0, 128], sizes = [1024, 128], strides = [1, 1]} : vector<1024x2048xf32> to vector<1024x128xf32>
    %reshape3A_25 = vector.shape_cast %slice3A_24 : vector<1024x128xf32> to vector<128x8x128xf32>
    %swap3A_26 = arith.constant 0 : index
    %swap3A_27 = arith.constant 1 : index
    %swap3A_28 = arith.constant 0 : index
    %swap3A_29 = arith.constant 0 : index
    %swap3A_30 = vector.load %arg6[%swap3A_26, %swap3A_27, %swap3A_28, %swap3A_29] : memref<128x16x8x128xf32, #tpu.memory_space<vmem>>, vector<128x1x8x128xf32>
    %swap3A_31 = vector.shape_cast %swap3A_30 : vector<128x1x8x128xf32> to vector<128x8x128xf32>
    %swap3A_32 = vector.shape_cast %reshape3A_25 : vector<128x8x128xf32> to vector<128x1x8x128xf32>
    tpu.vector_store %arg6[%swap3A_26, %swap3A_27, %swap3A_28, %swap3A_29], %swap3A_32 {strides = array<i32>} : memref<128x16x8x128xf32, #tpu.memory_space<vmem>>, vector<128x1x8x128xf32>,
    %slice3A_33 = vector.extract_strided_slice %select_n3A {offsets = [0, 256], sizes = [1024, 128], strides = [1, 1]} : vector<1024x2048xf32> to vector<1024x128xf32>
    %reshape3A_34 = vector.shape_cast %slice3A_33 : vector<1024x128xf32> to vector<128x8x128xf32>
    %swap3A_35 = arith.constant 0 : index
    %swap3A_36 = arith.constant 2 : index
    %swap3A_37 = arith.constant 0 : index
    %swap3A_38 = arith.constant 0 : index
    %swap3A_39 = vector.load %arg6[%swap3A_35, %swap3A_36, %swap3A_37, %swap3A_38] : memref<128x16x8x128xf32, #tpu.memory_space<vmem>>, vector<128x1x8x128xf32>
    %swap3A_40 = vector.shape_cast %swap3A_39 : vector<128x1x8x128xf32> to vector<128x8x128xf32>
    %swap3A_41 = vector.shape_cast %reshape3A_34 : vector<128x8x128xf32> to vector<128x1x8x128xf32>
    tpu.vector_store %arg6[%swap3A_35, %swap3A_36, %swap3A_37, %swap3A_38], %swap3A_41 {strides = array<i32>} : memref<128x16x8x128xf32, #tpu.memory_space<vmem>>, vector<128x1x8x128xf32>,
    %slice3A_42 = vector.extract_strided_slice %select_n3A {offsets = [0, 384], sizes = [1024, 128], strides = [1, 1]} : vector<1024x2048xf32> to vector<1024x128xf32>
    %reshape3A_43 = vector.shape_cast %slice3A_42 : vector<1024x128xf32> to vector<128x8x128xf32>
    %swap3A_44 = arith.constant 0 : index
    %swap3A_45 = arith.constant 3 : index
    %swap3A_46 = arith.constant 0 : index
    %swap3A_47 = arith.constant 0 : index
    %swap3A_48 = vector.load %arg6[%swap3A_44, %swap3A_45, %swap3A_46, %swap3A_47] : memref<128x16x8x128xf32, #tpu.memory_space<vmem>>, vector<128x1x8x128xf32>
    %swap3A_49 = vector.shape_cast %swap3A_48 : vector<128x1x8x128xf32> to vector<128x8x128xf32>
    %swap3A_50 = vector.shape_cast %reshape3A_43 : vector<128x8x128xf32> to vector<128x1x8x128xf32>
    tpu.vector_store %arg6[%swap3A_44, %swap3A_45, %swap3A_46, %swap3A_47], %swap3A_50 {strides = array<i32>} : memref<128x16x8x128xf32, #tpu.memory_space<vmem>>, vector<128x1x8x128xf32>,
    %slice3A_51 = vector.extract_strided_slice %select_n3A {offsets = [0, 512], sizes = [1024, 128], strides = [1, 1]} : vector<1024x2048xf32> to vector<1024x128xf32>
    %reshape3A_52 = vector.shape_cast %slice3A_51 : vector<1024x128xf32> to vector<128x8x128xf32>
    %swap3A_53 = arith.constant 0 : index
    %swap3A_54 = arith.constant 4 : index
    %swap3A_55 = arith.constant 0 : index
    %swap3A_56 = arith.constant 0 : index
    %swap3A_57 = vector.load %arg6[%swap3A_53, %swap3A_54, %swap3A_55, %swap3A_56] : memref<128x16x8x128xf32, #tpu.memory_space<vmem>>, vector<128x1x8x128xf32>
    %swap3A_58 = vector.shape_cast %swap3A_57 : vector<128x1x8x128xf32> to vector<128x8x128xf32>
    %swap3A_59 = vector.shape_cast %reshape3A_52 : vector<128x8x128xf32> to vector<128x1x8x128xf32>
    tpu.vector_store %arg6[%swap3A_53, %swap3A_54, %swap3A_55, %swap3A_56], %swap3A_59 {strides = array<i32>} : memref<128x16x8x128xf32, #tpu.memory_space<vmem>>, vector<128x1x8x128xf32>,
    %slice3A_60 = vector.extract_strided_slice %select_n3A {offsets = [0, 640], sizes = [1024, 128], strides = [1, 1]} : vector<1024x2048xf32> to vector<1024x128xf32>
    %reshape3A_61 = vector.shape_cast %slice3A_60 : vector<1024x128xf32> to vector<128x8x128xf32>
    %swap3A_62 = arith.constant 0 : index
    %swap3A_63 = arith.constant 5 : index
    %swap3A_64 = arith.constant 0 : index
    %swap3A_65 = arith.constant 0 : index
    %swap3A_66 = vector.load %arg6[%swap3A_62, %swap3A_63, %swap3A_64, %swap3A_65] : memref<128x16x8x128xf32, #tpu.memory_space<vmem>>, vector<128x1x8x128xf32>
    %swap3A_67 = vector.shape_cast %swap3A_66 : vector<128x1x8x128xf32> to vector<128x8x128xf32>
    %swap3A_68 = vector.shape_cast %reshape3A_61 : vector<128x8x128xf32> to vector<128x1x8x128xf32>
    tpu.vector_store %arg6[%swap3A_62, %swap3A_63, %swap3A_64, %swap3A_65], %swap3A_68 {strides = array<i32>} : memref<128x16x8x128xf32, #tpu.memory_space<vmem>>, vector<128x1x8x128xf32>,
    %slice3A_69 = vector.extract_strided_slice %select_n3A {offsets = [0, 768], sizes = [1024, 128], strides = [1, 1]} : vector<1024x2048xf32> to vector<1024x128xf32>
    %reshape3A_70 = vector.shape_cast %slice3A_69 : vector<1024x128xf32> to vector<128x8x128xf32>
    %swap3A_71 = arith.constant 0 : index
    %swap3A_72 = arith.constant 6 : index
    %swap3A_73 = arith.constant 0 : index
    %swap3A_74 = arith.constant 0 : index
    %swap3A_75 = vector.load %arg6[%swap3A_71, %swap3A_72, %swap3A_73, %swap3A_74] : memref<128x16x8x128xf32, #tpu.memory_space<vmem>>, vector<128x1x8x128xf32>
    %swap3A_76 = vector.shape_cast %swap3A_75 : vector<128x1x8x128xf32> to vector<128x8x128xf32>
    %swap3A_77 = vector.shape_cast %reshape3A_70 : vector<128x8x128xf32> to vector<128x1x8x128xf32>
    tpu.vector_store %arg6[%swap3A_71, %swap3A_72, %swap3A_73, %swap3A_74], %swap3A_77 {strides = array<i32>} : memref<128x16x8x128xf32, #tpu.memory_space<vmem>>, vector<128x1x8x128xf32>,
    %slice3A_78 = vector.extract_strided_slice %select_n3A {offsets = [0, 896], sizes = [1024, 128], strides = [1, 1]} : vector<1024x2048xf32> to vector<1024x128xf32>
    %reshape3A_79 = vector.shape_cast %slice3A_78 : vector<1024x128xf32> to vector<128x8x128xf32>
    %swap3A_80 = arith.constant 0 : index
    %swap3A_81 = arith.constant 7 : index
    %swap3A_82 = arith.constant 0 : index
    %swap3A_83 = arith.constant 0 : index
    %swap3A_84 = vector.load %arg6[%swap3A_80, %swap3A_81, %swap3A_82, %swap3A_83] : memref<128x16x8x128xf32, #tpu.memory_space<vmem>>, vector<128x1x8x128xf32>
    %swap3A_85 = vector.shape_cast %swap3A_84 : vector<128x1x8x128xf32> to vector<128x8x128xf32>
    %swap3A_86 = vector.shape_cast %reshape3A_79 : vector<128x8x128xf32> to vector<128x1x8x128xf32>
    tpu.vector_store %arg6[%swap3A_80, %swap3A_81, %swap3A_82, %swap3A_83], %swap3A_86 {strides = array<i32>} : memref<128x16x8x128xf32, #tpu.memory_space<vmem>>, vector<128x1x8x128xf32>,
    %slice3A_87 = vector.extract_strided_slice %select_n3A {offsets = [0, 1024], sizes = [1024, 128], strides = [1, 1]} : vector<1024x2048xf32> to vector<1024x128xf32>
    %reshape3A_88 = vector.shape_cast %slice3A_87 : vector<1024x128xf32> to vector<128x8x128xf32>
    %swap3A_89 = arith.constant 0 : index
    %swap3A_90 = arith.constant 8 : index
    %swap3A_91 = arith.constant 0 : index
    %swap3A_92 = arith.constant 0 : index
    %swap3A_93 = vector.load %arg6[%swap3A_89, %swap3A_90, %swap3A_91, %swap3A_92] : memref<128x16x8x128xf32, #tpu.memory_space<vmem>>, vector<128x1x8x128xf32>
    %swap3A_94 = vector.shape_cast %swap3A_93 : vector<128x1x8x128xf32> to vector<128x8x128xf32>
    %swap3A_95 = vector.shape_cast %reshape3A_88 : vector<128x8x128xf32> to vector<128x1x8x128xf32>
    tpu.vector_store %arg6[%swap3A_89, %swap3A_90, %swap3A_91, %swap3A_92], %swap3A_95 {strides = array<i32>} : memref<128x16x8x128xf32, #tpu.memory_space<vmem>>, vector<128x1x8x128xf32>,
    %slice3A_96 = vector.extract_strided_slice %select_n3A {offsets = [0, 1152], sizes = [1024, 128], strides = [1, 1]} : vector<1024x2048xf32> to vector<1024x128xf32>
    %reshape3A_97 = vector.shape_cast %slice3A_96 : vector<1024x128xf32> to vector<128x8x128xf32>
    %swap3A_98 = arith.constant 0 : index
    %swap3A_99 = arith.constant 9 : index
    %swap3A_100 = arith.constant 0 : index
    %swap3A_101 = arith.constant 0 : index
    %swap3A_102 = vector.load %arg6[%swap3A_98, %swap3A_99, %swap3A_100, %swap3A_101] : memref<128x16x8x128xf32, #tpu.memory_space<vmem>>, vector<128x1x8x128xf32>
    %swap3A_103 = vector.shape_cast %swap3A_102 : vector<128x1x8x128xf32> to vector<128x8x128xf32>
    %swap3A_104 = vector.shape_cast %reshape3A_97 : vector<128x8x128xf32> to vector<128x1x8x128xf32>
    tpu.vector_store %arg6[%swap3A_98, %swap3A_99, %swap3A_100, %swap3A_101], %swap3A_104 {strides = array<i32>} : memref<128x16x8x128xf32, #tpu.memory_space<vmem>>, vector<128x1x8x128xf32>,
    %slice3A_105 = vector.extract_strided_slice %select_n3A {offsets = [0, 1280], sizes = [1024, 128], strides = [1, 1]} : vector<1024x2048xf32> to vector<1024x128xf32>
    %reshape3A_106 = vector.shape_cast %slice3A_105 : vector<1024x128xf32> to vector<128x8x128xf32>
    %swap3A_107 = arith.constant 0 : index
    %swap3A_108 = arith.constant 10 : index
    %swap3A_109 = arith.constant 0 : index
    %swap3A_110 = arith.constant 0 : index
    %swap3A_111 = vector.load %arg6[%swap3A_107, %swap3A_108, %swap3A_109, %swap3A_110] : memref<128x16x8x128xf32, #tpu.memory_space<vmem>>, vector<128x1x8x128xf32>
    %swap3A_112 = vector.shape_cast %swap3A_111 : vector<128x1x8x128xf32> to vector<128x8x128xf32>
    %swap3A_113 = vector.shape_cast %reshape3A_106 : vector<128x8x128xf32> to vector<128x1x8x128xf32>
    tpu.vector_store %arg6[%swap3A_107, %swap3A_108, %swap3A_109, %swap3A_110], %swap3A_113 {strides = array<i32>} : memref<128x16x8x128xf32, #tpu.memory_space<vmem>>, vector<128x1x8x128xf32>,
    %slice3A_114 = vector.extract_strided_slice %select_n3A {offsets = [0, 1408], sizes = [1024, 128], strides = [1, 1]} : vector<1024x2048xf32> to vector<1024x128xf32>
    %reshape3A_115 = vector.shape_cast %slice3A_114 : vector<1024x128xf32> to vector<128x8x128xf32>
    %swap3A_116 = arith.constant 0 : index
    %swap3A_117 = arith.constant 11 : index
    %swap3A_118 = arith.constant 0 : index
    %swap3A_119 = arith.constant 0 : index
    %swap3A_120 = vector.load %arg6[%swap3A_116, %swap3A_117, %swap3A_118, %swap3A_119] : memref<128x16x8x128xf32, #tpu.memory_space<vmem>>, vector<128x1x8x128xf32>
    %swap3A_121 = vector.shape_cast %swap3A_120 : vector<128x1x8x128xf32> to vector<128x8x128xf32>
    %swap3A_122 = vector.shape_cast %reshape3A_115 : vector<128x8x128xf32> to vector<128x1x8x128xf32>
    tpu.vector_store %arg6[%swap3A_116, %swap3A_117, %swap3A_118, %swap3A_119], %swap3A_122 {strides = array<i32>} : memref<128x16x8x128xf32, #tpu.memory_space<vmem>>, vector<128x1x8x128xf32>,
    %slice3A_123 = vector.extract_strided_slice %select_n3A {offsets = [0, 1536], sizes = [1024, 128], strides = [1, 1]} : vector<1024x2048xf32> to vector<1024x128xf32>
    %reshape3A_124 = vector.shape_cast %slice3A_123 : vector<1024x128xf32> to vector<128x8x128xf32>
    %swap3A_125 = arith.constant 0 : index
    %swap3A_126 = arith.constant 12 : index
    %swap3A_127 = arith.constant 0 : index
    %swap3A_128 = arith.constant 0 : index
    %swap3A_129 = vector.load %arg6[%swap3A_125, %swap3A_126, %swap3A_127, %swap3A_128] : memref<128x16x8x128xf32, #tpu.memory_space<vmem>>, vector<128x1x8x128xf32>
    %swap3A_130 = vector.shape_cast %swap3A_129 : vector<128x1x8x128xf32> to vector<128x8x128xf32>
    %swap3A_131 = vector.shape_cast %reshape3A_124 : vector<128x8x128xf32> to vector<128x1x8x128xf32>
    tpu.vector_store %arg6[%swap3A_125, %swap3A_126, %swap3A_127, %swap3A_128], %swap3A_131 {strides = array<i32>} : memref<128x16x8x128xf32, #tpu.memory_space<vmem>>, vector<128x1x8x128xf32>,
    %slice3A_132 = vector.extract_strided_slice %select_n3A {offsets = [0, 1664], sizes = [1024, 128], strides = [1, 1]} : vector<1024x2048xf32> to vector<1024x128xf32>
    %reshape3A_133 = vector.shape_cast %slice3A_132 : vector<1024x128xf32> to vector<128x8x128xf32>
    %swap3A_134 = arith.constant 0 : index
    %swap3A_135 = arith.constant 13 : index
    %swap3A_136 = arith.constant 0 : index
    %swap3A_137 = arith.constant 0 : index
    %swap3A_138 = vector.load %arg6[%swap3A_134, %swap3A_135, %swap3A_136, %swap3A_137] : memref<128x16x8x128xf32, #tpu.memory_space<vmem>>, vector<128x1x8x128xf32>
    %swap3A_139 = vector.shape_cast %swap3A_138 : vector<128x1x8x128xf32> to vector<128x8x128xf32>
    %swap3A_140 = vector.shape_cast %reshape3A_133 : vector<128x8x128xf32> to vector<128x1x8x128xf32>
    tpu.vector_store %arg6[%swap3A_134, %swap3A_135, %swap3A_136, %swap3A_137], %swap3A_140 {strides = array<i32>} : memref<128x16x8x128xf32, #tpu.memory_space<vmem>>, vector<128x1x8x128xf32>,
    %slice3A_141 = vector.extract_strided_slice %select_n3A {offsets = [0, 1792], sizes = [1024, 128], strides = [1, 1]} : vector<1024x2048xf32> to vector<1024x128xf32>
    %reshape3A_142 = vector.shape_cast %slice3A_141 : vector<1024x128xf32> to vector<128x8x128xf32>
    %swap3A_143 = arith.constant 0 : index
    %swap3A_144 = arith.constant 14 : index
    %swap3A_145 = arith.constant 0 : index
    %swap3A_146 = arith.constant 0 : index
    %swap3A_147 = vector.load %arg6[%swap3A_143, %swap3A_144, %swap3A_145, %swap3A_146] : memref<128x16x8x128xf32, #tpu.memory_space<vmem>>, vector<128x1x8x128xf32>
    %swap3A_148 = vector.shape_cast %swap3A_147 : vector<128x1x8x128xf32> to vector<128x8x128xf32>
    %swap3A_149 = vector.shape_cast %reshape3A_142 : vector<128x8x128xf32> to vector<128x1x8x128xf32>
    tpu.vector_store %arg6[%swap3A_143, %swap3A_144, %swap3A_145, %swap3A_146], %swap3A_149 {strides = array<i32>} : memref<128x16x8x128xf32, #tpu.memory_space<vmem>>, vector<128x1x8x128xf32>,
    %slice3A_150 = vector.extract_strided_slice %select_n3A {offsets = [0, 1920], sizes = [1024, 128], strides = [1, 1]} : vector<1024x2048xf32> to vector<1024x128xf32>
    %reshape3A_151 = vector.shape_cast %slice3A_150 : vector<1024x128xf32> to vector<128x8x128xf32>
    %swap3A_152 = arith.constant 0 : index
    %swap3A_153 = arith.constant 15 : index
    %swap3A_154 = arith.constant 0 : index
    %swap3A_155 = arith.constant 0 : index
    %swap3A_156 = vector.load %arg6[%swap3A_152, %swap3A_153, %swap3A_154, %swap3A_155] : memref<128x16x8x128xf32, #tpu.memory_space<vmem>>, vector<128x1x8x128xf32>
    %swap3A_157 = vector.shape_cast %swap3A_156 : vector<128x1x8x128xf32> to vector<128x8x128xf32>
    %swap3A_158 = vector.shape_cast %reshape3A_151 : vector<128x8x128xf32> to vector<128x1x8x128xf32>
    tpu.vector_store %arg6[%swap3A_152, %swap3A_153, %swap3A_154, %swap3A_155], %swap3A_158 {strides = array<i32>} : memref<128x16x8x128xf32, #tpu.memory_space<vmem>>, vector<128x1x8x128xf32>,
    %dot_general3A_159 = arith.constant dense<0.000000e+00> : vector<2048x1024xf32>
    %dot_general3A_160 = tpu.matmul %get3A_7, %mul3A, %dot_general3A_159 {dimension_numbers = #tpu.dot_dimension_numbers<[1], [1], [0], [0], [0, 0, 1, 0], [], []>, transpose_lhs_hint = false} : vector<2048x512xf32>, vector<1024x512xf32>, vector<2048x1024xf32> -> vector<2048x1024xf32>
    %mul3A_161 = arith.constant 2048 : i32
    %mul3A_162 = arith.muli %arg0, %mul3A_161 : i32
    %iota3A_163 = tpu.iota {dimensions = array<i32: 0>} : vector<2048x1024xi32>
    %add3A_164 = vector.broadcast %mul3A_162 : i32 to vector<2048x1024xi32>
    %add3A_165 = arith.addi %add3A_164, %iota3A_163 : vector<2048x1024xi32>
    %get3A_166 = arith.constant 0 : index
    %get3A_167 = arith.constant 0 : index
    %get3A_168 = vector.load %arg4[%get3A_166, %get3A_167] : memref<1x1024xi32, #tpu.memory_space<vmem>>, vector<1x1024xi32>
    %eq3A_169 = vector.broadcast %get3A_168 : vector<1x1024xi32> to vector<2048x1024xi32>
    %eq3A_170 = arith.cmpi eq, %add3A_165, %eq3A_169 : vector<2048x1024xi32>
    %ge3A_171 = arith.constant 100000 : i32
    %ge3A_172 = vector.broadcast %ge3A_171 : i32 to vector<2048x1024xi32>
    %ge3A_173 = arith.cmpi sge, %add3A_165, %ge3A_172 : vector<2048x1024xi32>
    %or3A_174 = arith.ori %eq3A_170, %ge3A_173 : vector<2048x1024xi1>
    %jit3A_175 = arith.constant 0xFF800000 : f32
    %broadcast_in_dim3A_176 = vector.broadcast %jit3A_175 : f32 to vector<2048x1024xf32>
    %select_n3A_177 = arith.select %or3A_174, %broadcast_in_dim3A_176, %dot_general3A_160 : vector<2048x1024xi1>, vector<2048x1024xf32>
    %reshape3A_178 = vector.shape_cast %select_n3A_177 : vector<2048x1024xf32> to vector<16x128x1024xf32>
    %reduce_max3A = arith.constant dense<0xFF800000> : vector<16x1024xf32>
    %reduce_max3A_179 = vector.multi_reduction <maximumf>, %reshape3A_178, %reduce_max3A [1] : vector<16x128x1024xf32> to vector<16x1024xf32>
    %swap3A_180 = arith.constant 0 : index
    %swap3A_181 = arith.constant 0 : index
    %swap3A_182 = vector.load %arg7[%swap3A_180, %swap3A_181] : memref<16x1024xf32, #tpu.memory_space<vmem>>, vector<16x1024xf32>
    tpu.vector_store %arg7[%swap3A_180, %swap3A_181], %reduce_max3A_179 {strides = array<i32>} : memref<16x1024xf32, #tpu.memory_space<vmem>>, vector<16x1024xf32>,
    return
  }
  func.func @transform_0(%arg0: i32) -> (i32, i32) {
    %c0_i32 = arith.constant 0 : i32
    %c0_i32_0 = arith.constant 0 : i32
    %c0_i32_1 = arith.constant 0 : i32
    return %c0_i32, %c0_i32_0 : i32, i32
  }
  func.func @transform_1(%arg0: i32) -> (i32, i32) {
    %c0_i32 = arith.constant 0 : i32
    %c0_i32_0 = arith.constant 0 : i32
    %c0_i32_1 = arith.constant 0 : i32
    return %c0_i32, %c0_i32_0 : i32, i32
  }
  func.func @transform_2(%arg0: i32) -> (i32, i32) {
    %c0_i32 = arith.constant 0 : i32
    %c0_i32_0 = arith.constant 0 : i32
    %c0_i32_1 = arith.constant 0 : i32
    return %c0_i32, %c0_i32_0 : i32, i32
  }
  func.func @transform_3(%arg0: i32) -> (i32, i32) {
    %c0_i32 = arith.constant 0 : i32
    %c0_i32_0 = arith.constant 0 : i32
    %c0_i32_1 = arith.constant 0 : i32
    return %c0_i32, %c0_i32_0 : i32, i32
  }
  func.func @transform_4(%arg0: i32) -> (i32, i32) {
    %c0_i32 = arith.constant 0 : i32
    %c0_i32_0 = arith.constant 0 : i32
    return %arg0, %c0_i32 : i32, i32
  }
  func.func @transform_5(%arg0: i32) -> (i32, i32, i32, i32) {
    %c0_i32 = arith.constant 0 : i32
    %c0_i32_0 = arith.constant 0 : i32
    %c0_i32_1 = arith.constant 0 : i32
    %c0_i32_2 = arith.constant 0 : i32
    return %c0_i32, %arg0, %c0_i32_0, %c0_i32_1 : i32, i32, i32, i32
  }
  func.func @transform_6(%arg0: i32) -> (i32, i32) {
    %c0_i32 = arith.constant 0 : i32
    %c0_i32_0 = arith.constant 0 : i32
    return %arg0, %c0_i32 : i32, i32
  }
}

module attributes {stable_mosaic.version = 14 : i64} {
  func.func @_k2a_body(%arg0: i32, %arg1: memref<784x1024xf32, #tpu.memory_space<vmem>>, %arg2: memref<56x1024xi32, #tpu.memory_space<vmem>>) attributes {dimension_semantics = [#tpu.dimension_semantics<arbitrary>], iteration_bounds = array<i64: 1>, scalar_prefetch = 0 : i64, scratch_operands = 0 : i64, tpu.core_type = #tpu.core_type<tc>, window_params = [{pipeline_mode = #tpu.pipeline_mode<synchronous>, transform_indices = @transform_0, window_bounds = array<i64: 784, 1024>}, {pipeline_mode = #tpu.pipeline_mode<synchronous>, transform_indices = @transform_1, window_bounds = array<i64: 56, 1024>}]} {
    %get3A = arith.constant 0 : index
    %get3A_0 = arith.constant 0 : index
    %get3A_1 = vector.load %arg1[%get3A, %get3A_0] : memref<784x1024xf32, #tpu.memory_space<vmem>>, vector<784x1024xf32>
    %iota3A = tpu.iota {dimensions = array<i32: 0>} : vector<784x1024xi32>
    %iota3A_2 = tpu.iota {dimensions = array<i32: 0>} : vector<56x1024xi32>
    %broadcast_in_dim3A = arith.constant 0 : i32
    %broadcast_in_dim3A_3 = vector.broadcast %broadcast_in_dim3A : i32 to vector<56x1024xi32>
    %scan3A = arith.constant 0 : i32
    %scan3A_4 = arith.constant 56 : i32
    %scan3A_5 = arith.addi %scan3A, %scan3A_4 : i32
    %scan3A_6 = arith.constant 1 : i32
    %scan3A_7:2 = scf.for %scan3A_681 = %scan3A to %scan3A_5 step %scan3A_6 iter_args(%scan3A_682 = %get3A_1, %scan3A_683 = %broadcast_in_dim3A_3) -> (vector<784x1024xf32>, vector<56x1024xi32>)  : i32 {
      %reduce_max3A = arith.constant dense<0xFF800000> : vector<1024xf32>
      %reduce_max3A_684 = vector.multi_reduction <maximumf>, %scan3A_682, %reduce_max3A [0] : vector<784x1024xf32> to vector<1024xf32>
      %broadcast_in_dim3A_685 = vector.shape_cast %reduce_max3A_684 : vector<1024xf32> to vector<1x1024xf32>
      %eq3A_686 = vector.broadcast %broadcast_in_dim3A_685 : vector<1x1024xf32> to vector<784x1024xf32>
      %eq3A_687 = arith.cmpf oeq, %scan3A_682, %eq3A_686 : vector<784x1024xf32>
      %jit3A = arith.constant 784 : i32
      %broadcast_in_dim3A_688 = vector.broadcast %jit3A : i32 to vector<784x1024xi32>
      %select_n3A_689 = arith.select %eq3A_687, %iota3A, %broadcast_in_dim3A_688 : vector<784x1024xi1>, vector<784x1024xi32>
      %reduce_min3A = arith.constant dense<2147483647> : vector<1024xi32>
      %reduce_min3A_690 = vector.multi_reduction <minsi>, %select_n3A_689, %reduce_min3A [0] : vector<784x1024xi32> to vector<1024xi32>
      %broadcast_in_dim3A_691 = vector.shape_cast %reduce_min3A_690 : vector<1024xi32> to vector<1x1024xi32>
      %eq3A_692 = vector.broadcast %broadcast_in_dim3A_691 : vector<1x1024xi32> to vector<784x1024xi32>
      %eq3A_693 = arith.cmpi eq, %iota3A, %eq3A_692 : vector<784x1024xi32>
      %jit3A_694 = arith.constant 0xFF800000 : f32
      %broadcast_in_dim3A_695 = vector.broadcast %jit3A_694 : f32 to vector<784x1024xf32>
      %select_n3A_696 = arith.select %eq3A_693, %broadcast_in_dim3A_695, %scan3A_682 : vector<784x1024xi1>, vector<784x1024xf32>
      %eq3A_697 = vector.broadcast %scan3A_681 : i32 to vector<56x1024xi32>
      %eq3A_698 = arith.cmpi eq, %iota3A_2, %eq3A_697 : vector<56x1024xi32>
      %broadcast_in_dim3A_699 = vector.shape_cast %broadcast_in_dim3A_691 : vector<1x1024xi32> to vector<1x1024xi32>
      %broadcast_in_dim3A_700 = vector.broadcast %broadcast_in_dim3A_699 : vector<1x1024xi32> to vector<56x1024xi32>
      %select_n3A_701 = arith.select %eq3A_698, %broadcast_in_dim3A_700, %scan3A_683 : vector<56x1024xi1>, vector<56x1024xi32>
      scf.yield %select_n3A_696, %select_n3A_701 : vector<784x1024xf32>, vector<56x1024xi32>
    }
    %scan3A_8 = arith.constant 56 : i32
    %broadcast_in_dim3A_9 = arith.constant 0 : i32
    %broadcast_in_dim3A_10 = vector.broadcast %broadcast_in_dim3A_9 : i32 to vector<56x1024xi32>
    %slice3A = vector.extract_strided_slice %scan3A_7#1 {offsets = [0, 0], sizes = [1, 1024], strides = [1, 1]} : vector<56x1024xi32> to vector<1x1024xi32>
    %lt3A = vector.broadcast %slice3A : vector<1x1024xi32> to vector<56x1024xi32>
    %lt3A_11 = arith.cmpi slt, %lt3A, %scan3A_7#1 : vector<56x1024xi32>
    %convert_element_type3A = arith.extui %lt3A_11 : vector<56x1024xi1> to vector<56x1024xi32>
    %add3A = arith.addi %broadcast_in_dim3A_10, %convert_element_type3A : vector<56x1024xi32>
    %slice3A_12 = vector.extract_strided_slice %scan3A_7#1 {offsets = [1, 0], sizes = [1, 1024], strides = [1, 1]} : vector<56x1024xi32> to vector<1x1024xi32>
    %lt3A_13 = vector.broadcast %slice3A_12 : vector<1x1024xi32> to vector<56x1024xi32>
    %lt3A_14 = arith.cmpi slt, %lt3A_13, %scan3A_7#1 : vector<56x1024xi32>
    %convert_element_type3A_15 = arith.extui %lt3A_14 : vector<56x1024xi1> to vector<56x1024xi32>
    %add3A_16 = arith.addi %add3A, %convert_element_type3A_15 : vector<56x1024xi32>
    %slice3A_17 = vector.extract_strided_slice %scan3A_7#1 {offsets = [2, 0], sizes = [1, 1024], strides = [1, 1]} : vector<56x1024xi32> to vector<1x1024xi32>
    %lt3A_18 = vector.broadcast %slice3A_17 : vector<1x1024xi32> to vector<56x1024xi32>
    %lt3A_19 = arith.cmpi slt, %lt3A_18, %scan3A_7#1 : vector<56x1024xi32>
    %convert_element_type3A_20 = arith.extui %lt3A_19 : vector<56x1024xi1> to vector<56x1024xi32>
    %add3A_21 = arith.addi %add3A_16, %convert_element_type3A_20 : vector<56x1024xi32>
    %slice3A_22 = vector.extract_strided_slice %scan3A_7#1 {offsets = [3, 0], sizes = [1, 1024], strides = [1, 1]} : vector<56x1024xi32> to vector<1x1024xi32>
    %lt3A_23 = vector.broadcast %slice3A_22 : vector<1x1024xi32> to vector<56x1024xi32>
    %lt3A_24 = arith.cmpi slt, %lt3A_23, %scan3A_7#1 : vector<56x1024xi32>
    %convert_element_type3A_25 = arith.extui %lt3A_24 : vector<56x1024xi1> to vector<56x1024xi32>
    %add3A_26 = arith.addi %add3A_21, %convert_element_type3A_25 : vector<56x1024xi32>
    %slice3A_27 = vector.extract_strided_slice %scan3A_7#1 {offsets = [4, 0], sizes = [1, 1024], strides = [1, 1]} : vector<56x1024xi32> to vector<1x1024xi32>
    %lt3A_28 = vector.broadcast %slice3A_27 : vector<1x1024xi32> to vector<56x1024xi32>
    %lt3A_29 = arith.cmpi slt, %lt3A_28, %scan3A_7#1 : vector<56x1024xi32>
    %convert_element_type3A_30 = arith.extui %lt3A_29 : vector<56x1024xi1> to vector<56x1024xi32>
    %add3A_31 = arith.addi %add3A_26, %convert_element_type3A_30 : vector<56x1024xi32>
    %slice3A_32 = vector.extract_strided_slice %scan3A_7#1 {offsets = [5, 0], sizes = [1, 1024], strides = [1, 1]} : vector<56x1024xi32> to vector<1x1024xi32>
    %lt3A_33 = vector.broadcast %slice3A_32 : vector<1x1024xi32> to vector<56x1024xi32>
    %lt3A_34 = arith.cmpi slt, %lt3A_33, %scan3A_7#1 : vector<56x1024xi32>
    %convert_element_type3A_35 = arith.extui %lt3A_34 : vector<56x1024xi1> to vector<56x1024xi32>
    %add3A_36 = arith.addi %add3A_31, %convert_element_type3A_35 : vector<56x1024xi32>
    %slice3A_37 = vector.extract_strided_slice %scan3A_7#1 {offsets = [6, 0], sizes = [1, 1024], strides = [1, 1]} : vector<56x1024xi32> to vector<1x1024xi32>
    %lt3A_38 = vector.broadcast %slice3A_37 : vector<1x1024xi32> to vector<56x1024xi32>
    %lt3A_39 = arith.cmpi slt, %lt3A_38, %scan3A_7#1 : vector<56x1024xi32>
    %convert_element_type3A_40 = arith.extui %lt3A_39 : vector<56x1024xi1> to vector<56x1024xi32>
    %add3A_41 = arith.addi %add3A_36, %convert_element_type3A_40 : vector<56x1024xi32>
    %slice3A_42 = vector.extract_strided_slice %scan3A_7#1 {offsets = [7, 0], sizes = [1, 1024], strides = [1, 1]} : vector<56x1024xi32> to vector<1x1024xi32>
    %lt3A_43 = vector.broadcast %slice3A_42 : vector<1x1024xi32> to vector<56x1024xi32>
    %lt3A_44 = arith.cmpi slt, %lt3A_43, %scan3A_7#1 : vector<56x1024xi32>
    %convert_element_type3A_45 = arith.extui %lt3A_44 : vector<56x1024xi1> to vector<56x1024xi32>
    %add3A_46 = arith.addi %add3A_41, %convert_element_type3A_45 : vector<56x1024xi32>
    %slice3A_47 = vector.extract_strided_slice %scan3A_7#1 {offsets = [8, 0], sizes = [1, 1024], strides = [1, 1]} : vector<56x1024xi32> to vector<1x1024xi32>
    %lt3A_48 = vector.broadcast %slice3A_47 : vector<1x1024xi32> to vector<56x1024xi32>
    %lt3A_49 = arith.cmpi slt, %lt3A_48, %scan3A_7#1 : vector<56x1024xi32>
    %convert_element_type3A_50 = arith.extui %lt3A_49 : vector<56x1024xi1> to vector<56x1024xi32>
    %add3A_51 = arith.addi %add3A_46, %convert_element_type3A_50 : vector<56x1024xi32>
    %slice3A_52 = vector.extract_strided_slice %scan3A_7#1 {offsets = [9, 0], sizes = [1, 1024], strides = [1, 1]} : vector<56x1024xi32> to vector<1x1024xi32>
    %lt3A_53 = vector.broadcast %slice3A_52 : vector<1x1024xi32> to vector<56x1024xi32>
    %lt3A_54 = arith.cmpi slt, %lt3A_53, %scan3A_7#1 : vector<56x1024xi32>
    %convert_element_type3A_55 = arith.extui %lt3A_54 : vector<56x1024xi1> to vector<56x1024xi32>
    %add3A_56 = arith.addi %add3A_51, %convert_element_type3A_55 : vector<56x1024xi32>
    %slice3A_57 = vector.extract_strided_slice %scan3A_7#1 {offsets = [10, 0], sizes = [1, 1024], strides = [1, 1]} : vector<56x1024xi32> to vector<1x1024xi32>
    %lt3A_58 = vector.broadcast %slice3A_57 : vector<1x1024xi32> to vector<56x1024xi32>
    %lt3A_59 = arith.cmpi slt, %lt3A_58, %scan3A_7#1 : vector<56x1024xi32>
    %convert_element_type3A_60 = arith.extui %lt3A_59 : vector<56x1024xi1> to vector<56x1024xi32>
    %add3A_61 = arith.addi %add3A_56, %convert_element_type3A_60 : vector<56x1024xi32>
    %slice3A_62 = vector.extract_strided_slice %scan3A_7#1 {offsets = [11, 0], sizes = [1, 1024], strides = [1, 1]} : vector<56x1024xi32> to vector<1x1024xi32>
    %lt3A_63 = vector.broadcast %slice3A_62 : vector<1x1024xi32> to vector<56x1024xi32>
    %lt3A_64 = arith.cmpi slt, %lt3A_63, %scan3A_7#1 : vector<56x1024xi32>
    %convert_element_type3A_65 = arith.extui %lt3A_64 : vector<56x1024xi1> to vector<56x1024xi32>
    %add3A_66 = arith.addi %add3A_61, %convert_element_type3A_65 : vector<56x1024xi32>
    %slice3A_67 = vector.extract_strided_slice %scan3A_7#1 {offsets = [12, 0], sizes = [1, 1024], strides = [1, 1]} : vector<56x1024xi32> to vector<1x1024xi32>
    %lt3A_68 = vector.broadcast %slice3A_67 : vector<1x1024xi32> to vector<56x1024xi32>
    %lt3A_69 = arith.cmpi slt, %lt3A_68, %scan3A_7#1 : vector<56x1024xi32>
    %convert_element_type3A_70 = arith.extui %lt3A_69 : vector<56x1024xi1> to vector<56x1024xi32>
    %add3A_71 = arith.addi %add3A_66, %convert_element_type3A_70 : vector<56x1024xi32>
    %slice3A_72 = vector.extract_strided_slice %scan3A_7#1 {offsets = [13, 0], sizes = [1, 1024], strides = [1, 1]} : vector<56x1024xi32> to vector<1x1024xi32>
    %lt3A_73 = vector.broadcast %slice3A_72 : vector<1x1024xi32> to vector<56x1024xi32>
    %lt3A_74 = arith.cmpi slt, %lt3A_73, %scan3A_7#1 : vector<56x1024xi32>
    %convert_element_type3A_75 = arith.extui %lt3A_74 : vector<56x1024xi1> to vector<56x1024xi32>
    %add3A_76 = arith.addi %add3A_71, %convert_element_type3A_75 : vector<56x1024xi32>
    %slice3A_77 = vector.extract_strided_slice %scan3A_7#1 {offsets = [14, 0], sizes = [1, 1024], strides = [1, 1]} : vector<56x1024xi32> to vector<1x1024xi32>
    %lt3A_78 = vector.broadcast %slice3A_77 : vector<1x1024xi32> to vector<56x1024xi32>
    %lt3A_79 = arith.cmpi slt, %lt3A_78, %scan3A_7#1 : vector<56x1024xi32>
    %convert_element_type3A_80 = arith.extui %lt3A_79 : vector<56x1024xi1> to vector<56x1024xi32>
    %add3A_81 = arith.addi %add3A_76, %convert_element_type3A_80 : vector<56x1024xi32>
    %slice3A_82 = vector.extract_strided_slice %scan3A_7#1 {offsets = [15, 0], sizes = [1, 1024], strides = [1, 1]} : vector<56x1024xi32> to vector<1x1024xi32>
    %lt3A_83 = vector.broadcast %slice3A_82 : vector<1x1024xi32> to vector<56x1024xi32>
    %lt3A_84 = arith.cmpi slt, %lt3A_83, %scan3A_7#1 : vector<56x1024xi32>
    %convert_element_type3A_85 = arith.extui %lt3A_84 : vector<56x1024xi1> to vector<56x1024xi32>
    %add3A_86 = arith.addi %add3A_81, %convert_element_type3A_85 : vector<56x1024xi32>
    %slice3A_87 = vector.extract_strided_slice %scan3A_7#1 {offsets = [16, 0], sizes = [1, 1024], strides = [1, 1]} : vector<56x1024xi32> to vector<1x1024xi32>
    %lt3A_88 = vector.broadcast %slice3A_87 : vector<1x1024xi32> to vector<56x1024xi32>
    %lt3A_89 = arith.cmpi slt, %lt3A_88, %scan3A_7#1 : vector<56x1024xi32>
    %convert_element_type3A_90 = arith.extui %lt3A_89 : vector<56x1024xi1> to vector<56x1024xi32>
    %add3A_91 = arith.addi %add3A_86, %convert_element_type3A_90 : vector<56x1024xi32>
    %slice3A_92 = vector.extract_strided_slice %scan3A_7#1 {offsets = [17, 0], sizes = [1, 1024], strides = [1, 1]} : vector<56x1024xi32> to vector<1x1024xi32>
    %lt3A_93 = vector.broadcast %slice3A_92 : vector<1x1024xi32> to vector<56x1024xi32>
    %lt3A_94 = arith.cmpi slt, %lt3A_93, %scan3A_7#1 : vector<56x1024xi32>
    %convert_element_type3A_95 = arith.extui %lt3A_94 : vector<56x1024xi1> to vector<56x1024xi32>
    %add3A_96 = arith.addi %add3A_91, %convert_element_type3A_95 : vector<56x1024xi32>
    %slice3A_97 = vector.extract_strided_slice %scan3A_7#1 {offsets = [18, 0], sizes = [1, 1024], strides = [1, 1]} : vector<56x1024xi32> to vector<1x1024xi32>
    %lt3A_98 = vector.broadcast %slice3A_97 : vector<1x1024xi32> to vector<56x1024xi32>
    %lt3A_99 = arith.cmpi slt, %lt3A_98, %scan3A_7#1 : vector<56x1024xi32>
    %convert_element_type3A_100 = arith.extui %lt3A_99 : vector<56x1024xi1> to vector<56x1024xi32>
    %add3A_101 = arith.addi %add3A_96, %convert_element_type3A_100 : vector<56x1024xi32>
    %slice3A_102 = vector.extract_strided_slice %scan3A_7#1 {offsets = [19, 0], sizes = [1, 1024], strides = [1, 1]} : vector<56x1024xi32> to vector<1x1024xi32>
    %lt3A_103 = vector.broadcast %slice3A_102 : vector<1x1024xi32> to vector<56x1024xi32>
    %lt3A_104 = arith.cmpi slt, %lt3A_103, %scan3A_7#1 : vector<56x1024xi32>
    %convert_element_type3A_105 = arith.extui %lt3A_104 : vector<56x1024xi1> to vector<56x1024xi32>
    %add3A_106 = arith.addi %add3A_101, %convert_element_type3A_105 : vector<56x1024xi32>
    %slice3A_107 = vector.extract_strided_slice %scan3A_7#1 {offsets = [20, 0], sizes = [1, 1024], strides = [1, 1]} : vector<56x1024xi32> to vector<1x1024xi32>
    %lt3A_108 = vector.broadcast %slice3A_107 : vector<1x1024xi32> to vector<56x1024xi32>
    %lt3A_109 = arith.cmpi slt, %lt3A_108, %scan3A_7#1 : vector<56x1024xi32>
    %convert_element_type3A_110 = arith.extui %lt3A_109 : vector<56x1024xi1> to vector<56x1024xi32>
    %add3A_111 = arith.addi %add3A_106, %convert_element_type3A_110 : vector<56x1024xi32>
    %slice3A_112 = vector.extract_strided_slice %scan3A_7#1 {offsets = [21, 0], sizes = [1, 1024], strides = [1, 1]} : vector<56x1024xi32> to vector<1x1024xi32>
    %lt3A_113 = vector.broadcast %slice3A_112 : vector<1x1024xi32> to vector<56x1024xi32>
    %lt3A_114 = arith.cmpi slt, %lt3A_113, %scan3A_7#1 : vector<56x1024xi32>
    %convert_element_type3A_115 = arith.extui %lt3A_114 : vector<56x1024xi1> to vector<56x1024xi32>
    %add3A_116 = arith.addi %add3A_111, %convert_element_type3A_115 : vector<56x1024xi32>
    %slice3A_117 = vector.extract_strided_slice %scan3A_7#1 {offsets = [22, 0], sizes = [1, 1024], strides = [1, 1]} : vector<56x1024xi32> to vector<1x1024xi32>
    %lt3A_118 = vector.broadcast %slice3A_117 : vector<1x1024xi32> to vector<56x1024xi32>
    %lt3A_119 = arith.cmpi slt, %lt3A_118, %scan3A_7#1 : vector<56x1024xi32>
    %convert_element_type3A_120 = arith.extui %lt3A_119 : vector<56x1024xi1> to vector<56x1024xi32>
    %add3A_121 = arith.addi %add3A_116, %convert_element_type3A_120 : vector<56x1024xi32>
    %slice3A_122 = vector.extract_strided_slice %scan3A_7#1 {offsets = [23, 0], sizes = [1, 1024], strides = [1, 1]} : vector<56x1024xi32> to vector<1x1024xi32>
    %lt3A_123 = vector.broadcast %slice3A_122 : vector<1x1024xi32> to vector<56x1024xi32>
    %lt3A_124 = arith.cmpi slt, %lt3A_123, %scan3A_7#1 : vector<56x1024xi32>
    %convert_element_type3A_125 = arith.extui %lt3A_124 : vector<56x1024xi1> to vector<56x1024xi32>
    %add3A_126 = arith.addi %add3A_121, %convert_element_type3A_125 : vector<56x1024xi32>
    %slice3A_127 = vector.extract_strided_slice %scan3A_7#1 {offsets = [24, 0], sizes = [1, 1024], strides = [1, 1]} : vector<56x1024xi32> to vector<1x1024xi32>
    %lt3A_128 = vector.broadcast %slice3A_127 : vector<1x1024xi32> to vector<56x1024xi32>
    %lt3A_129 = arith.cmpi slt, %lt3A_128, %scan3A_7#1 : vector<56x1024xi32>
    %convert_element_type3A_130 = arith.extui %lt3A_129 : vector<56x1024xi1> to vector<56x1024xi32>
    %add3A_131 = arith.addi %add3A_126, %convert_element_type3A_130 : vector<56x1024xi32>
    %slice3A_132 = vector.extract_strided_slice %scan3A_7#1 {offsets = [25, 0], sizes = [1, 1024], strides = [1, 1]} : vector<56x1024xi32> to vector<1x1024xi32>
    %lt3A_133 = vector.broadcast %slice3A_132 : vector<1x1024xi32> to vector<56x1024xi32>
    %lt3A_134 = arith.cmpi slt, %lt3A_133, %scan3A_7#1 : vector<56x1024xi32>
    %convert_element_type3A_135 = arith.extui %lt3A_134 : vector<56x1024xi1> to vector<56x1024xi32>
    %add3A_136 = arith.addi %add3A_131, %convert_element_type3A_135 : vector<56x1024xi32>
    %slice3A_137 = vector.extract_strided_slice %scan3A_7#1 {offsets = [26, 0], sizes = [1, 1024], strides = [1, 1]} : vector<56x1024xi32> to vector<1x1024xi32>
    %lt3A_138 = vector.broadcast %slice3A_137 : vector<1x1024xi32> to vector<56x1024xi32>
    %lt3A_139 = arith.cmpi slt, %lt3A_138, %scan3A_7#1 : vector<56x1024xi32>
    %convert_element_type3A_140 = arith.extui %lt3A_139 : vector<56x1024xi1> to vector<56x1024xi32>
    %add3A_141 = arith.addi %add3A_136, %convert_element_type3A_140 : vector<56x1024xi32>
    %slice3A_142 = vector.extract_strided_slice %scan3A_7#1 {offsets = [27, 0], sizes = [1, 1024], strides = [1, 1]} : vector<56x1024xi32> to vector<1x1024xi32>
    %lt3A_143 = vector.broadcast %slice3A_142 : vector<1x1024xi32> to vector<56x1024xi32>
    %lt3A_144 = arith.cmpi slt, %lt3A_143, %scan3A_7#1 : vector<56x1024xi32>
    %convert_element_type3A_145 = arith.extui %lt3A_144 : vector<56x1024xi1> to vector<56x1024xi32>
    %add3A_146 = arith.addi %add3A_141, %convert_element_type3A_145 : vector<56x1024xi32>
    %slice3A_147 = vector.extract_strided_slice %scan3A_7#1 {offsets = [28, 0], sizes = [1, 1024], strides = [1, 1]} : vector<56x1024xi32> to vector<1x1024xi32>
    %lt3A_148 = vector.broadcast %slice3A_147 : vector<1x1024xi32> to vector<56x1024xi32>
    %lt3A_149 = arith.cmpi slt, %lt3A_148, %scan3A_7#1 : vector<56x1024xi32>
    %convert_element_type3A_150 = arith.extui %lt3A_149 : vector<56x1024xi1> to vector<56x1024xi32>
    %add3A_151 = arith.addi %add3A_146, %convert_element_type3A_150 : vector<56x1024xi32>
    %slice3A_152 = vector.extract_strided_slice %scan3A_7#1 {offsets = [29, 0], sizes = [1, 1024], strides = [1, 1]} : vector<56x1024xi32> to vector<1x1024xi32>
    %lt3A_153 = vector.broadcast %slice3A_152 : vector<1x1024xi32> to vector<56x1024xi32>
    %lt3A_154 = arith.cmpi slt, %lt3A_153, %scan3A_7#1 : vector<56x1024xi32>
    %convert_element_type3A_155 = arith.extui %lt3A_154 : vector<56x1024xi1> to vector<56x1024xi32>
    %add3A_156 = arith.addi %add3A_151, %convert_element_type3A_155 : vector<56x1024xi32>
    %slice3A_157 = vector.extract_strided_slice %scan3A_7#1 {offsets = [30, 0], sizes = [1, 1024], strides = [1, 1]} : vector<56x1024xi32> to vector<1x1024xi32>
    %lt3A_158 = vector.broadcast %slice3A_157 : vector<1x1024xi32> to vector<56x1024xi32>
    %lt3A_159 = arith.cmpi slt, %lt3A_158, %scan3A_7#1 : vector<56x1024xi32>
    %convert_element_type3A_160 = arith.extui %lt3A_159 : vector<56x1024xi1> to vector<56x1024xi32>
    %add3A_161 = arith.addi %add3A_156, %convert_element_type3A_160 : vector<56x1024xi32>
    %slice3A_162 = vector.extract_strided_slice %scan3A_7#1 {offsets = [31, 0], sizes = [1, 1024], strides = [1, 1]} : vector<56x1024xi32> to vector<1x1024xi32>
    %lt3A_163 = vector.broadcast %slice3A_162 : vector<1x1024xi32> to vector<56x1024xi32>
    %lt3A_164 = arith.cmpi slt, %lt3A_163, %scan3A_7#1 : vector<56x1024xi32>
    %convert_element_type3A_165 = arith.extui %lt3A_164 : vector<56x1024xi1> to vector<56x1024xi32>
    %add3A_166 = arith.addi %add3A_161, %convert_element_type3A_165 : vector<56x1024xi32>
    %slice3A_167 = vector.extract_strided_slice %scan3A_7#1 {offsets = [32, 0], sizes = [1, 1024], strides = [1, 1]} : vector<56x1024xi32> to vector<1x1024xi32>
    %lt3A_168 = vector.broadcast %slice3A_167 : vector<1x1024xi32> to vector<56x1024xi32>
    %lt3A_169 = arith.cmpi slt, %lt3A_168, %scan3A_7#1 : vector<56x1024xi32>
    %convert_element_type3A_170 = arith.extui %lt3A_169 : vector<56x1024xi1> to vector<56x1024xi32>
    %add3A_171 = arith.addi %add3A_166, %convert_element_type3A_170 : vector<56x1024xi32>
    %slice3A_172 = vector.extract_strided_slice %scan3A_7#1 {offsets = [33, 0], sizes = [1, 1024], strides = [1, 1]} : vector<56x1024xi32> to vector<1x1024xi32>
    %lt3A_173 = vector.broadcast %slice3A_172 : vector<1x1024xi32> to vector<56x1024xi32>
    %lt3A_174 = arith.cmpi slt, %lt3A_173, %scan3A_7#1 : vector<56x1024xi32>
    %convert_element_type3A_175 = arith.extui %lt3A_174 : vector<56x1024xi1> to vector<56x1024xi32>
    %add3A_176 = arith.addi %add3A_171, %convert_element_type3A_175 : vector<56x1024xi32>
    %slice3A_177 = vector.extract_strided_slice %scan3A_7#1 {offsets = [34, 0], sizes = [1, 1024], strides = [1, 1]} : vector<56x1024xi32> to vector<1x1024xi32>
    %lt3A_178 = vector.broadcast %slice3A_177 : vector<1x1024xi32> to vector<56x1024xi32>
    %lt3A_179 = arith.cmpi slt, %lt3A_178, %scan3A_7#1 : vector<56x1024xi32>
    %convert_element_type3A_180 = arith.extui %lt3A_179 : vector<56x1024xi1> to vector<56x1024xi32>
    %add3A_181 = arith.addi %add3A_176, %convert_element_type3A_180 : vector<56x1024xi32>
    %slice3A_182 = vector.extract_strided_slice %scan3A_7#1 {offsets = [35, 0], sizes = [1, 1024], strides = [1, 1]} : vector<56x1024xi32> to vector<1x1024xi32>
    %lt3A_183 = vector.broadcast %slice3A_182 : vector<1x1024xi32> to vector<56x1024xi32>
    %lt3A_184 = arith.cmpi slt, %lt3A_183, %scan3A_7#1 : vector<56x1024xi32>
    %convert_element_type3A_185 = arith.extui %lt3A_184 : vector<56x1024xi1> to vector<56x1024xi32>
    %add3A_186 = arith.addi %add3A_181, %convert_element_type3A_185 : vector<56x1024xi32>
    %slice3A_187 = vector.extract_strided_slice %scan3A_7#1 {offsets = [36, 0], sizes = [1, 1024], strides = [1, 1]} : vector<56x1024xi32> to vector<1x1024xi32>
    %lt3A_188 = vector.broadcast %slice3A_187 : vector<1x1024xi32> to vector<56x1024xi32>
    %lt3A_189 = arith.cmpi slt, %lt3A_188, %scan3A_7#1 : vector<56x1024xi32>
    %convert_element_type3A_190 = arith.extui %lt3A_189 : vector<56x1024xi1> to vector<56x1024xi32>
    %add3A_191 = arith.addi %add3A_186, %convert_element_type3A_190 : vector<56x1024xi32>
    %slice3A_192 = vector.extract_strided_slice %scan3A_7#1 {offsets = [37, 0], sizes = [1, 1024], strides = [1, 1]} : vector<56x1024xi32> to vector<1x1024xi32>
    %lt3A_193 = vector.broadcast %slice3A_192 : vector<1x1024xi32> to vector<56x1024xi32>
    %lt3A_194 = arith.cmpi slt, %lt3A_193, %scan3A_7#1 : vector<56x1024xi32>
    %convert_element_type3A_195 = arith.extui %lt3A_194 : vector<56x1024xi1> to vector<56x1024xi32>
    %add3A_196 = arith.addi %add3A_191, %convert_element_type3A_195 : vector<56x1024xi32>
    %slice3A_197 = vector.extract_strided_slice %scan3A_7#1 {offsets = [38, 0], sizes = [1, 1024], strides = [1, 1]} : vector<56x1024xi32> to vector<1x1024xi32>
    %lt3A_198 = vector.broadcast %slice3A_197 : vector<1x1024xi32> to vector<56x1024xi32>
    %lt3A_199 = arith.cmpi slt, %lt3A_198, %scan3A_7#1 : vector<56x1024xi32>
    %convert_element_type3A_200 = arith.extui %lt3A_199 : vector<56x1024xi1> to vector<56x1024xi32>
    %add3A_201 = arith.addi %add3A_196, %convert_element_type3A_200 : vector<56x1024xi32>
    %slice3A_202 = vector.extract_strided_slice %scan3A_7#1 {offsets = [39, 0], sizes = [1, 1024], strides = [1, 1]} : vector<56x1024xi32> to vector<1x1024xi32>
    %lt3A_203 = vector.broadcast %slice3A_202 : vector<1x1024xi32> to vector<56x1024xi32>
    %lt3A_204 = arith.cmpi slt, %lt3A_203, %scan3A_7#1 : vector<56x1024xi32>
    %convert_element_type3A_205 = arith.extui %lt3A_204 : vector<56x1024xi1> to vector<56x1024xi32>
    %add3A_206 = arith.addi %add3A_201, %convert_element_type3A_205 : vector<56x1024xi32>
    %slice3A_207 = vector.extract_strided_slice %scan3A_7#1 {offsets = [40, 0], sizes = [1, 1024], strides = [1, 1]} : vector<56x1024xi32> to vector<1x1024xi32>
    %lt3A_208 = vector.broadcast %slice3A_207 : vector<1x1024xi32> to vector<56x1024xi32>
    %lt3A_209 = arith.cmpi slt, %lt3A_208, %scan3A_7#1 : vector<56x1024xi32>
    %convert_element_type3A_210 = arith.extui %lt3A_209 : vector<56x1024xi1> to vector<56x1024xi32>
    %add3A_211 = arith.addi %add3A_206, %convert_element_type3A_210 : vector<56x1024xi32>
    %slice3A_212 = vector.extract_strided_slice %scan3A_7#1 {offsets = [41, 0], sizes = [1, 1024], strides = [1, 1]} : vector<56x1024xi32> to vector<1x1024xi32>
    %lt3A_213 = vector.broadcast %slice3A_212 : vector<1x1024xi32> to vector<56x1024xi32>
    %lt3A_214 = arith.cmpi slt, %lt3A_213, %scan3A_7#1 : vector<56x1024xi32>
    %convert_element_type3A_215 = arith.extui %lt3A_214 : vector<56x1024xi1> to vector<56x1024xi32>
    %add3A_216 = arith.addi %add3A_211, %convert_element_type3A_215 : vector<56x1024xi32>
    %slice3A_217 = vector.extract_strided_slice %scan3A_7#1 {offsets = [42, 0], sizes = [1, 1024], strides = [1, 1]} : vector<56x1024xi32> to vector<1x1024xi32>
    %lt3A_218 = vector.broadcast %slice3A_217 : vector<1x1024xi32> to vector<56x1024xi32>
    %lt3A_219 = arith.cmpi slt, %lt3A_218, %scan3A_7#1 : vector<56x1024xi32>
    %convert_element_type3A_220 = arith.extui %lt3A_219 : vector<56x1024xi1> to vector<56x1024xi32>
    %add3A_221 = arith.addi %add3A_216, %convert_element_type3A_220 : vector<56x1024xi32>
    %slice3A_222 = vector.extract_strided_slice %scan3A_7#1 {offsets = [43, 0], sizes = [1, 1024], strides = [1, 1]} : vector<56x1024xi32> to vector<1x1024xi32>
    %lt3A_223 = vector.broadcast %slice3A_222 : vector<1x1024xi32> to vector<56x1024xi32>
    %lt3A_224 = arith.cmpi slt, %lt3A_223, %scan3A_7#1 : vector<56x1024xi32>
    %convert_element_type3A_225 = arith.extui %lt3A_224 : vector<56x1024xi1> to vector<56x1024xi32>
    %add3A_226 = arith.addi %add3A_221, %convert_element_type3A_225 : vector<56x1024xi32>
    %slice3A_227 = vector.extract_strided_slice %scan3A_7#1 {offsets = [44, 0], sizes = [1, 1024], strides = [1, 1]} : vector<56x1024xi32> to vector<1x1024xi32>
    %lt3A_228 = vector.broadcast %slice3A_227 : vector<1x1024xi32> to vector<56x1024xi32>
    %lt3A_229 = arith.cmpi slt, %lt3A_228, %scan3A_7#1 : vector<56x1024xi32>
    %convert_element_type3A_230 = arith.extui %lt3A_229 : vector<56x1024xi1> to vector<56x1024xi32>
    %add3A_231 = arith.addi %add3A_226, %convert_element_type3A_230 : vector<56x1024xi32>
    %slice3A_232 = vector.extract_strided_slice %scan3A_7#1 {offsets = [45, 0], sizes = [1, 1024], strides = [1, 1]} : vector<56x1024xi32> to vector<1x1024xi32>
    %lt3A_233 = vector.broadcast %slice3A_232 : vector<1x1024xi32> to vector<56x1024xi32>
    %lt3A_234 = arith.cmpi slt, %lt3A_233, %scan3A_7#1 : vector<56x1024xi32>
    %convert_element_type3A_235 = arith.extui %lt3A_234 : vector<56x1024xi1> to vector<56x1024xi32>
    %add3A_236 = arith.addi %add3A_231, %convert_element_type3A_235 : vector<56x1024xi32>
    %slice3A_237 = vector.extract_strided_slice %scan3A_7#1 {offsets = [46, 0], sizes = [1, 1024], strides = [1, 1]} : vector<56x1024xi32> to vector<1x1024xi32>
    %lt3A_238 = vector.broadcast %slice3A_237 : vector<1x1024xi32> to vector<56x1024xi32>
    %lt3A_239 = arith.cmpi slt, %lt3A_238, %scan3A_7#1 : vector<56x1024xi32>
    %convert_element_type3A_240 = arith.extui %lt3A_239 : vector<56x1024xi1> to vector<56x1024xi32>
    %add3A_241 = arith.addi %add3A_236, %convert_element_type3A_240 : vector<56x1024xi32>
    %slice3A_242 = vector.extract_strided_slice %scan3A_7#1 {offsets = [47, 0], sizes = [1, 1024], strides = [1, 1]} : vector<56x1024xi32> to vector<1x1024xi32>
    %lt3A_243 = vector.broadcast %slice3A_242 : vector<1x1024xi32> to vector<56x1024xi32>
    %lt3A_244 = arith.cmpi slt, %lt3A_243, %scan3A_7#1 : vector<56x1024xi32>
    %convert_element_type3A_245 = arith.extui %lt3A_244 : vector<56x1024xi1> to vector<56x1024xi32>
    %add3A_246 = arith.addi %add3A_241, %convert_element_type3A_245 : vector<56x1024xi32>
    %slice3A_247 = vector.extract_strided_slice %scan3A_7#1 {offsets = [48, 0], sizes = [1, 1024], strides = [1, 1]} : vector<56x1024xi32> to vector<1x1024xi32>
    %lt3A_248 = vector.broadcast %slice3A_247 : vector<1x1024xi32> to vector<56x1024xi32>
    %lt3A_249 = arith.cmpi slt, %lt3A_248, %scan3A_7#1 : vector<56x1024xi32>
    %convert_element_type3A_250 = arith.extui %lt3A_249 : vector<56x1024xi1> to vector<56x1024xi32>
    %add3A_251 = arith.addi %add3A_246, %convert_element_type3A_250 : vector<56x1024xi32>
    %slice3A_252 = vector.extract_strided_slice %scan3A_7#1 {offsets = [49, 0], sizes = [1, 1024], strides = [1, 1]} : vector<56x1024xi32> to vector<1x1024xi32>
    %lt3A_253 = vector.broadcast %slice3A_252 : vector<1x1024xi32> to vector<56x1024xi32>
    %lt3A_254 = arith.cmpi slt, %lt3A_253, %scan3A_7#1 : vector<56x1024xi32>
    %convert_element_type3A_255 = arith.extui %lt3A_254 : vector<56x1024xi1> to vector<56x1024xi32>
    %add3A_256 = arith.addi %add3A_251, %convert_element_type3A_255 : vector<56x1024xi32>
    %slice3A_257 = vector.extract_strided_slice %scan3A_7#1 {offsets = [50, 0], sizes = [1, 1024], strides = [1, 1]} : vector<56x1024xi32> to vector<1x1024xi32>
    %lt3A_258 = vector.broadcast %slice3A_257 : vector<1x1024xi32> to vector<56x1024xi32>
    %lt3A_259 = arith.cmpi slt, %lt3A_258, %scan3A_7#1 : vector<56x1024xi32>
    %convert_element_type3A_260 = arith.extui %lt3A_259 : vector<56x1024xi1> to vector<56x1024xi32>
    %add3A_261 = arith.addi %add3A_256, %convert_element_type3A_260 : vector<56x1024xi32>
    %slice3A_262 = vector.extract_strided_slice %scan3A_7#1 {offsets = [51, 0], sizes = [1, 1024], strides = [1, 1]} : vector<56x1024xi32> to vector<1x1024xi32>
    %lt3A_263 = vector.broadcast %slice3A_262 : vector<1x1024xi32> to vector<56x1024xi32>
    %lt3A_264 = arith.cmpi slt, %lt3A_263, %scan3A_7#1 : vector<56x1024xi32>
    %convert_element_type3A_265 = arith.extui %lt3A_264 : vector<56x1024xi1> to vector<56x1024xi32>
    %add3A_266 = arith.addi %add3A_261, %convert_element_type3A_265 : vector<56x1024xi32>
    %slice3A_267 = vector.extract_strided_slice %scan3A_7#1 {offsets = [52, 0], sizes = [1, 1024], strides = [1, 1]} : vector<56x1024xi32> to vector<1x1024xi32>
    %lt3A_268 = vector.broadcast %slice3A_267 : vector<1x1024xi32> to vector<56x1024xi32>
    %lt3A_269 = arith.cmpi slt, %lt3A_268, %scan3A_7#1 : vector<56x1024xi32>
    %convert_element_type3A_270 = arith.extui %lt3A_269 : vector<56x1024xi1> to vector<56x1024xi32>
    %add3A_271 = arith.addi %add3A_266, %convert_element_type3A_270 : vector<56x1024xi32>
    %slice3A_272 = vector.extract_strided_slice %scan3A_7#1 {offsets = [53, 0], sizes = [1, 1024], strides = [1, 1]} : vector<56x1024xi32> to vector<1x1024xi32>
    %lt3A_273 = vector.broadcast %slice3A_272 : vector<1x1024xi32> to vector<56x1024xi32>
    %lt3A_274 = arith.cmpi slt, %lt3A_273, %scan3A_7#1 : vector<56x1024xi32>
    %convert_element_type3A_275 = arith.extui %lt3A_274 : vector<56x1024xi1> to vector<56x1024xi32>
    %add3A_276 = arith.addi %add3A_271, %convert_element_type3A_275 : vector<56x1024xi32>
    %slice3A_277 = vector.extract_strided_slice %scan3A_7#1 {offsets = [54, 0], sizes = [1, 1024], strides = [1, 1]} : vector<56x1024xi32> to vector<1x1024xi32>
    %lt3A_278 = vector.broadcast %slice3A_277 : vector<1x1024xi32> to vector<56x1024xi32>
    %lt3A_279 = arith.cmpi slt, %lt3A_278, %scan3A_7#1 : vector<56x1024xi32>
    %convert_element_type3A_280 = arith.extui %lt3A_279 : vector<56x1024xi1> to vector<56x1024xi32>
    %add3A_281 = arith.addi %add3A_276, %convert_element_type3A_280 : vector<56x1024xi32>
    %slice3A_282 = vector.extract_strided_slice %scan3A_7#1 {offsets = [55, 0], sizes = [1, 1024], strides = [1, 1]} : vector<56x1024xi32> to vector<1x1024xi32>
    %lt3A_283 = vector.broadcast %slice3A_282 : vector<1x1024xi32> to vector<56x1024xi32>
    %lt3A_284 = arith.cmpi slt, %lt3A_283, %scan3A_7#1 : vector<56x1024xi32>
    %convert_element_type3A_285 = arith.extui %lt3A_284 : vector<56x1024xi1> to vector<56x1024xi32>
    %add3A_286 = arith.addi %add3A_281, %convert_element_type3A_285 : vector<56x1024xi32>
    %broadcast_in_dim3A_287 = arith.constant 0 : i32
    %broadcast_in_dim3A_288 = vector.broadcast %broadcast_in_dim3A_287 : i32 to vector<56x1024xi32>
    %slice3A_289 = vector.extract_strided_slice %add3A_286 {offsets = [0, 0], sizes = [1, 1024], strides = [1, 1]} : vector<56x1024xi32> to vector<1x1024xi32>
    %eq3A = vector.broadcast %slice3A_289 : vector<1x1024xi32> to vector<56x1024xi32>
    %eq3A_290 = arith.cmpi eq, %iota3A_2, %eq3A : vector<56x1024xi32>
    %slice3A_291 = vector.extract_strided_slice %scan3A_7#1 {offsets = [0, 0], sizes = [1, 1024], strides = [1, 1]} : vector<56x1024xi32> to vector<1x1024xi32>
    %broadcast_in_dim3A_292 = vector.shape_cast %slice3A_291 : vector<1x1024xi32> to vector<1x1024xi32>
    %broadcast_in_dim3A_293 = vector.broadcast %broadcast_in_dim3A_292 : vector<1x1024xi32> to vector<56x1024xi32>
    %select_n3A = arith.select %eq3A_290, %broadcast_in_dim3A_293, %broadcast_in_dim3A_288 : vector<56x1024xi1>, vector<56x1024xi32>
    %slice3A_294 = vector.extract_strided_slice %add3A_286 {offsets = [1, 0], sizes = [1, 1024], strides = [1, 1]} : vector<56x1024xi32> to vector<1x1024xi32>
    %eq3A_295 = vector.broadcast %slice3A_294 : vector<1x1024xi32> to vector<56x1024xi32>
    %eq3A_296 = arith.cmpi eq, %iota3A_2, %eq3A_295 : vector<56x1024xi32>
    %slice3A_297 = vector.extract_strided_slice %scan3A_7#1 {offsets = [1, 0], sizes = [1, 1024], strides = [1, 1]} : vector<56x1024xi32> to vector<1x1024xi32>
    %broadcast_in_dim3A_298 = vector.shape_cast %slice3A_297 : vector<1x1024xi32> to vector<1x1024xi32>
    %broadcast_in_dim3A_299 = vector.broadcast %broadcast_in_dim3A_298 : vector<1x1024xi32> to vector<56x1024xi32>
    %select_n3A_300 = arith.select %eq3A_296, %broadcast_in_dim3A_299, %select_n3A : vector<56x1024xi1>, vector<56x1024xi32>
    %slice3A_301 = vector.extract_strided_slice %add3A_286 {offsets = [2, 0], sizes = [1, 1024], strides = [1, 1]} : vector<56x1024xi32> to vector<1x1024xi32>
    %eq3A_302 = vector.broadcast %slice3A_301 : vector<1x1024xi32> to vector<56x1024xi32>
    %eq3A_303 = arith.cmpi eq, %iota3A_2, %eq3A_302 : vector<56x1024xi32>
    %slice3A_304 = vector.extract_strided_slice %scan3A_7#1 {offsets = [2, 0], sizes = [1, 1024], strides = [1, 1]} : vector<56x1024xi32> to vector<1x1024xi32>
    %broadcast_in_dim3A_305 = vector.shape_cast %slice3A_304 : vector<1x1024xi32> to vector<1x1024xi32>
    %broadcast_in_dim3A_306 = vector.broadcast %broadcast_in_dim3A_305 : vector<1x1024xi32> to vector<56x1024xi32>
    %select_n3A_307 = arith.select %eq3A_303, %broadcast_in_dim3A_306, %select_n3A_300 : vector<56x1024xi1>, vector<56x1024xi32>
    %slice3A_308 = vector.extract_strided_slice %add3A_286 {offsets = [3, 0], sizes = [1, 1024], strides = [1, 1]} : vector<56x1024xi32> to vector<1x1024xi32>
    %eq3A_309 = vector.broadcast %slice3A_308 : vector<1x1024xi32> to vector<56x1024xi32>
    %eq3A_310 = arith.cmpi eq, %iota3A_2, %eq3A_309 : vector<56x1024xi32>
    %slice3A_311 = vector.extract_strided_slice %scan3A_7#1 {offsets = [3, 0], sizes = [1, 1024], strides = [1, 1]} : vector<56x1024xi32> to vector<1x1024xi32>
    %broadcast_in_dim3A_312 = vector.shape_cast %slice3A_311 : vector<1x1024xi32> to vector<1x1024xi32>
    %broadcast_in_dim3A_313 = vector.broadcast %broadcast_in_dim3A_312 : vector<1x1024xi32> to vector<56x1024xi32>
    %select_n3A_314 = arith.select %eq3A_310, %broadcast_in_dim3A_313, %select_n3A_307 : vector<56x1024xi1>, vector<56x1024xi32>
    %slice3A_315 = vector.extract_strided_slice %add3A_286 {offsets = [4, 0], sizes = [1, 1024], strides = [1, 1]} : vector<56x1024xi32> to vector<1x1024xi32>
    %eq3A_316 = vector.broadcast %slice3A_315 : vector<1x1024xi32> to vector<56x1024xi32>
    %eq3A_317 = arith.cmpi eq, %iota3A_2, %eq3A_316 : vector<56x1024xi32>
    %slice3A_318 = vector.extract_strided_slice %scan3A_7#1 {offsets = [4, 0], sizes = [1, 1024], strides = [1, 1]} : vector<56x1024xi32> to vector<1x1024xi32>
    %broadcast_in_dim3A_319 = vector.shape_cast %slice3A_318 : vector<1x1024xi32> to vector<1x1024xi32>
    %broadcast_in_dim3A_320 = vector.broadcast %broadcast_in_dim3A_319 : vector<1x1024xi32> to vector<56x1024xi32>
    %select_n3A_321 = arith.select %eq3A_317, %broadcast_in_dim3A_320, %select_n3A_314 : vector<56x1024xi1>, vector<56x1024xi32>
    %slice3A_322 = vector.extract_strided_slice %add3A_286 {offsets = [5, 0], sizes = [1, 1024], strides = [1, 1]} : vector<56x1024xi32> to vector<1x1024xi32>
    %eq3A_323 = vector.broadcast %slice3A_322 : vector<1x1024xi32> to vector<56x1024xi32>
    %eq3A_324 = arith.cmpi eq, %iota3A_2, %eq3A_323 : vector<56x1024xi32>
    %slice3A_325 = vector.extract_strided_slice %scan3A_7#1 {offsets = [5, 0], sizes = [1, 1024], strides = [1, 1]} : vector<56x1024xi32> to vector<1x1024xi32>
    %broadcast_in_dim3A_326 = vector.shape_cast %slice3A_325 : vector<1x1024xi32> to vector<1x1024xi32>
    %broadcast_in_dim3A_327 = vector.broadcast %broadcast_in_dim3A_326 : vector<1x1024xi32> to vector<56x1024xi32>
    %select_n3A_328 = arith.select %eq3A_324, %broadcast_in_dim3A_327, %select_n3A_321 : vector<56x1024xi1>, vector<56x1024xi32>
    %slice3A_329 = vector.extract_strided_slice %add3A_286 {offsets = [6, 0], sizes = [1, 1024], strides = [1, 1]} : vector<56x1024xi32> to vector<1x1024xi32>
    %eq3A_330 = vector.broadcast %slice3A_329 : vector<1x1024xi32> to vector<56x1024xi32>
    %eq3A_331 = arith.cmpi eq, %iota3A_2, %eq3A_330 : vector<56x1024xi32>
    %slice3A_332 = vector.extract_strided_slice %scan3A_7#1 {offsets = [6, 0], sizes = [1, 1024], strides = [1, 1]} : vector<56x1024xi32> to vector<1x1024xi32>
    %broadcast_in_dim3A_333 = vector.shape_cast %slice3A_332 : vector<1x1024xi32> to vector<1x1024xi32>
    %broadcast_in_dim3A_334 = vector.broadcast %broadcast_in_dim3A_333 : vector<1x1024xi32> to vector<56x1024xi32>
    %select_n3A_335 = arith.select %eq3A_331, %broadcast_in_dim3A_334, %select_n3A_328 : vector<56x1024xi1>, vector<56x1024xi32>
    %slice3A_336 = vector.extract_strided_slice %add3A_286 {offsets = [7, 0], sizes = [1, 1024], strides = [1, 1]} : vector<56x1024xi32> to vector<1x1024xi32>
    %eq3A_337 = vector.broadcast %slice3A_336 : vector<1x1024xi32> to vector<56x1024xi32>
    %eq3A_338 = arith.cmpi eq, %iota3A_2, %eq3A_337 : vector<56x1024xi32>
    %slice3A_339 = vector.extract_strided_slice %scan3A_7#1 {offsets = [7, 0], sizes = [1, 1024], strides = [1, 1]} : vector<56x1024xi32> to vector<1x1024xi32>
    %broadcast_in_dim3A_340 = vector.shape_cast %slice3A_339 : vector<1x1024xi32> to vector<1x1024xi32>
    %broadcast_in_dim3A_341 = vector.broadcast %broadcast_in_dim3A_340 : vector<1x1024xi32> to vector<56x1024xi32>
    %select_n3A_342 = arith.select %eq3A_338, %broadcast_in_dim3A_341, %select_n3A_335 : vector<56x1024xi1>, vector<56x1024xi32>
    %slice3A_343 = vector.extract_strided_slice %add3A_286 {offsets = [8, 0], sizes = [1, 1024], strides = [1, 1]} : vector<56x1024xi32> to vector<1x1024xi32>
    %eq3A_344 = vector.broadcast %slice3A_343 : vector<1x1024xi32> to vector<56x1024xi32>
    %eq3A_345 = arith.cmpi eq, %iota3A_2, %eq3A_344 : vector<56x1024xi32>
    %slice3A_346 = vector.extract_strided_slice %scan3A_7#1 {offsets = [8, 0], sizes = [1, 1024], strides = [1, 1]} : vector<56x1024xi32> to vector<1x1024xi32>
    %broadcast_in_dim3A_347 = vector.shape_cast %slice3A_346 : vector<1x1024xi32> to vector<1x1024xi32>
    %broadcast_in_dim3A_348 = vector.broadcast %broadcast_in_dim3A_347 : vector<1x1024xi32> to vector<56x1024xi32>
    %select_n3A_349 = arith.select %eq3A_345, %broadcast_in_dim3A_348, %select_n3A_342 : vector<56x1024xi1>, vector<56x1024xi32>
    %slice3A_350 = vector.extract_strided_slice %add3A_286 {offsets = [9, 0], sizes = [1, 1024], strides = [1, 1]} : vector<56x1024xi32> to vector<1x1024xi32>
    %eq3A_351 = vector.broadcast %slice3A_350 : vector<1x1024xi32> to vector<56x1024xi32>
    %eq3A_352 = arith.cmpi eq, %iota3A_2, %eq3A_351 : vector<56x1024xi32>
    %slice3A_353 = vector.extract_strided_slice %scan3A_7#1 {offsets = [9, 0], sizes = [1, 1024], strides = [1, 1]} : vector<56x1024xi32> to vector<1x1024xi32>
    %broadcast_in_dim3A_354 = vector.shape_cast %slice3A_353 : vector<1x1024xi32> to vector<1x1024xi32>
    %broadcast_in_dim3A_355 = vector.broadcast %broadcast_in_dim3A_354 : vector<1x1024xi32> to vector<56x1024xi32>
    %select_n3A_356 = arith.select %eq3A_352, %broadcast_in_dim3A_355, %select_n3A_349 : vector<56x1024xi1>, vector<56x1024xi32>
    %slice3A_357 = vector.extract_strided_slice %add3A_286 {offsets = [10, 0], sizes = [1, 1024], strides = [1, 1]} : vector<56x1024xi32> to vector<1x1024xi32>
    %eq3A_358 = vector.broadcast %slice3A_357 : vector<1x1024xi32> to vector<56x1024xi32>
    %eq3A_359 = arith.cmpi eq, %iota3A_2, %eq3A_358 : vector<56x1024xi32>
    %slice3A_360 = vector.extract_strided_slice %scan3A_7#1 {offsets = [10, 0], sizes = [1, 1024], strides = [1, 1]} : vector<56x1024xi32> to vector<1x1024xi32>
    %broadcast_in_dim3A_361 = vector.shape_cast %slice3A_360 : vector<1x1024xi32> to vector<1x1024xi32>
    %broadcast_in_dim3A_362 = vector.broadcast %broadcast_in_dim3A_361 : vector<1x1024xi32> to vector<56x1024xi32>
    %select_n3A_363 = arith.select %eq3A_359, %broadcast_in_dim3A_362, %select_n3A_356 : vector<56x1024xi1>, vector<56x1024xi32>
    %slice3A_364 = vector.extract_strided_slice %add3A_286 {offsets = [11, 0], sizes = [1, 1024], strides = [1, 1]} : vector<56x1024xi32> to vector<1x1024xi32>
    %eq3A_365 = vector.broadcast %slice3A_364 : vector<1x1024xi32> to vector<56x1024xi32>
    %eq3A_366 = arith.cmpi eq, %iota3A_2, %eq3A_365 : vector<56x1024xi32>
    %slice3A_367 = vector.extract_strided_slice %scan3A_7#1 {offsets = [11, 0], sizes = [1, 1024], strides = [1, 1]} : vector<56x1024xi32> to vector<1x1024xi32>
    %broadcast_in_dim3A_368 = vector.shape_cast %slice3A_367 : vector<1x1024xi32> to vector<1x1024xi32>
    %broadcast_in_dim3A_369 = vector.broadcast %broadcast_in_dim3A_368 : vector<1x1024xi32> to vector<56x1024xi32>
    %select_n3A_370 = arith.select %eq3A_366, %broadcast_in_dim3A_369, %select_n3A_363 : vector<56x1024xi1>, vector<56x1024xi32>
    %slice3A_371 = vector.extract_strided_slice %add3A_286 {offsets = [12, 0], sizes = [1, 1024], strides = [1, 1]} : vector<56x1024xi32> to vector<1x1024xi32>
    %eq3A_372 = vector.broadcast %slice3A_371 : vector<1x1024xi32> to vector<56x1024xi32>
    %eq3A_373 = arith.cmpi eq, %iota3A_2, %eq3A_372 : vector<56x1024xi32>
    %slice3A_374 = vector.extract_strided_slice %scan3A_7#1 {offsets = [12, 0], sizes = [1, 1024], strides = [1, 1]} : vector<56x1024xi32> to vector<1x1024xi32>
    %broadcast_in_dim3A_375 = vector.shape_cast %slice3A_374 : vector<1x1024xi32> to vector<1x1024xi32>
    %broadcast_in_dim3A_376 = vector.broadcast %broadcast_in_dim3A_375 : vector<1x1024xi32> to vector<56x1024xi32>
    %select_n3A_377 = arith.select %eq3A_373, %broadcast_in_dim3A_376, %select_n3A_370 : vector<56x1024xi1>, vector<56x1024xi32>
    %slice3A_378 = vector.extract_strided_slice %add3A_286 {offsets = [13, 0], sizes = [1, 1024], strides = [1, 1]} : vector<56x1024xi32> to vector<1x1024xi32>
    %eq3A_379 = vector.broadcast %slice3A_378 : vector<1x1024xi32> to vector<56x1024xi32>
    %eq3A_380 = arith.cmpi eq, %iota3A_2, %eq3A_379 : vector<56x1024xi32>
    %slice3A_381 = vector.extract_strided_slice %scan3A_7#1 {offsets = [13, 0], sizes = [1, 1024], strides = [1, 1]} : vector<56x1024xi32> to vector<1x1024xi32>
    %broadcast_in_dim3A_382 = vector.shape_cast %slice3A_381 : vector<1x1024xi32> to vector<1x1024xi32>
    %broadcast_in_dim3A_383 = vector.broadcast %broadcast_in_dim3A_382 : vector<1x1024xi32> to vector<56x1024xi32>
    %select_n3A_384 = arith.select %eq3A_380, %broadcast_in_dim3A_383, %select_n3A_377 : vector<56x1024xi1>, vector<56x1024xi32>
    %slice3A_385 = vector.extract_strided_slice %add3A_286 {offsets = [14, 0], sizes = [1, 1024], strides = [1, 1]} : vector<56x1024xi32> to vector<1x1024xi32>
    %eq3A_386 = vector.broadcast %slice3A_385 : vector<1x1024xi32> to vector<56x1024xi32>
    %eq3A_387 = arith.cmpi eq, %iota3A_2, %eq3A_386 : vector<56x1024xi32>
    %slice3A_388 = vector.extract_strided_slice %scan3A_7#1 {offsets = [14, 0], sizes = [1, 1024], strides = [1, 1]} : vector<56x1024xi32> to vector<1x1024xi32>
    %broadcast_in_dim3A_389 = vector.shape_cast %slice3A_388 : vector<1x1024xi32> to vector<1x1024xi32>
    %broadcast_in_dim3A_390 = vector.broadcast %broadcast_in_dim3A_389 : vector<1x1024xi32> to vector<56x1024xi32>
    %select_n3A_391 = arith.select %eq3A_387, %broadcast_in_dim3A_390, %select_n3A_384 : vector<56x1024xi1>, vector<56x1024xi32>
    %slice3A_392 = vector.extract_strided_slice %add3A_286 {offsets = [15, 0], sizes = [1, 1024], strides = [1, 1]} : vector<56x1024xi32> to vector<1x1024xi32>
    %eq3A_393 = vector.broadcast %slice3A_392 : vector<1x1024xi32> to vector<56x1024xi32>
    %eq3A_394 = arith.cmpi eq, %iota3A_2, %eq3A_393 : vector<56x1024xi32>
    %slice3A_395 = vector.extract_strided_slice %scan3A_7#1 {offsets = [15, 0], sizes = [1, 1024], strides = [1, 1]} : vector<56x1024xi32> to vector<1x1024xi32>
    %broadcast_in_dim3A_396 = vector.shape_cast %slice3A_395 : vector<1x1024xi32> to vector<1x1024xi32>
    %broadcast_in_dim3A_397 = vector.broadcast %broadcast_in_dim3A_396 : vector<1x1024xi32> to vector<56x1024xi32>
    %select_n3A_398 = arith.select %eq3A_394, %broadcast_in_dim3A_397, %select_n3A_391 : vector<56x1024xi1>, vector<56x1024xi32>
    %slice3A_399 = vector.extract_strided_slice %add3A_286 {offsets = [16, 0], sizes = [1, 1024], strides = [1, 1]} : vector<56x1024xi32> to vector<1x1024xi32>
    %eq3A_400 = vector.broadcast %slice3A_399 : vector<1x1024xi32> to vector<56x1024xi32>
    %eq3A_401 = arith.cmpi eq, %iota3A_2, %eq3A_400 : vector<56x1024xi32>
    %slice3A_402 = vector.extract_strided_slice %scan3A_7#1 {offsets = [16, 0], sizes = [1, 1024], strides = [1, 1]} : vector<56x1024xi32> to vector<1x1024xi32>
    %broadcast_in_dim3A_403 = vector.shape_cast %slice3A_402 : vector<1x1024xi32> to vector<1x1024xi32>
    %broadcast_in_dim3A_404 = vector.broadcast %broadcast_in_dim3A_403 : vector<1x1024xi32> to vector<56x1024xi32>
    %select_n3A_405 = arith.select %eq3A_401, %broadcast_in_dim3A_404, %select_n3A_398 : vector<56x1024xi1>, vector<56x1024xi32>
    %slice3A_406 = vector.extract_strided_slice %add3A_286 {offsets = [17, 0], sizes = [1, 1024], strides = [1, 1]} : vector<56x1024xi32> to vector<1x1024xi32>
    %eq3A_407 = vector.broadcast %slice3A_406 : vector<1x1024xi32> to vector<56x1024xi32>
    %eq3A_408 = arith.cmpi eq, %iota3A_2, %eq3A_407 : vector<56x1024xi32>
    %slice3A_409 = vector.extract_strided_slice %scan3A_7#1 {offsets = [17, 0], sizes = [1, 1024], strides = [1, 1]} : vector<56x1024xi32> to vector<1x1024xi32>
    %broadcast_in_dim3A_410 = vector.shape_cast %slice3A_409 : vector<1x1024xi32> to vector<1x1024xi32>
    %broadcast_in_dim3A_411 = vector.broadcast %broadcast_in_dim3A_410 : vector<1x1024xi32> to vector<56x1024xi32>
    %select_n3A_412 = arith.select %eq3A_408, %broadcast_in_dim3A_411, %select_n3A_405 : vector<56x1024xi1>, vector<56x1024xi32>
    %slice3A_413 = vector.extract_strided_slice %add3A_286 {offsets = [18, 0], sizes = [1, 1024], strides = [1, 1]} : vector<56x1024xi32> to vector<1x1024xi32>
    %eq3A_414 = vector.broadcast %slice3A_413 : vector<1x1024xi32> to vector<56x1024xi32>
    %eq3A_415 = arith.cmpi eq, %iota3A_2, %eq3A_414 : vector<56x1024xi32>
    %slice3A_416 = vector.extract_strided_slice %scan3A_7#1 {offsets = [18, 0], sizes = [1, 1024], strides = [1, 1]} : vector<56x1024xi32> to vector<1x1024xi32>
    %broadcast_in_dim3A_417 = vector.shape_cast %slice3A_416 : vector<1x1024xi32> to vector<1x1024xi32>
    %broadcast_in_dim3A_418 = vector.broadcast %broadcast_in_dim3A_417 : vector<1x1024xi32> to vector<56x1024xi32>
    %select_n3A_419 = arith.select %eq3A_415, %broadcast_in_dim3A_418, %select_n3A_412 : vector<56x1024xi1>, vector<56x1024xi32>
    %slice3A_420 = vector.extract_strided_slice %add3A_286 {offsets = [19, 0], sizes = [1, 1024], strides = [1, 1]} : vector<56x1024xi32> to vector<1x1024xi32>
    %eq3A_421 = vector.broadcast %slice3A_420 : vector<1x1024xi32> to vector<56x1024xi32>
    %eq3A_422 = arith.cmpi eq, %iota3A_2, %eq3A_421 : vector<56x1024xi32>
    %slice3A_423 = vector.extract_strided_slice %scan3A_7#1 {offsets = [19, 0], sizes = [1, 1024], strides = [1, 1]} : vector<56x1024xi32> to vector<1x1024xi32>
    %broadcast_in_dim3A_424 = vector.shape_cast %slice3A_423 : vector<1x1024xi32> to vector<1x1024xi32>
    %broadcast_in_dim3A_425 = vector.broadcast %broadcast_in_dim3A_424 : vector<1x1024xi32> to vector<56x1024xi32>
    %select_n3A_426 = arith.select %eq3A_422, %broadcast_in_dim3A_425, %select_n3A_419 : vector<56x1024xi1>, vector<56x1024xi32>
    %slice3A_427 = vector.extract_strided_slice %add3A_286 {offsets = [20, 0], sizes = [1, 1024], strides = [1, 1]} : vector<56x1024xi32> to vector<1x1024xi32>
    %eq3A_428 = vector.broadcast %slice3A_427 : vector<1x1024xi32> to vector<56x1024xi32>
    %eq3A_429 = arith.cmpi eq, %iota3A_2, %eq3A_428 : vector<56x1024xi32>
    %slice3A_430 = vector.extract_strided_slice %scan3A_7#1 {offsets = [20, 0], sizes = [1, 1024], strides = [1, 1]} : vector<56x1024xi32> to vector<1x1024xi32>
    %broadcast_in_dim3A_431 = vector.shape_cast %slice3A_430 : vector<1x1024xi32> to vector<1x1024xi32>
    %broadcast_in_dim3A_432 = vector.broadcast %broadcast_in_dim3A_431 : vector<1x1024xi32> to vector<56x1024xi32>
    %select_n3A_433 = arith.select %eq3A_429, %broadcast_in_dim3A_432, %select_n3A_426 : vector<56x1024xi1>, vector<56x1024xi32>
    %slice3A_434 = vector.extract_strided_slice %add3A_286 {offsets = [21, 0], sizes = [1, 1024], strides = [1, 1]} : vector<56x1024xi32> to vector<1x1024xi32>
    %eq3A_435 = vector.broadcast %slice3A_434 : vector<1x1024xi32> to vector<56x1024xi32>
    %eq3A_436 = arith.cmpi eq, %iota3A_2, %eq3A_435 : vector<56x1024xi32>
    %slice3A_437 = vector.extract_strided_slice %scan3A_7#1 {offsets = [21, 0], sizes = [1, 1024], strides = [1, 1]} : vector<56x1024xi32> to vector<1x1024xi32>
    %broadcast_in_dim3A_438 = vector.shape_cast %slice3A_437 : vector<1x1024xi32> to vector<1x1024xi32>
    %broadcast_in_dim3A_439 = vector.broadcast %broadcast_in_dim3A_438 : vector<1x1024xi32> to vector<56x1024xi32>
    %select_n3A_440 = arith.select %eq3A_436, %broadcast_in_dim3A_439, %select_n3A_433 : vector<56x1024xi1>, vector<56x1024xi32>
    %slice3A_441 = vector.extract_strided_slice %add3A_286 {offsets = [22, 0], sizes = [1, 1024], strides = [1, 1]} : vector<56x1024xi32> to vector<1x1024xi32>
    %eq3A_442 = vector.broadcast %slice3A_441 : vector<1x1024xi32> to vector<56x1024xi32>
    %eq3A_443 = arith.cmpi eq, %iota3A_2, %eq3A_442 : vector<56x1024xi32>
    %slice3A_444 = vector.extract_strided_slice %scan3A_7#1 {offsets = [22, 0], sizes = [1, 1024], strides = [1, 1]} : vector<56x1024xi32> to vector<1x1024xi32>
    %broadcast_in_dim3A_445 = vector.shape_cast %slice3A_444 : vector<1x1024xi32> to vector<1x1024xi32>
    %broadcast_in_dim3A_446 = vector.broadcast %broadcast_in_dim3A_445 : vector<1x1024xi32> to vector<56x1024xi32>
    %select_n3A_447 = arith.select %eq3A_443, %broadcast_in_dim3A_446, %select_n3A_440 : vector<56x1024xi1>, vector<56x1024xi32>
    %slice3A_448 = vector.extract_strided_slice %add3A_286 {offsets = [23, 0], sizes = [1, 1024], strides = [1, 1]} : vector<56x1024xi32> to vector<1x1024xi32>
    %eq3A_449 = vector.broadcast %slice3A_448 : vector<1x1024xi32> to vector<56x1024xi32>
    %eq3A_450 = arith.cmpi eq, %iota3A_2, %eq3A_449 : vector<56x1024xi32>
    %slice3A_451 = vector.extract_strided_slice %scan3A_7#1 {offsets = [23, 0], sizes = [1, 1024], strides = [1, 1]} : vector<56x1024xi32> to vector<1x1024xi32>
    %broadcast_in_dim3A_452 = vector.shape_cast %slice3A_451 : vector<1x1024xi32> to vector<1x1024xi32>
    %broadcast_in_dim3A_453 = vector.broadcast %broadcast_in_dim3A_452 : vector<1x1024xi32> to vector<56x1024xi32>
    %select_n3A_454 = arith.select %eq3A_450, %broadcast_in_dim3A_453, %select_n3A_447 : vector<56x1024xi1>, vector<56x1024xi32>
    %slice3A_455 = vector.extract_strided_slice %add3A_286 {offsets = [24, 0], sizes = [1, 1024], strides = [1, 1]} : vector<56x1024xi32> to vector<1x1024xi32>
    %eq3A_456 = vector.broadcast %slice3A_455 : vector<1x1024xi32> to vector<56x1024xi32>
    %eq3A_457 = arith.cmpi eq, %iota3A_2, %eq3A_456 : vector<56x1024xi32>
    %slice3A_458 = vector.extract_strided_slice %scan3A_7#1 {offsets = [24, 0], sizes = [1, 1024], strides = [1, 1]} : vector<56x1024xi32> to vector<1x1024xi32>
    %broadcast_in_dim3A_459 = vector.shape_cast %slice3A_458 : vector<1x1024xi32> to vector<1x1024xi32>
    %broadcast_in_dim3A_460 = vector.broadcast %broadcast_in_dim3A_459 : vector<1x1024xi32> to vector<56x1024xi32>
    %select_n3A_461 = arith.select %eq3A_457, %broadcast_in_dim3A_460, %select_n3A_454 : vector<56x1024xi1>, vector<56x1024xi32>
    %slice3A_462 = vector.extract_strided_slice %add3A_286 {offsets = [25, 0], sizes = [1, 1024], strides = [1, 1]} : vector<56x1024xi32> to vector<1x1024xi32>
    %eq3A_463 = vector.broadcast %slice3A_462 : vector<1x1024xi32> to vector<56x1024xi32>
    %eq3A_464 = arith.cmpi eq, %iota3A_2, %eq3A_463 : vector<56x1024xi32>
    %slice3A_465 = vector.extract_strided_slice %scan3A_7#1 {offsets = [25, 0], sizes = [1, 1024], strides = [1, 1]} : vector<56x1024xi32> to vector<1x1024xi32>
    %broadcast_in_dim3A_466 = vector.shape_cast %slice3A_465 : vector<1x1024xi32> to vector<1x1024xi32>
    %broadcast_in_dim3A_467 = vector.broadcast %broadcast_in_dim3A_466 : vector<1x1024xi32> to vector<56x1024xi32>
    %select_n3A_468 = arith.select %eq3A_464, %broadcast_in_dim3A_467, %select_n3A_461 : vector<56x1024xi1>, vector<56x1024xi32>
    %slice3A_469 = vector.extract_strided_slice %add3A_286 {offsets = [26, 0], sizes = [1, 1024], strides = [1, 1]} : vector<56x1024xi32> to vector<1x1024xi32>
    %eq3A_470 = vector.broadcast %slice3A_469 : vector<1x1024xi32> to vector<56x1024xi32>
    %eq3A_471 = arith.cmpi eq, %iota3A_2, %eq3A_470 : vector<56x1024xi32>
    %slice3A_472 = vector.extract_strided_slice %scan3A_7#1 {offsets = [26, 0], sizes = [1, 1024], strides = [1, 1]} : vector<56x1024xi32> to vector<1x1024xi32>
    %broadcast_in_dim3A_473 = vector.shape_cast %slice3A_472 : vector<1x1024xi32> to vector<1x1024xi32>
    %broadcast_in_dim3A_474 = vector.broadcast %broadcast_in_dim3A_473 : vector<1x1024xi32> to vector<56x1024xi32>
    %select_n3A_475 = arith.select %eq3A_471, %broadcast_in_dim3A_474, %select_n3A_468 : vector<56x1024xi1>, vector<56x1024xi32>
    %slice3A_476 = vector.extract_strided_slice %add3A_286 {offsets = [27, 0], sizes = [1, 1024], strides = [1, 1]} : vector<56x1024xi32> to vector<1x1024xi32>
    %eq3A_477 = vector.broadcast %slice3A_476 : vector<1x1024xi32> to vector<56x1024xi32>
    %eq3A_478 = arith.cmpi eq, %iota3A_2, %eq3A_477 : vector<56x1024xi32>
    %slice3A_479 = vector.extract_strided_slice %scan3A_7#1 {offsets = [27, 0], sizes = [1, 1024], strides = [1, 1]} : vector<56x1024xi32> to vector<1x1024xi32>
    %broadcast_in_dim3A_480 = vector.shape_cast %slice3A_479 : vector<1x1024xi32> to vector<1x1024xi32>
    %broadcast_in_dim3A_481 = vector.broadcast %broadcast_in_dim3A_480 : vector<1x1024xi32> to vector<56x1024xi32>
    %select_n3A_482 = arith.select %eq3A_478, %broadcast_in_dim3A_481, %select_n3A_475 : vector<56x1024xi1>, vector<56x1024xi32>
    %slice3A_483 = vector.extract_strided_slice %add3A_286 {offsets = [28, 0], sizes = [1, 1024], strides = [1, 1]} : vector<56x1024xi32> to vector<1x1024xi32>
    %eq3A_484 = vector.broadcast %slice3A_483 : vector<1x1024xi32> to vector<56x1024xi32>
    %eq3A_485 = arith.cmpi eq, %iota3A_2, %eq3A_484 : vector<56x1024xi32>
    %slice3A_486 = vector.extract_strided_slice %scan3A_7#1 {offsets = [28, 0], sizes = [1, 1024], strides = [1, 1]} : vector<56x1024xi32> to vector<1x1024xi32>
    %broadcast_in_dim3A_487 = vector.shape_cast %slice3A_486 : vector<1x1024xi32> to vector<1x1024xi32>
    %broadcast_in_dim3A_488 = vector.broadcast %broadcast_in_dim3A_487 : vector<1x1024xi32> to vector<56x1024xi32>
    %select_n3A_489 = arith.select %eq3A_485, %broadcast_in_dim3A_488, %select_n3A_482 : vector<56x1024xi1>, vector<56x1024xi32>
    %slice3A_490 = vector.extract_strided_slice %add3A_286 {offsets = [29, 0], sizes = [1, 1024], strides = [1, 1]} : vector<56x1024xi32> to vector<1x1024xi32>
    %eq3A_491 = vector.broadcast %slice3A_490 : vector<1x1024xi32> to vector<56x1024xi32>
    %eq3A_492 = arith.cmpi eq, %iota3A_2, %eq3A_491 : vector<56x1024xi32>
    %slice3A_493 = vector.extract_strided_slice %scan3A_7#1 {offsets = [29, 0], sizes = [1, 1024], strides = [1, 1]} : vector<56x1024xi32> to vector<1x1024xi32>
    %broadcast_in_dim3A_494 = vector.shape_cast %slice3A_493 : vector<1x1024xi32> to vector<1x1024xi32>
    %broadcast_in_dim3A_495 = vector.broadcast %broadcast_in_dim3A_494 : vector<1x1024xi32> to vector<56x1024xi32>
    %select_n3A_496 = arith.select %eq3A_492, %broadcast_in_dim3A_495, %select_n3A_489 : vector<56x1024xi1>, vector<56x1024xi32>
    %slice3A_497 = vector.extract_strided_slice %add3A_286 {offsets = [30, 0], sizes = [1, 1024], strides = [1, 1]} : vector<56x1024xi32> to vector<1x1024xi32>
    %eq3A_498 = vector.broadcast %slice3A_497 : vector<1x1024xi32> to vector<56x1024xi32>
    %eq3A_499 = arith.cmpi eq, %iota3A_2, %eq3A_498 : vector<56x1024xi32>
    %slice3A_500 = vector.extract_strided_slice %scan3A_7#1 {offsets = [30, 0], sizes = [1, 1024], strides = [1, 1]} : vector<56x1024xi32> to vector<1x1024xi32>
    %broadcast_in_dim3A_501 = vector.shape_cast %slice3A_500 : vector<1x1024xi32> to vector<1x1024xi32>
    %broadcast_in_dim3A_502 = vector.broadcast %broadcast_in_dim3A_501 : vector<1x1024xi32> to vector<56x1024xi32>
    %select_n3A_503 = arith.select %eq3A_499, %broadcast_in_dim3A_502, %select_n3A_496 : vector<56x1024xi1>, vector<56x1024xi32>
    %slice3A_504 = vector.extract_strided_slice %add3A_286 {offsets = [31, 0], sizes = [1, 1024], strides = [1, 1]} : vector<56x1024xi32> to vector<1x1024xi32>
    %eq3A_505 = vector.broadcast %slice3A_504 : vector<1x1024xi32> to vector<56x1024xi32>
    %eq3A_506 = arith.cmpi eq, %iota3A_2, %eq3A_505 : vector<56x1024xi32>
    %slice3A_507 = vector.extract_strided_slice %scan3A_7#1 {offsets = [31, 0], sizes = [1, 1024], strides = [1, 1]} : vector<56x1024xi32> to vector<1x1024xi32>
    %broadcast_in_dim3A_508 = vector.shape_cast %slice3A_507 : vector<1x1024xi32> to vector<1x1024xi32>
    %broadcast_in_dim3A_509 = vector.broadcast %broadcast_in_dim3A_508 : vector<1x1024xi32> to vector<56x1024xi32>
    %select_n3A_510 = arith.select %eq3A_506, %broadcast_in_dim3A_509, %select_n3A_503 : vector<56x1024xi1>, vector<56x1024xi32>
    %slice3A_511 = vector.extract_strided_slice %add3A_286 {offsets = [32, 0], sizes = [1, 1024], strides = [1, 1]} : vector<56x1024xi32> to vector<1x1024xi32>
    %eq3A_512 = vector.broadcast %slice3A_511 : vector<1x1024xi32> to vector<56x1024xi32>
    %eq3A_513 = arith.cmpi eq, %iota3A_2, %eq3A_512 : vector<56x1024xi32>
    %slice3A_514 = vector.extract_strided_slice %scan3A_7#1 {offsets = [32, 0], sizes = [1, 1024], strides = [1, 1]} : vector<56x1024xi32> to vector<1x1024xi32>
    %broadcast_in_dim3A_515 = vector.shape_cast %slice3A_514 : vector<1x1024xi32> to vector<1x1024xi32>
    %broadcast_in_dim3A_516 = vector.broadcast %broadcast_in_dim3A_515 : vector<1x1024xi32> to vector<56x1024xi32>
    %select_n3A_517 = arith.select %eq3A_513, %broadcast_in_dim3A_516, %select_n3A_510 : vector<56x1024xi1>, vector<56x1024xi32>
    %slice3A_518 = vector.extract_strided_slice %add3A_286 {offsets = [33, 0], sizes = [1, 1024], strides = [1, 1]} : vector<56x1024xi32> to vector<1x1024xi32>
    %eq3A_519 = vector.broadcast %slice3A_518 : vector<1x1024xi32> to vector<56x1024xi32>
    %eq3A_520 = arith.cmpi eq, %iota3A_2, %eq3A_519 : vector<56x1024xi32>
    %slice3A_521 = vector.extract_strided_slice %scan3A_7#1 {offsets = [33, 0], sizes = [1, 1024], strides = [1, 1]} : vector<56x1024xi32> to vector<1x1024xi32>
    %broadcast_in_dim3A_522 = vector.shape_cast %slice3A_521 : vector<1x1024xi32> to vector<1x1024xi32>
    %broadcast_in_dim3A_523 = vector.broadcast %broadcast_in_dim3A_522 : vector<1x1024xi32> to vector<56x1024xi32>
    %select_n3A_524 = arith.select %eq3A_520, %broadcast_in_dim3A_523, %select_n3A_517 : vector<56x1024xi1>, vector<56x1024xi32>
    %slice3A_525 = vector.extract_strided_slice %add3A_286 {offsets = [34, 0], sizes = [1, 1024], strides = [1, 1]} : vector<56x1024xi32> to vector<1x1024xi32>
    %eq3A_526 = vector.broadcast %slice3A_525 : vector<1x1024xi32> to vector<56x1024xi32>
    %eq3A_527 = arith.cmpi eq, %iota3A_2, %eq3A_526 : vector<56x1024xi32>
    %slice3A_528 = vector.extract_strided_slice %scan3A_7#1 {offsets = [34, 0], sizes = [1, 1024], strides = [1, 1]} : vector<56x1024xi32> to vector<1x1024xi32>
    %broadcast_in_dim3A_529 = vector.shape_cast %slice3A_528 : vector<1x1024xi32> to vector<1x1024xi32>
    %broadcast_in_dim3A_530 = vector.broadcast %broadcast_in_dim3A_529 : vector<1x1024xi32> to vector<56x1024xi32>
    %select_n3A_531 = arith.select %eq3A_527, %broadcast_in_dim3A_530, %select_n3A_524 : vector<56x1024xi1>, vector<56x1024xi32>
    %slice3A_532 = vector.extract_strided_slice %add3A_286 {offsets = [35, 0], sizes = [1, 1024], strides = [1, 1]} : vector<56x1024xi32> to vector<1x1024xi32>
    %eq3A_533 = vector.broadcast %slice3A_532 : vector<1x1024xi32> to vector<56x1024xi32>
    %eq3A_534 = arith.cmpi eq, %iota3A_2, %eq3A_533 : vector<56x1024xi32>
    %slice3A_535 = vector.extract_strided_slice %scan3A_7#1 {offsets = [35, 0], sizes = [1, 1024], strides = [1, 1]} : vector<56x1024xi32> to vector<1x1024xi32>
    %broadcast_in_dim3A_536 = vector.shape_cast %slice3A_535 : vector<1x1024xi32> to vector<1x1024xi32>
    %broadcast_in_dim3A_537 = vector.broadcast %broadcast_in_dim3A_536 : vector<1x1024xi32> to vector<56x1024xi32>
    %select_n3A_538 = arith.select %eq3A_534, %broadcast_in_dim3A_537, %select_n3A_531 : vector<56x1024xi1>, vector<56x1024xi32>
    %slice3A_539 = vector.extract_strided_slice %add3A_286 {offsets = [36, 0], sizes = [1, 1024], strides = [1, 1]} : vector<56x1024xi32> to vector<1x1024xi32>
    %eq3A_540 = vector.broadcast %slice3A_539 : vector<1x1024xi32> to vector<56x1024xi32>
    %eq3A_541 = arith.cmpi eq, %iota3A_2, %eq3A_540 : vector<56x1024xi32>
    %slice3A_542 = vector.extract_strided_slice %scan3A_7#1 {offsets = [36, 0], sizes = [1, 1024], strides = [1, 1]} : vector<56x1024xi32> to vector<1x1024xi32>
    %broadcast_in_dim3A_543 = vector.shape_cast %slice3A_542 : vector<1x1024xi32> to vector<1x1024xi32>
    %broadcast_in_dim3A_544 = vector.broadcast %broadcast_in_dim3A_543 : vector<1x1024xi32> to vector<56x1024xi32>
    %select_n3A_545 = arith.select %eq3A_541, %broadcast_in_dim3A_544, %select_n3A_538 : vector<56x1024xi1>, vector<56x1024xi32>
    %slice3A_546 = vector.extract_strided_slice %add3A_286 {offsets = [37, 0], sizes = [1, 1024], strides = [1, 1]} : vector<56x1024xi32> to vector<1x1024xi32>
    %eq3A_547 = vector.broadcast %slice3A_546 : vector<1x1024xi32> to vector<56x1024xi32>
    %eq3A_548 = arith.cmpi eq, %iota3A_2, %eq3A_547 : vector<56x1024xi32>
    %slice3A_549 = vector.extract_strided_slice %scan3A_7#1 {offsets = [37, 0], sizes = [1, 1024], strides = [1, 1]} : vector<56x1024xi32> to vector<1x1024xi32>
    %broadcast_in_dim3A_550 = vector.shape_cast %slice3A_549 : vector<1x1024xi32> to vector<1x1024xi32>
    %broadcast_in_dim3A_551 = vector.broadcast %broadcast_in_dim3A_550 : vector<1x1024xi32> to vector<56x1024xi32>
    %select_n3A_552 = arith.select %eq3A_548, %broadcast_in_dim3A_551, %select_n3A_545 : vector<56x1024xi1>, vector<56x1024xi32>
    %slice3A_553 = vector.extract_strided_slice %add3A_286 {offsets = [38, 0], sizes = [1, 1024], strides = [1, 1]} : vector<56x1024xi32> to vector<1x1024xi32>
    %eq3A_554 = vector.broadcast %slice3A_553 : vector<1x1024xi32> to vector<56x1024xi32>
    %eq3A_555 = arith.cmpi eq, %iota3A_2, %eq3A_554 : vector<56x1024xi32>
    %slice3A_556 = vector.extract_strided_slice %scan3A_7#1 {offsets = [38, 0], sizes = [1, 1024], strides = [1, 1]} : vector<56x1024xi32> to vector<1x1024xi32>
    %broadcast_in_dim3A_557 = vector.shape_cast %slice3A_556 : vector<1x1024xi32> to vector<1x1024xi32>
    %broadcast_in_dim3A_558 = vector.broadcast %broadcast_in_dim3A_557 : vector<1x1024xi32> to vector<56x1024xi32>
    %select_n3A_559 = arith.select %eq3A_555, %broadcast_in_dim3A_558, %select_n3A_552 : vector<56x1024xi1>, vector<56x1024xi32>
    %slice3A_560 = vector.extract_strided_slice %add3A_286 {offsets = [39, 0], sizes = [1, 1024], strides = [1, 1]} : vector<56x1024xi32> to vector<1x1024xi32>
    %eq3A_561 = vector.broadcast %slice3A_560 : vector<1x1024xi32> to vector<56x1024xi32>
    %eq3A_562 = arith.cmpi eq, %iota3A_2, %eq3A_561 : vector<56x1024xi32>
    %slice3A_563 = vector.extract_strided_slice %scan3A_7#1 {offsets = [39, 0], sizes = [1, 1024], strides = [1, 1]} : vector<56x1024xi32> to vector<1x1024xi32>
    %broadcast_in_dim3A_564 = vector.shape_cast %slice3A_563 : vector<1x1024xi32> to vector<1x1024xi32>
    %broadcast_in_dim3A_565 = vector.broadcast %broadcast_in_dim3A_564 : vector<1x1024xi32> to vector<56x1024xi32>
    %select_n3A_566 = arith.select %eq3A_562, %broadcast_in_dim3A_565, %select_n3A_559 : vector<56x1024xi1>, vector<56x1024xi32>
    %slice3A_567 = vector.extract_strided_slice %add3A_286 {offsets = [40, 0], sizes = [1, 1024], strides = [1, 1]} : vector<56x1024xi32> to vector<1x1024xi32>
    %eq3A_568 = vector.broadcast %slice3A_567 : vector<1x1024xi32> to vector<56x1024xi32>
    %eq3A_569 = arith.cmpi eq, %iota3A_2, %eq3A_568 : vector<56x1024xi32>
    %slice3A_570 = vector.extract_strided_slice %scan3A_7#1 {offsets = [40, 0], sizes = [1, 1024], strides = [1, 1]} : vector<56x1024xi32> to vector<1x1024xi32>
    %broadcast_in_dim3A_571 = vector.shape_cast %slice3A_570 : vector<1x1024xi32> to vector<1x1024xi32>
    %broadcast_in_dim3A_572 = vector.broadcast %broadcast_in_dim3A_571 : vector<1x1024xi32> to vector<56x1024xi32>
    %select_n3A_573 = arith.select %eq3A_569, %broadcast_in_dim3A_572, %select_n3A_566 : vector<56x1024xi1>, vector<56x1024xi32>
    %slice3A_574 = vector.extract_strided_slice %add3A_286 {offsets = [41, 0], sizes = [1, 1024], strides = [1, 1]} : vector<56x1024xi32> to vector<1x1024xi32>
    %eq3A_575 = vector.broadcast %slice3A_574 : vector<1x1024xi32> to vector<56x1024xi32>
    %eq3A_576 = arith.cmpi eq, %iota3A_2, %eq3A_575 : vector<56x1024xi32>
    %slice3A_577 = vector.extract_strided_slice %scan3A_7#1 {offsets = [41, 0], sizes = [1, 1024], strides = [1, 1]} : vector<56x1024xi32> to vector<1x1024xi32>
    %broadcast_in_dim3A_578 = vector.shape_cast %slice3A_577 : vector<1x1024xi32> to vector<1x1024xi32>
    %broadcast_in_dim3A_579 = vector.broadcast %broadcast_in_dim3A_578 : vector<1x1024xi32> to vector<56x1024xi32>
    %select_n3A_580 = arith.select %eq3A_576, %broadcast_in_dim3A_579, %select_n3A_573 : vector<56x1024xi1>, vector<56x1024xi32>
    %slice3A_581 = vector.extract_strided_slice %add3A_286 {offsets = [42, 0], sizes = [1, 1024], strides = [1, 1]} : vector<56x1024xi32> to vector<1x1024xi32>
    %eq3A_582 = vector.broadcast %slice3A_581 : vector<1x1024xi32> to vector<56x1024xi32>
    %eq3A_583 = arith.cmpi eq, %iota3A_2, %eq3A_582 : vector<56x1024xi32>
    %slice3A_584 = vector.extract_strided_slice %scan3A_7#1 {offsets = [42, 0], sizes = [1, 1024], strides = [1, 1]} : vector<56x1024xi32> to vector<1x1024xi32>
    %broadcast_in_dim3A_585 = vector.shape_cast %slice3A_584 : vector<1x1024xi32> to vector<1x1024xi32>
    %broadcast_in_dim3A_586 = vector.broadcast %broadcast_in_dim3A_585 : vector<1x1024xi32> to vector<56x1024xi32>
    %select_n3A_587 = arith.select %eq3A_583, %broadcast_in_dim3A_586, %select_n3A_580 : vector<56x1024xi1>, vector<56x1024xi32>
    %slice3A_588 = vector.extract_strided_slice %add3A_286 {offsets = [43, 0], sizes = [1, 1024], strides = [1, 1]} : vector<56x1024xi32> to vector<1x1024xi32>
    %eq3A_589 = vector.broadcast %slice3A_588 : vector<1x1024xi32> to vector<56x1024xi32>
    %eq3A_590 = arith.cmpi eq, %iota3A_2, %eq3A_589 : vector<56x1024xi32>
    %slice3A_591 = vector.extract_strided_slice %scan3A_7#1 {offsets = [43, 0], sizes = [1, 1024], strides = [1, 1]} : vector<56x1024xi32> to vector<1x1024xi32>
    %broadcast_in_dim3A_592 = vector.shape_cast %slice3A_591 : vector<1x1024xi32> to vector<1x1024xi32>
    %broadcast_in_dim3A_593 = vector.broadcast %broadcast_in_dim3A_592 : vector<1x1024xi32> to vector<56x1024xi32>
    %select_n3A_594 = arith.select %eq3A_590, %broadcast_in_dim3A_593, %select_n3A_587 : vector<56x1024xi1>, vector<56x1024xi32>
    %slice3A_595 = vector.extract_strided_slice %add3A_286 {offsets = [44, 0], sizes = [1, 1024], strides = [1, 1]} : vector<56x1024xi32> to vector<1x1024xi32>
    %eq3A_596 = vector.broadcast %slice3A_595 : vector<1x1024xi32> to vector<56x1024xi32>
    %eq3A_597 = arith.cmpi eq, %iota3A_2, %eq3A_596 : vector<56x1024xi32>
    %slice3A_598 = vector.extract_strided_slice %scan3A_7#1 {offsets = [44, 0], sizes = [1, 1024], strides = [1, 1]} : vector<56x1024xi32> to vector<1x1024xi32>
    %broadcast_in_dim3A_599 = vector.shape_cast %slice3A_598 : vector<1x1024xi32> to vector<1x1024xi32>
    %broadcast_in_dim3A_600 = vector.broadcast %broadcast_in_dim3A_599 : vector<1x1024xi32> to vector<56x1024xi32>
    %select_n3A_601 = arith.select %eq3A_597, %broadcast_in_dim3A_600, %select_n3A_594 : vector<56x1024xi1>, vector<56x1024xi32>
    %slice3A_602 = vector.extract_strided_slice %add3A_286 {offsets = [45, 0], sizes = [1, 1024], strides = [1, 1]} : vector<56x1024xi32> to vector<1x1024xi32>
    %eq3A_603 = vector.broadcast %slice3A_602 : vector<1x1024xi32> to vector<56x1024xi32>
    %eq3A_604 = arith.cmpi eq, %iota3A_2, %eq3A_603 : vector<56x1024xi32>
    %slice3A_605 = vector.extract_strided_slice %scan3A_7#1 {offsets = [45, 0], sizes = [1, 1024], strides = [1, 1]} : vector<56x1024xi32> to vector<1x1024xi32>
    %broadcast_in_dim3A_606 = vector.shape_cast %slice3A_605 : vector<1x1024xi32> to vector<1x1024xi32>
    %broadcast_in_dim3A_607 = vector.broadcast %broadcast_in_dim3A_606 : vector<1x1024xi32> to vector<56x1024xi32>
    %select_n3A_608 = arith.select %eq3A_604, %broadcast_in_dim3A_607, %select_n3A_601 : vector<56x1024xi1>, vector<56x1024xi32>
    %slice3A_609 = vector.extract_strided_slice %add3A_286 {offsets = [46, 0], sizes = [1, 1024], strides = [1, 1]} : vector<56x1024xi32> to vector<1x1024xi32>
    %eq3A_610 = vector.broadcast %slice3A_609 : vector<1x1024xi32> to vector<56x1024xi32>
    %eq3A_611 = arith.cmpi eq, %iota3A_2, %eq3A_610 : vector<56x1024xi32>
    %slice3A_612 = vector.extract_strided_slice %scan3A_7#1 {offsets = [46, 0], sizes = [1, 1024], strides = [1, 1]} : vector<56x1024xi32> to vector<1x1024xi32>
    %broadcast_in_dim3A_613 = vector.shape_cast %slice3A_612 : vector<1x1024xi32> to vector<1x1024xi32>
    %broadcast_in_dim3A_614 = vector.broadcast %broadcast_in_dim3A_613 : vector<1x1024xi32> to vector<56x1024xi32>
    %select_n3A_615 = arith.select %eq3A_611, %broadcast_in_dim3A_614, %select_n3A_608 : vector<56x1024xi1>, vector<56x1024xi32>
    %slice3A_616 = vector.extract_strided_slice %add3A_286 {offsets = [47, 0], sizes = [1, 1024], strides = [1, 1]} : vector<56x1024xi32> to vector<1x1024xi32>
    %eq3A_617 = vector.broadcast %slice3A_616 : vector<1x1024xi32> to vector<56x1024xi32>
    %eq3A_618 = arith.cmpi eq, %iota3A_2, %eq3A_617 : vector<56x1024xi32>
    %slice3A_619 = vector.extract_strided_slice %scan3A_7#1 {offsets = [47, 0], sizes = [1, 1024], strides = [1, 1]} : vector<56x1024xi32> to vector<1x1024xi32>
    %broadcast_in_dim3A_620 = vector.shape_cast %slice3A_619 : vector<1x1024xi32> to vector<1x1024xi32>
    %broadcast_in_dim3A_621 = vector.broadcast %broadcast_in_dim3A_620 : vector<1x1024xi32> to vector<56x1024xi32>
    %select_n3A_622 = arith.select %eq3A_618, %broadcast_in_dim3A_621, %select_n3A_615 : vector<56x1024xi1>, vector<56x1024xi32>
    %slice3A_623 = vector.extract_strided_slice %add3A_286 {offsets = [48, 0], sizes = [1, 1024], strides = [1, 1]} : vector<56x1024xi32> to vector<1x1024xi32>
    %eq3A_624 = vector.broadcast %slice3A_623 : vector<1x1024xi32> to vector<56x1024xi32>
    %eq3A_625 = arith.cmpi eq, %iota3A_2, %eq3A_624 : vector<56x1024xi32>
    %slice3A_626 = vector.extract_strided_slice %scan3A_7#1 {offsets = [48, 0], sizes = [1, 1024], strides = [1, 1]} : vector<56x1024xi32> to vector<1x1024xi32>
    %broadcast_in_dim3A_627 = vector.shape_cast %slice3A_626 : vector<1x1024xi32> to vector<1x1024xi32>
    %broadcast_in_dim3A_628 = vector.broadcast %broadcast_in_dim3A_627 : vector<1x1024xi32> to vector<56x1024xi32>
    %select_n3A_629 = arith.select %eq3A_625, %broadcast_in_dim3A_628, %select_n3A_622 : vector<56x1024xi1>, vector<56x1024xi32>
    %slice3A_630 = vector.extract_strided_slice %add3A_286 {offsets = [49, 0], sizes = [1, 1024], strides = [1, 1]} : vector<56x1024xi32> to vector<1x1024xi32>
    %eq3A_631 = vector.broadcast %slice3A_630 : vector<1x1024xi32> to vector<56x1024xi32>
    %eq3A_632 = arith.cmpi eq, %iota3A_2, %eq3A_631 : vector<56x1024xi32>
    %slice3A_633 = vector.extract_strided_slice %scan3A_7#1 {offsets = [49, 0], sizes = [1, 1024], strides = [1, 1]} : vector<56x1024xi32> to vector<1x1024xi32>
    %broadcast_in_dim3A_634 = vector.shape_cast %slice3A_633 : vector<1x1024xi32> to vector<1x1024xi32>
    %broadcast_in_dim3A_635 = vector.broadcast %broadcast_in_dim3A_634 : vector<1x1024xi32> to vector<56x1024xi32>
    %select_n3A_636 = arith.select %eq3A_632, %broadcast_in_dim3A_635, %select_n3A_629 : vector<56x1024xi1>, vector<56x1024xi32>
    %slice3A_637 = vector.extract_strided_slice %add3A_286 {offsets = [50, 0], sizes = [1, 1024], strides = [1, 1]} : vector<56x1024xi32> to vector<1x1024xi32>
    %eq3A_638 = vector.broadcast %slice3A_637 : vector<1x1024xi32> to vector<56x1024xi32>
    %eq3A_639 = arith.cmpi eq, %iota3A_2, %eq3A_638 : vector<56x1024xi32>
    %slice3A_640 = vector.extract_strided_slice %scan3A_7#1 {offsets = [50, 0], sizes = [1, 1024], strides = [1, 1]} : vector<56x1024xi32> to vector<1x1024xi32>
    %broadcast_in_dim3A_641 = vector.shape_cast %slice3A_640 : vector<1x1024xi32> to vector<1x1024xi32>
    %broadcast_in_dim3A_642 = vector.broadcast %broadcast_in_dim3A_641 : vector<1x1024xi32> to vector<56x1024xi32>
    %select_n3A_643 = arith.select %eq3A_639, %broadcast_in_dim3A_642, %select_n3A_636 : vector<56x1024xi1>, vector<56x1024xi32>
    %slice3A_644 = vector.extract_strided_slice %add3A_286 {offsets = [51, 0], sizes = [1, 1024], strides = [1, 1]} : vector<56x1024xi32> to vector<1x1024xi32>
    %eq3A_645 = vector.broadcast %slice3A_644 : vector<1x1024xi32> to vector<56x1024xi32>
    %eq3A_646 = arith.cmpi eq, %iota3A_2, %eq3A_645 : vector<56x1024xi32>
    %slice3A_647 = vector.extract_strided_slice %scan3A_7#1 {offsets = [51, 0], sizes = [1, 1024], strides = [1, 1]} : vector<56x1024xi32> to vector<1x1024xi32>
    %broadcast_in_dim3A_648 = vector.shape_cast %slice3A_647 : vector<1x1024xi32> to vector<1x1024xi32>
    %broadcast_in_dim3A_649 = vector.broadcast %broadcast_in_dim3A_648 : vector<1x1024xi32> to vector<56x1024xi32>
    %select_n3A_650 = arith.select %eq3A_646, %broadcast_in_dim3A_649, %select_n3A_643 : vector<56x1024xi1>, vector<56x1024xi32>
    %slice3A_651 = vector.extract_strided_slice %add3A_286 {offsets = [52, 0], sizes = [1, 1024], strides = [1, 1]} : vector<56x1024xi32> to vector<1x1024xi32>
    %eq3A_652 = vector.broadcast %slice3A_651 : vector<1x1024xi32> to vector<56x1024xi32>
    %eq3A_653 = arith.cmpi eq, %iota3A_2, %eq3A_652 : vector<56x1024xi32>
    %slice3A_654 = vector.extract_strided_slice %scan3A_7#1 {offsets = [52, 0], sizes = [1, 1024], strides = [1, 1]} : vector<56x1024xi32> to vector<1x1024xi32>
    %broadcast_in_dim3A_655 = vector.shape_cast %slice3A_654 : vector<1x1024xi32> to vector<1x1024xi32>
    %broadcast_in_dim3A_656 = vector.broadcast %broadcast_in_dim3A_655 : vector<1x1024xi32> to vector<56x1024xi32>
    %select_n3A_657 = arith.select %eq3A_653, %broadcast_in_dim3A_656, %select_n3A_650 : vector<56x1024xi1>, vector<56x1024xi32>
    %slice3A_658 = vector.extract_strided_slice %add3A_286 {offsets = [53, 0], sizes = [1, 1024], strides = [1, 1]} : vector<56x1024xi32> to vector<1x1024xi32>
    %eq3A_659 = vector.broadcast %slice3A_658 : vector<1x1024xi32> to vector<56x1024xi32>
    %eq3A_660 = arith.cmpi eq, %iota3A_2, %eq3A_659 : vector<56x1024xi32>
    %slice3A_661 = vector.extract_strided_slice %scan3A_7#1 {offsets = [53, 0], sizes = [1, 1024], strides = [1, 1]} : vector<56x1024xi32> to vector<1x1024xi32>
    %broadcast_in_dim3A_662 = vector.shape_cast %slice3A_661 : vector<1x1024xi32> to vector<1x1024xi32>
    %broadcast_in_dim3A_663 = vector.broadcast %broadcast_in_dim3A_662 : vector<1x1024xi32> to vector<56x1024xi32>
    %select_n3A_664 = arith.select %eq3A_660, %broadcast_in_dim3A_663, %select_n3A_657 : vector<56x1024xi1>, vector<56x1024xi32>
    %slice3A_665 = vector.extract_strided_slice %add3A_286 {offsets = [54, 0], sizes = [1, 1024], strides = [1, 1]} : vector<56x1024xi32> to vector<1x1024xi32>
    %eq3A_666 = vector.broadcast %slice3A_665 : vector<1x1024xi32> to vector<56x1024xi32>
    %eq3A_667 = arith.cmpi eq, %iota3A_2, %eq3A_666 : vector<56x1024xi32>
    %slice3A_668 = vector.extract_strided_slice %scan3A_7#1 {offsets = [54, 0], sizes = [1, 1024], strides = [1, 1]} : vector<56x1024xi32> to vector<1x1024xi32>
    %broadcast_in_dim3A_669 = vector.shape_cast %slice3A_668 : vector<1x1024xi32> to vector<1x1024xi32>
    %broadcast_in_dim3A_670 = vector.broadcast %broadcast_in_dim3A_669 : vector<1x1024xi32> to vector<56x1024xi32>
    %select_n3A_671 = arith.select %eq3A_667, %broadcast_in_dim3A_670, %select_n3A_664 : vector<56x1024xi1>, vector<56x1024xi32>
    %slice3A_672 = vector.extract_strided_slice %add3A_286 {offsets = [55, 0], sizes = [1, 1024], strides = [1, 1]} : vector<56x1024xi32> to vector<1x1024xi32>
    %eq3A_673 = vector.broadcast %slice3A_672 : vector<1x1024xi32> to vector<56x1024xi32>
    %eq3A_674 = arith.cmpi eq, %iota3A_2, %eq3A_673 : vector<56x1024xi32>
    %slice3A_675 = vector.extract_strided_slice %scan3A_7#1 {offsets = [55, 0], sizes = [1, 1024], strides = [1, 1]} : vector<56x1024xi32> to vector<1x1024xi32>
    %broadcast_in_dim3A_676 = vector.shape_cast %slice3A_675 : vector<1x1024xi32> to vector<1x1024xi32>
    %broadcast_in_dim3A_677 = vector.broadcast %broadcast_in_dim3A_676 : vector<1x1024xi32> to vector<56x1024xi32>
    %select_n3A_678 = arith.select %eq3A_674, %broadcast_in_dim3A_677, %select_n3A_671 : vector<56x1024xi1>, vector<56x1024xi32>
    %swap3A = arith.constant 0 : index
    %swap3A_679 = arith.constant 0 : index
    %swap3A_680 = vector.load %arg2[%swap3A, %swap3A_679] : memref<56x1024xi32, #tpu.memory_space<vmem>>, vector<56x1024xi32>
    tpu.vector_store %arg2[%swap3A, %swap3A_679], %select_n3A_678 {strides = array<i32>} : memref<56x1024xi32, #tpu.memory_space<vmem>>, vector<56x1024xi32>,
    return
  }
  func.func @transform_0(%arg0: i32) -> (i32, i32) {
    %c0_i32 = arith.constant 0 : i32
    %c0_i32_0 = arith.constant 0 : i32
    %c0_i32_1 = arith.constant 0 : i32
    return %c0_i32, %c0_i32_0 : i32, i32
  }
  func.func @transform_1(%arg0: i32) -> (i32, i32) {
    %c0_i32 = arith.constant 0 : i32
    %c0_i32_0 = arith.constant 0 : i32
    %c0_i32_1 = arith.constant 0 : i32
    return %c0_i32, %c0_i32_0 : i32, i32
  }
}

module attributes {stable_mosaic.version = 14 : i64} {
  func.func @_k2b_body(%arg0: i32, %arg1: memref<64x7168xf32, #tpu.memory_space<vmem>>, %arg2: memref<64x56xi32, #tpu.memory_space<vmem>>, %arg3: memref<64x50xf32, #tpu.memory_space<vmem>>, %arg4: memref<64x50xi32, #tpu.memory_space<vmem>>) attributes {dimension_semantics = [#tpu.dimension_semantics<arbitrary>], iteration_bounds = array<i64: 16>, scalar_prefetch = 0 : i64, scratch_operands = 0 : i64, tpu.core_type = #tpu.core_type<tc>, window_params = [{transform_indices = @transform_0, window_bounds = array<i64: 64, 7168>}, {transform_indices = @transform_1, window_bounds = array<i64: 64, 56>}, {transform_indices = @transform_2, window_bounds = array<i64: 64, 50>}, {transform_indices = @transform_3, window_bounds = array<i64: 64, 50>}]} {
    %get3A = arith.constant 0 : index
    %get3A_0 = arith.constant 0 : index
    %get3A_1 = vector.load %arg1[%get3A, %get3A_0] : memref<64x7168xf32, #tpu.memory_space<vmem>>, vector<64x7168xf32>
    %get3A_2 = arith.constant 0 : index
    %get3A_3 = arith.constant 0 : index
    %get3A_4 = vector.load %arg2[%get3A_2, %get3A_3] : memref<64x56xi32, #tpu.memory_space<vmem>>, vector<64x56xi32>
    %iota3A = tpu.iota {dimensions = array<i32: 1>} : vector<64x7168xi32>
    %iota3A_5 = tpu.iota {dimensions = array<i32: 1>} : vector<64x50xi32>
    %broadcast_in_dim3A = arith.constant 0.000000e+00 : f32
    %broadcast_in_dim3A_6 = vector.broadcast %broadcast_in_dim3A : f32 to vector<64x50xf32>
    %broadcast_in_dim3A_7 = arith.constant 0 : i32
    %broadcast_in_dim3A_8 = vector.broadcast %broadcast_in_dim3A_7 : i32 to vector<64x50xi32>
    %scan3A = arith.constant 0 : i32
    %scan3A_9 = arith.constant 50 : i32
    %scan3A_10 = arith.addi %scan3A, %scan3A_9 : i32
    %scan3A_11 = arith.constant 1 : i32
    %scan3A_12:3 = scf.for %scan3A_19 = %scan3A to %scan3A_10 step %scan3A_11 iter_args(%scan3A_20 = %get3A_1, %scan3A_21 = %broadcast_in_dim3A_6, %scan3A_22 = %broadcast_in_dim3A_8) -> (vector<64x7168xf32>, vector<64x50xf32>, vector<64x50xi32>)  : i32 {
      %reduce_max3A = arith.constant dense<0xFF800000> : vector<64xf32>
      %reduce_max3A_23 = vector.multi_reduction <maximumf>, %scan3A_20, %reduce_max3A [1] : vector<64x7168xf32> to vector<64xf32>
      %broadcast_in_dim3A_24 = vector.shape_cast %reduce_max3A_23 : vector<64xf32> to vector<64x1xf32>
      %argmax3A = tpu.reduce_index %scan3A_20 {axis = 1 : i32, kind = #tpu.reduction_kind<arg_max>} : vector<64x7168xf32> -> vector<64xi32>
      %broadcast_in_dim3A_25 = vector.shape_cast %argmax3A : vector<64xi32> to vector<64x1xi32>
      %eq3A = vector.broadcast %broadcast_in_dim3A_25 : vector<64x1xi32> to vector<64x7168xi32>
      %eq3A_26 = arith.cmpi eq, %iota3A, %eq3A : vector<64x7168xi32>
      %jit3A = arith.constant 0xFF800000 : f32
      %broadcast_in_dim3A_27 = vector.broadcast %jit3A : f32 to vector<64x7168xf32>
      %select_n3A = arith.select %eq3A_26, %broadcast_in_dim3A_27, %scan3A_20 : vector<64x7168xi1>, vector<64x7168xf32>
      %jit3A_28 = arith.constant 128 : i32
      %div3A = vector.broadcast %jit3A_28 : i32 to vector<64x1xi32>
      %div3A_29 = arith.divsi %broadcast_in_dim3A_25, %div3A : vector<64x1xi32>
      %sign3A = arith.constant 0 : i32
      %sign3A_30 = vector.broadcast %sign3A : i32 to vector<64x1xi32>
      %sign3A_31 = arith.cmpi sgt, %broadcast_in_dim3A_25, %sign3A_30 : vector<64x1xi32>
      %sign3A_32 = arith.extui %sign3A_31 : vector<64x1xi1> to vector<64x1xi32>
      %sign3A_33 = arith.constant 0 : i32
      %sign3A_34 = vector.broadcast %sign3A_33 : i32 to vector<64x1xi32>
      %sign3A_35 = arith.cmpi slt, %broadcast_in_dim3A_25, %sign3A_34 : vector<64x1xi32>
      %sign3A_36 = arith.extui %sign3A_35 : vector<64x1xi1> to vector<64x1xi32>
      %sign3A_37 = arith.subi %sign3A_32, %sign3A_36 : vector<64x1xi32>
      %sign3A_38 = arith.constant 0 : i32
      %sign3A_39 = arith.cmpi sgt, %jit3A_28, %sign3A_38 : i32
      %sign3A_40 = arith.extui %sign3A_39 : i1 to i32
      %sign3A_41 = arith.constant 0 : i32
      %sign3A_42 = arith.cmpi slt, %jit3A_28, %sign3A_41 : i32
      %sign3A_43 = arith.extui %sign3A_42 : i1 to i32
      %sign3A_44 = arith.subi %sign3A_40, %sign3A_43 : i32
      %ne3A = vector.broadcast %sign3A_44 : i32 to vector<64x1xi32>
      %ne3A_45 = arith.cmpi ne, %sign3A_37, %ne3A : vector<64x1xi32>
      %rem3A = vector.broadcast %jit3A_28 : i32 to vector<64x1xi32>
      %rem3A_46 = arith.remsi %broadcast_in_dim3A_25, %rem3A : vector<64x1xi32>
      %ne3A_47 = arith.constant 0 : i32
      %ne3A_48 = vector.broadcast %ne3A_47 : i32 to vector<64x1xi32>
      %ne3A_49 = arith.cmpi ne, %rem3A_46, %ne3A_48 : vector<64x1xi32>
      %and3A = arith.andi %ne3A_45, %ne3A_49 : vector<64x1xi1>
      %sub3A = arith.constant 1 : i32
      %sub3A_50 = vector.broadcast %sub3A : i32 to vector<64x1xi32>
      %sub3A_51 = arith.subi %div3A_29, %sub3A_50 : vector<64x1xi32>
      %select_n3A_52 = arith.select %and3A, %sub3A_51, %div3A_29 : vector<64x1xi1>, vector<64x1xi32>
      %lt3A = arith.constant 0 : i32
      %lt3A_53 = vector.broadcast %lt3A : i32 to vector<64x1xi32>
      %lt3A_54 = arith.cmpi slt, %select_n3A_52, %lt3A_53 : vector<64x1xi32>
      %add3A = arith.constant 56 : i32
      %add3A_55 = vector.broadcast %add3A : i32 to vector<64x1xi32>
      %add3A_56 = arith.addi %select_n3A_52, %add3A_55 : vector<64x1xi32>
      %select_n3A_57 = arith.select %lt3A_54, %add3A_56, %select_n3A_52 : vector<64x1xi1>, vector<64x1xi32>
      %reshape3A = vector.shape_cast %select_n3A_57 : vector<64x1xi32> to vector<64x1x1xi32>
      %gather3A = vector.shape_cast %reshape3A : vector<64x1x1xi32> to vector<64x1xi32>
      %gather3A_58 = tpu.dynamic_gather %get3A_4[%gather3A] in [1] : vector<64x56xi32>, vector<64x1xi32> -> vector<64x1xi32>
      %eq3A_59 = vector.broadcast %scan3A_19 : i32 to vector<64x50xi32>
      %eq3A_60 = arith.cmpi eq, %iota3A_5, %eq3A_59 : vector<64x50xi32>
      %broadcast_in_dim3A_61 = vector.shape_cast %broadcast_in_dim3A_24 : vector<64x1xf32> to vector<64x1xf32>
      %broadcast_in_dim3A_62 = vector.broadcast %broadcast_in_dim3A_61 : vector<64x1xf32> to vector<64x50xf32>
      %select_n3A_63 = arith.select %eq3A_60, %broadcast_in_dim3A_62, %scan3A_21 : vector<64x50xi1>, vector<64x50xf32>
      %eq3A_64 = vector.broadcast %scan3A_19 : i32 to vector<64x50xi32>
      %eq3A_65 = arith.cmpi eq, %iota3A_5, %eq3A_64 : vector<64x50xi32>
      %mul3A = arith.constant 128 : i32
      %mul3A_66 = vector.broadcast %mul3A : i32 to vector<64x1xi32>
      %mul3A_67 = arith.muli %gather3A_58, %mul3A_66 : vector<64x1xi32>
      %jit3A_68 = arith.constant 128 : i32
      %eq3A_69 = arith.constant 0 : i32
      %eq3A_70 = arith.cmpi eq, %jit3A_68, %eq3A_69 : i32
      %jit3A_71 = arith.constant 1 : i32
      %select_n3A_72 = arith.select %eq3A_70, %jit3A_71, %jit3A_68 : i32
      %rem3A_73 = vector.broadcast %select_n3A_72 : i32 to vector<64x1xi32>
      %rem3A_74 = arith.remsi %broadcast_in_dim3A_25, %rem3A_73 : vector<64x1xi32>
      %ne3A_75 = arith.constant 0 : i32
      %ne3A_76 = vector.broadcast %ne3A_75 : i32 to vector<64x1xi32>
      %ne3A_77 = arith.cmpi ne, %rem3A_74, %ne3A_76 : vector<64x1xi32>
      %lt3A_78 = arith.constant 0 : i32
      %lt3A_79 = vector.broadcast %lt3A_78 : i32 to vector<64x1xi32>
      %lt3A_80 = arith.cmpi slt, %rem3A_74, %lt3A_79 : vector<64x1xi32>
      %lt3A_81 = arith.constant 0 : i32
      %lt3A_82 = arith.cmpi slt, %select_n3A_72, %lt3A_81 : i32
      %ne3A_83 = vector.broadcast %lt3A_82 : i1 to vector<64x1xi1>
      %ne3A_84 = vector.broadcast %ne3A_83 : vector<64x1xi1> to vector<64x1xi1>
      %ne3A_85 = arith.xori %lt3A_80, %ne3A_84 : vector<64x1xi1>
      %and3A_86 = arith.andi %ne3A_85, %ne3A_77 : vector<64x1xi1>
      %add3A_87 = vector.broadcast %select_n3A_72 : i32 to vector<64x1xi32>
      %add3A_88 = arith.addi %rem3A_74, %add3A_87 : vector<64x1xi32>
      %select_n3A_89 = arith.select %and3A_86, %add3A_88, %rem3A_74 : vector<64x1xi1>, vector<64x1xi32>
      %add3A_90 = arith.addi %mul3A_67, %select_n3A_89 : vector<64x1xi32>
      %broadcast_in_dim3A_91 = vector.shape_cast %add3A_90 : vector<64x1xi32> to vector<64x1xi32>
      %broadcast_in_dim3A_92 = vector.broadcast %broadcast_in_dim3A_91 : vector<64x1xi32> to vector<64x50xi32>
      %select_n3A_93 = arith.select %eq3A_65, %broadcast_in_dim3A_92, %scan3A_22 : vector<64x50xi1>, vector<64x50xi32>
      scf.yield %select_n3A, %select_n3A_63, %select_n3A_93 : vector<64x7168xf32>, vector<64x50xf32>, vector<64x50xi32>
    }
    %scan3A_13 = arith.constant 50 : i32
    %swap3A = arith.constant 0 : index
    %swap3A_14 = arith.constant 0 : index
    %swap3A_15 = vector.load %arg3[%swap3A, %swap3A_14] : memref<64x50xf32, #tpu.memory_space<vmem>>, vector<64x50xf32>
    tpu.vector_store %arg3[%swap3A, %swap3A_14], %scan3A_12#1 {strides = array<i32>} : memref<64x50xf32, #tpu.memory_space<vmem>>, vector<64x50xf32>,
    %swap3A_16 = arith.constant 0 : index
    %swap3A_17 = arith.constant 0 : index
    %swap3A_18 = vector.load %arg4[%swap3A_16, %swap3A_17] : memref<64x50xi32, #tpu.memory_space<vmem>>, vector<64x50xi32>
    tpu.vector_store %arg4[%swap3A_16, %swap3A_17], %scan3A_12#2 {strides = array<i32>} : memref<64x50xi32, #tpu.memory_space<vmem>>, vector<64x50xi32>,
    return
  }
  func.func @transform_0(%arg0: i32) -> (i32, i32) {
    %c0_i32 = arith.constant 0 : i32
    %c0_i32_0 = arith.constant 0 : i32
    return %arg0, %c0_i32 : i32, i32
  }
  func.func @transform_1(%arg0: i32) -> (i32, i32) {
    %c0_i32 = arith.constant 0 : i32
    %c0_i32_0 = arith.constant 0 : i32
    return %arg0, %c0_i32 : i32, i32
  }
  func.func @transform_2(%arg0: i32) -> (i32, i32) {
    %c0_i32 = arith.constant 0 : i32
    %c0_i32_0 = arith.constant 0 : i32
    return %arg0, %c0_i32 : i32, i32
  }
  func.func @transform_3(%arg0: i32) -> (i32, i32) {
    %c0_i32 = arith.constant 0 : i32
    %c0_i32_0 = arith.constant 0 : i32
    return %arg0, %c0_i32 : i32, i32
  }
}

</mosaic_0001>

<sc_bundles>
// kernel: kernel.10.cloned.1.call-start
scs
__scs_entry_jumppad:
0x0: {  	(pc) =	sbr.rel $0x88, $3  }
0x1: {  	(tag) =	ssettag $0x0;
	lr =	simm.s32 $0x1  }
0x2: {  	[smem:$0x3F9D] =	sst lr;
	_ =	strace $0xD0000000  }
0x3: {  	_ = 	snop  }
0x4: {  	_ = 	snop  }
0x5: {  	_ = 	snop  }
0x6: {  	_ = 	snop  }
0x7: {  	_ = 	snop  }
__scs_overlays_trampoline_lowered:
0x8: {  	[smem:$0x3FAC] =	sst s0  }
0x9: {  	[smem:$0x3FAD] =	sst s1  }
0xa: {  	[smem:$0x3FAE] =	sst s2  }
0xb: {  	[smem:$0x3FAF] =	sst s3  }
0xc: {  	[smem:$0x3FB0] =	sst s4  }
0xd: {  	[smem:$0x3FB1] =	sst s5  }
0xe: {  	[smem:$0x3FB2] =	sst s6  }
0xf: {  	[smem:$0x3FB3] =	sst s7  }
0x10: {  	[smem:$0x3FB4] =	sst s8  }
0x11: {  	[smem:$0x3FB5] =	sst s9;
	s0 =	simm.s32 @!p0 $0x0  }
0x12: {  	s1 =	sld [smem:$0x3F9B];
	s0 =	simm.s32 @p0 $0x1  }
0x13: {  	[smem:$0x3FB6] =	sst s0;
	s0 =	simm.s32 @!p1 $0x0  }
0x14: {  	s2 =	sld [smem:$0x3F9A];
	s0 =	simm.s32 @p1 $0x1  }
0x15: {  	[smem:$0x3FB7] =	sst s0;
	s0 =	simm.s32 @!p2 $0x0  }
0x16: {  	s3 =	sld [smem:$0x3FDB];
	s0 =	simm.s32 @p2 $0x1  }
0x17: {  	s4 =	simm.s32 $0x1BF5;
	[smem:$0x3FB9] =	sst s0  }
0x18: {  	s0 =	sld [smem:$0x3F9C];
	_ =	swait.ge [sflag:s4], $0x0  }
0x19: {  	s7 =	sld [smem:$0x3F9D]  }
0x1a: {  	s8 =	sadd.s32 $0xFFFFE003, lr  }
0x1b: {  	s9 =	sadd.s32 $0xFFFFFEF7, lr;
	s5 =	simm.s32 $0xFFFFFFFF;
	p2 =	slt.u32 s8, $0xFFFFF086  }
0x1c: {  	p1 =	slt.u32 s9, $0xF7A;
	s5 =	simm.s32 @!p2 $0x0  }
0x1d: {  	s5 =	simm.s32 @p1 $0x1;
	p0 =	seq.s32 s7, s2  }
0x1e: {  	s7 =	smul.u32 @!p0 $0xF7A, s2;
	p2 =	seq.s32 @!p0 s5, $0x0  }
0x1f: {  	s9 =	smul.u32 $0xF7A, s1;
	s8 =	simm.s32 @!p0 $0x1BF5;
	p2 =	por !p2, p0  }
0x20: {  	[sflag:s8] =	ssyncset.s32 @!p0 $0xFFFFF086;
	s6 =	sadd.s32 @!p0 s3, s7;
	s7 =	simm.s32 @!p0 $0x108  }
0x21: {  	s3 =	sadd.s32 s3, s9;
	s6 =	sadd.s32 @!p0 $0x88, s6;
	s7 =	simm.s32 @p2 $0x1082  }
0x22: {  	[simem:s7], [sflag:s8] =	dma.local @!p0 [hbm:s6], $0xF7A  }
0x23: {  	s9 =	sor.u32 $0xD0000000, s2;
	s6 =	simm.s32 $0x108;
	_ =	swait.ge @!p0 [sflag:s8], $0x0  }
0x24: {  	s3 =	sadd.s32 $0x88, s3;
	s6 =	simm.s32 @!p1 $0x1082;
	[sflag:s4] =	ssyncset.s32 $0xFFFFF086  }
0x25: {  	[simem:s6], [sflag:s4] =	dma.local [hbm:s3], $0xF7A  }
0x26: {  	[smem:$0x3F9D] =	sst s1;
	(tag) =	ssettag s2;
	_ =	strace s9  }
0x27: {  	s1 =	sld [smem:$0x3FAD]  }
0x28: {  	s2 =	sld [smem:$0x3FAE]  }
0x29: {  	s4 =	sld [smem:$0x3FB0]  }
0x2a: {  	p0 =	seq.s32 s5, $0x0;
	s5 =	sld [smem:$0x3FB1]  }
0x2b: {  	s6 =	sld [smem:$0x3FB2]  }
0x2c: {  	s7 =	sld [smem:$0x3FB3]  }
0x2d: {  	s3 =	simm.s32 $0x108;
	s8 =	sld [smem:$0x3FB4]  }
0x2e: {  	s3 =	simm.s32 @!p0 $0x1082;
	s9 =	sld [smem:$0x3FB5]  }
0x2f: {  	lr =	sadd.s32 s0, s3;
	s0 =	sld [smem:$0x3FAC]  }
0x30: {  	s3 =	sld [smem:$0x3FAF]  }
0x31: {  	[smem:$0x3FB8] =	sst s10  }
0x32: {  	s10 =	sld [smem:$0x3FB6];
	_ =	sdelay $0x3  }
0x33: {  	p0 =	seq.s32 s10, $0x1;
	s10 =	sld [smem:$0x3FB8];
	_ =	sdelay $0x3  }
0x34: {  	[smem:$0x3FB8] =	sst s10  }
0x35: {  	s10 =	sld [smem:$0x3FB7];
	_ =	sdelay $0x3  }
0x36: {  	p1 =	seq.s32 s10, $0x1;
	s10 =	sld [smem:$0x3FB8];
	_ =	sdelay $0x3  }
0x37: {  	[smem:$0x3FB8] =	sst s10  }
0x38: {  	s10 =	sld [smem:$0x3FB9]  }
0x39: {  	_ = 	snop;
	(pc) =	sbr.ind lr, $3  }
0x3a: {  	_ = 	snop  }
0x3b: {  	_ = 	snop  }
0x3c: {  	p2 =	seq.s32 s10, $0x1;
	s10 =	sld [smem:$0x3FB8]  }
0x3d: {  	_ =	shalt  }
0x3e: {  	_ =	shalt  }
0x3f: {  	_ =	shalt  }
0x40: {  	_ =	shalt  }
0x41: {  	_ =	shalt  }
0x42: {  	_ =	shalt  }
0x43: {  	_ =	shalt  }
0x44: {  	_ =	shalt  }
0x45: {  	_ =	shalt  }
0x46: {  	_ =	shalt  }
0x47: {  	_ =	shalt  }
0x48: {  	_ =	shalt  }
0x49: {  	_ =	shalt  }
0x4a: {  	_ =	shalt  }
0x4b: {  	_ =	shalt  }
0x4c: {  	_ =	shalt  }
0x4d: {  	_ =	shalt  }
0x4e: {  	_ =	shalt  }
0x4f: {  	_ =	shalt  }
0x50: {  	_ =	shalt  }
0x51: {  	_ =	shalt  }
0x52: {  	_ =	shalt  }
0x53: {  	_ =	shalt  }
0x54: {  	_ =	shalt  }
0x55: {  	_ =	shalt  }
0x56: {  	_ =	shalt  }
0x57: {  	_ =	shalt  }
0x58: {  	_ =	shalt  }
0x59: {  	_ =	shalt  }
0x5a: {  	_ =	shalt  }
0x5b: {  	_ =	shalt  }
0x5c: {  	_ =	shalt  }
0x5d: {  	_ =	shalt  }
0x5e: {  	_ =	shalt  }
0x5f: {  	_ =	shalt  }
0x60: {  	_ =	shalt  }
0x61: {  	_ =	shalt  }
0x62: {  	_ =	shalt  }
0x63: {  	_ =	shalt  }
0x64: {  	_ =	shalt  }
0x65: {  	_ =	shalt  }
0x66: {  	_ =	shalt  }
0x67: {  	_ =	shalt  }
0x68: {  	_ =	shalt  }
0x69: {  	_ =	shalt  }
0x6a: {  	_ =	shalt  }
0x6b: {  	_ =	shalt  }
0x6c: {  	_ =	shalt  }
0x6d: {  	_ =	shalt  }
0x6e: {  	_ =	shalt  }
0x6f: {  	_ =	shalt  }
0x70: {  	_ =	shalt  }
0x71: {  	_ =	shalt  }
0x72: {  	_ =	shalt  }
0x73: {  	_ =	shalt  }
0x74: {  	_ =	shalt  }
0x75: {  	_ =	shalt  }
0x76: {  	_ =	shalt  }
0x77: {  	_ =	shalt  }
0x78: {  	_ =	shalt  }
0x79: {  	_ =	shalt  }
0x7a: {  	_ =	shalt  }
0x7b: {  	_ =	shalt  }
0x7c: {  	_ =	shalt  }
0x7d: {  	_ =	shalt  }
0x7e: {  	_ =	shalt  }
0x7f: {  	_ =	shalt  }
0x80: {  	_ =	shalt  }
0x81: {  	_ =	shalt  }
0x82: {  	_ =	shalt  }
0x83: {  	_ =	shalt  }
0x84: {  	_ =	shalt  }
0x85: {  	_ =	shalt  }
0x86: {  	_ =	shalt  }
0x87: {  	_ =	shalt  }
.Lfunc_end0:
.L_simem_size_0:
called_computation.1_lowered:
.L_overlay_start_0:
0x88: {  	s2 =	sld [smem:$0x3FD9]  }
0x89: {  	s3 =	sld [smem:$0x3FFE];
	_ =	sdelay $0x1  }
0x8a: {  	s1 =	srdreg.scid  }
0x8b: {  	s0 =	sand.u32 $0x1, s1  }
0x8c: {  	s14 =	sshll.u32 s0, $0xA;
	s2 =	sadd.s32 s3, s2  }
0x8d: {  	s2 =	sadd.s32 s2, s14  }
0x8e: {  	[smem:$0x3FC4] =	sst s2  }
0x8f: {  	_ = 	snop  }
0x90: {  	s2 =	sld [smem:$0x3FD0];
	_ =	sdelay $0x2  }
0x91: {  	s15 =	simm.s32 $0xA;
	s4 =	simm.s32 $0x10  }
0x92: {  	[smem:s4], [sflag:s15] =	dma.local [hbm:s2], $0x1  }
0x93: {  	_ =	swait.eq [sflag:s15], $0x1  }
0x94: {  	[sflag:s15] =	ssyncset.done $0x0  }
0x95: {  	[sflag:s15] =	ssyncadd.s32 $0xFFFFFFFF  }
0x96: {  	s16 =	sld [smem:$0x11];
	(tm) =	ssettm $0x1  }
0x97: {  	s17 =	sld [smem:$0x3FFB];
	_ =	sdelay $0x3  }
0x98: {  	_ =	strace s17  }
0x99: {  	s3 =	sld [smem:$0x3FFC];
	_ =	sdelay $0x3  }
0x9a: {  	_ =	strace s3  }
0x9b: {  	s3 =	sld [smem:$0x3FFD];
	_ =	sdelay $0x3  }
0x9c: {  	_ =	strace s3  }
0x9d: {  	_ =	strace $0x8FFFFFFF  }
0x9e: {  	s18 =	sld [smem:$0x3FDB];
	_ =	sdelay $0x1  }
0x9f: {  	s19 =	simm.s32 $_scs_section_size  }
0xa0: {  	s5 =	simm.s32 $_size__tile_overlayer_lowered;
	s6 =	simm.s32 $_tile_overlayer_lowered  }
0xa1: {  	s22 =	simm.s32 $0x1BFF;
	s21 =	sshll.u32 s6, $0x1;
	s3 =	sadd.s32 s19, s18  }
0xa2: {  	s7 =	simm.s32 $0x0;
	s20 =	sshll.u32 s5, $0x1;
	s5 =	sadd.s32 s21, s3  }
0xa3: {  	[timem:s7], [sflag:s22] =	dma.local [hbm:s5], s20  }
0xa4: {  	_ =	swait.ge [sflag:s22], s20  }
0xa5: {  	s4 =	ssub.s32 $0x0, s20;
	[sflag:s22] =	ssyncset.done $0x0  }
0xa6: {  	[sflag:s22] =	ssyncadd.s32 s4;
	_ =	sdelay $0x1  }
0xa7: {  	s23 =	simm.s32 $0x1B8B  }
0xa8: {  	_ =	swait.ge [sflag:s23], $0x1  }
0xa9: {  	[sflag:s23] =	ssyncset.done $0x0  }
0xaa: {  	s25 =	simm.s32 $0x1B8E;
	s24 =	sld [smem:$0x3FFE];
	[sflag:s23] =	ssyncadd.s32 $0xFFFFFFFF  }
0xab: {  	s26 =	simm.s32 $execute0_lowered;
	[smem:$0x3FD2] =	sst s25  }
0xac: {  	s5 =	sshll.u32 s26, $0x1;
	_ =	strace $0x80000050;
	[dreg:$0x1] =	wrdreg $0xFFFFFFFF  }
0xad: {  	s28 =	simm.s32 $_size_execute0_lowered;
	s3 =	sadd.s32 s3, s5;
	[dreg:$0x0] =	wrdreg $0x0  }
0xae: {  	s5 =	sshll.u32 s28, $0x1;
	[dreg:$0x2] =	wrdreg s3  }
0xaf: {  	[dreg:$0x3] =	wrdreg s5  }
0xb0: {  	[dreg:$0x4] =	wrdreg $0xC0  }
0xb1: {  	_ =	task [dreg:s7], $0x5FFFF  }
0xb2: {  	[dreg:$0x1] =	wrdreg $0xFFFFFFFF  }
0xb3: {  	[dreg:$0x0] =	wrdreg $0x60  }
0xb4: {  	[dreg:$0x2] =	wrdreg s24  }
0xb5: {  	[dreg:$0x3] =	wrdreg s16  }
0xb6: {  	[dreg:$0x4] =	wrdreg $0x9  }
0xb7: {  	_ =	task.clear_ibuf [dreg:s7], $0x5FFFF;
	_ =	strace $0x90000050  }
0xb8: {  	s29 =	simm.s32 $0x9;
	_ =	strace $0x80000059  }
0xb9: {  	_ =	swait.ge [sflag:s29], $0x1  }
0xba: {  	[sflag:s29] =	ssyncadd.s32 $0xFFFFFFFF  }
0xbb: {  	_ =	strace $0x90000059  }
0xbc: {  	_ =	sfence  }
0xbd: {  	s30 =	sld [smem:$0x0];
	_ =	sdelay $0x2  }
0xbe: {  	s31 =	sshll.u32 s1, $0xD;
	s1 =	sshrl.u32 s1, $0x2  }
0xbf: {  	s3 =	sand.u32 $0x4000, s31;
	s1 =	sadd.s32 s1, s30  }
0xc0: {  	s0 =	sor.u32 s3, s0;
	s1 =	sshll.u32 s1, $0x11  }
0xc1: {  	s0 =	sor.u32 s1, s0  }
0xc2: {  	s0 =	sadd.s32 $0x8F2B, s0  }
0xc3: {  	[sflag:s0] =	ssyncadd.remote.s32 $0x1  }
0xc4: {  	_ =	sfence.sel $0xFFFF  }
0xc5: {  	[dreg:$0x0] =	wrdreg $0xFFFFFFFF;
	(pc) =	sbr.abs _section_cstart, $3  }
0xc6: {  	[dreg:$0x1] =	wrdreg $0xFFFFFFFF  }
0xc7: {  	_ =	task.clear_ibuf [dreg:s7], $0x2FFFF;
	_ =	strace $0x9FFFFFFF  }
0xc8: {  	(tm) =	ssettm $0x7FFFFFFF  }
0xc9: {  	_ =	shalt  }
tec
execute0_lowered:
.L_overlay_start_1:
0x0: {  	(tag) =	ssettag $0x1  }
0x1: {  	s4 =	rddreg [dreg:$0x0]  }
0x2: {  	s1 =	rddreg [dreg:$0x1]  }
0x3: {  	s0 =	rddreg [dreg:$0x2];
	s2 =	simm.s32 $0x0  }
0x4: {  	s3 =	srdreg.scid;
	s31 =	simm.s32 $0x80;
	s9 =	simm.s32 $0x4  }
0x5: {  	s10 =	simm.s32 $0x0;
	[smem:$0x7FF] =	sst s2;
	s5 =	sand.u32 $0x1, s3  }
0x6: {  	s6 =	sadd.s32 $0x1C00, s4;
	s3 =	stileid.u32;
	s4 =	sadd.s32 $0xC45C00, s4  }
0x7: {  	_ =	strace $0x80000051;
	s7 =	sshll.u32 s5, $0x4;
	s5 =	ssub.s32 $0x2, s5  }
0x8: {  	[dreg:$0x3] =	wrdreg s6;
	s29 =	sor.u32 s3, s7;
	s30 =	sshrl.u32 s5, $0x1  }
0x9: {  	[dreg:$0x5] =	wrdreg s4;
	s8 =	smul.u32 $0xE0, s29;
	s7 =	ssub.s32 s5, s30  }
0xa: {  	[dreg:$0x4] =	wrdreg s31;
	s4 =	smul.u32 $0xE, s29;
	s6 =	smax.u32 s7, $0x1  }
0xb: {  	s7 =	simm.s32 $0x1;
	s5 =	sadd.s32 s1, s8;
	s8 =	simm.s32 $0x5  }
.LBB2_1:
0xc: {  	_ =	strace $0x80000052;
	s11 =	simm.s32 $0x1;
	p0 =	por $0x0, $0x0  }
0xd: {  	[tilespmem:s2], [sflag:$0x1] =	stream.linear.gather [hbm4b:s5+s2], $0x80, $0x200038;
	[tilespmem:$0x8100] =	vst v63  }
0xe: {  	s11 =	simm.s32 @p0 $0x0  }
0xf: {  	p4 =	por $0x1, $0x1;
	s20 =	sand.u32 $0x1, s2;
	p1 =	sne.s32 s11, $0x0  }
0x10: {  	p2 =	por $0x1, $0x1;
	s18 =	simm.s32 $0xC;
	p0 =	por !p4, !p1  }
0x11: {  	s16 =	simm.s32 $0x0;
	p5 =	por $0x0, $0x0;
	p0 =	por !p0, !p0  }
0x12: {  	s23 =	sadd.s32 $0x0, s4;
	s30 =	sadd.s32 $0x1, s20;
	s12 =	sadd.s32 @p0 s4, s11  }
0x13: {  	_ =	strace $0x90000052;
	s13 =	sand.u32 @p0 $0x1, s7;
	s12 =	sshll.u32 @p0 s12, $0x4  }
0x14: {  	_ =	strace @p0 $0x80000053;
	s15 =	simm.s32 @p0 $0x0;
	s12 =	sand.u32 @p0 $0x1FFFFFF0, s12  }
0x15: {  	s14 =	sshll.u32 @p0 s13, $0x7;
	s13 =	sadd.s32 @p0 $0x1, s13;
	s12 =	sadd.s32 @p0 s1, s12  }
0x16: {  	[tilespmem:s14], [sflag:s13] =	stream.linear.gather @p0 [hbm4b:s12+s15], $0x80, $0x200038;
	[tilespmem:$0x8100] =	vst v63  }
0x17: {  	p3 =	por p2, p2;
	s21 =	sshll.u32 s20, $0xE;
	_ =	strace @p0 $0x90000053  }
0x18: {  	s16 =	sand.u32 $0x80, s16;
	p2 =	por p5, p5;
	_ =	strace $0x80000054  }
0x19: {  	s17 =	sadd.s32 $0x1, s11;
	s22 =	sor.u32 $0x100, s21;
	_ =	swait.ge [sflag:s30], $0x80  }
0x1a: {  	s21 =	simm.s32 $0x1;
	p6 =	por p1, p1;
	[sflag:s30] =	ssyncset.done $0x0  }
0x1b: {  	p1 =	por p3, p3;
	p4 =	por $0x1, $0x1;
	[sflag:s30] =	ssyncadd.s32 $0xFFFFFF80  }
0x1c: {  	s12 =	simm.s32 $0xD;
	s15 =	sand.u32 @!p3 $0x1, s2;
	_ =	strace $0x90000054  }
0x1d: {  	s13 =	simm.s32 $0x1;
	p3 =	seq.s32 s17, $0xE;
	_ =	strace $0x80000055  }
0x1e: {  	s13 =	simm.s32 @!p0 $0x0;
	s17 =	simm.s32 @p3 $0x0;
	s19 =	rddreg [dreg:$0x4]  }
0x1f: {  	p0 =	por $0x0, $0x0;
	s14 =	sadd.s32 $0x1, s13;
	s31 =	rddreg [dreg:$0x3]  }
0x20: {  	[tilespmem:s22], [sflag:$0x5] =	stream.indirect.gather [hbm4b:s31+s19], $0x80, s16, s19, $0x2000b8;
	[tilespmem:$0x8100] =	vst v63  }
0x21: {  	p3 =	sne.s32 s11, s17;
	s21 =	simm.s32 @!p0 $0x0;
	_ =	swait.ge [sflag:s8], $0x4000  }
0x22: {  	p5 =	por !p4, !p3;
	p4 =	por $0x0, $0x0;
	[sflag:s8] =	ssyncset.done $0x0  }
0x23: {  	s13 =	simm.s32 $0x0;
	p6 =	por p4, p6;
	[sflag:s8] =	ssyncadd.s32 $0xFFFFC000  }
0x24: {  	s16 =	simm.s32 $0x0;
	s19 =	simm.s32 $0x0;
	_ =	strace $0x90000055  }
.LBB2_2:
0x25: {  	_ =	strace @p6 $0x80000056;
	s13 =	sadd.s32 s21, s13;
	s21 =	smov.u32 s12  }
0x26: {  	s12 =	smov.u32 s18;
	s18 =	sadd.s32 $0xFFFFFFFF, s18;
	p0 =	por p3, p3  }
0x27: {  	s28 =	sshll.u32 @p6 s23, $0xB;
	s20 =	sadd.s32 @p6 $0x3, s20;
	s24 =	simm.s32 @!p0 $0x0  }
0x28: {  	s25 =	rddreg [dreg:$0x5];
	s28 =	sand.u32 @p6 $0x1FFFF800, s28;
	s24 =	simm.s32 @p0 $0x1  }
0x29: {  	s25 =	sadd.s32 @p6 s25, s28;
	s28 =	simm.s32 @p6 $0x0;
	p0 =	sne.s32 s18, $0x0  }
0x2a: {  	[hbm4b:s25+s28] =	stream.linear.scatter @p6 [tilespmem:s22], [sflag:s20], $0x4000, $0x200038;
	[tilespmem:$0x8100] =	vst v63  }
0x2b: {  	s20 =	sadd.s32 @!p1 $0x3, s15;
	s15 =	simm.s32 @!p0 $0x0  }
0x2c: {  	s26 =	simm.s32 $0x1;
	[smem:$0x7FC] =	sst s24;
	s15 =	simm.s32 @p0 $0x1  }
0x2d: {  	s26 =	simm.s32 @!p6 $0x0;
	_ =	strace @p6 $0x90000056;
	[smem:$0x7FD] =	sst s15  }
0x2e: {  	p5 =	por !p5, !p5;
	s19 =	sadd.s32 s26, s19;
	_ =	strace @!p1 $0x80000057  }
0x2f: {  	s24 =	sand.u32 @!p2 $0x1, s13;
	s22 =	sand.u32 @p5 $0x1, s14;
	_ =	swait.ge @!p1 [sflag:s20], $0x4000  }
0x30: {  	s15 =	smov.u32 s24;
	s24 =	sadd.s32 @p5 s4, s17;
	[sflag:s20] =	ssyncset.done @!p1 $0x0  }
0x31: {  	s25 =	sshll.u32 @p5 s22, $0x7;
	s24 =	sshll.u32 @p5 s24, $0x4;
	[sflag:s20] =	ssyncadd.s32 @!p1 $0xFFFFC000  }
0x32: {  	s20 =	sadd.s32 @p5 $0x1, s22;
	s22 =	sand.u32 @p5 $0x1FFFFFF0, s24;
	_ =	strace @!p1 $0x90000057  }
0x33: {  	s24 =	simm.s32 @p5 $0x0;
	s22 =	sadd.s32 @p5 s1, s22;
	_ =	strace @p5 $0x80000053  }
0x34: {  	[tilespmem:s25], [sflag:s20] =	stream.linear.gather @p5 [hbm4b:s22+s24], $0x80, $0x200038;
	[tilespmem:$0x8100] =	vst v63  }
0x35: {  	s16 =	sadd.s32 s26, s16;
	s26 =	sand.u32 $0x1, s19;
	_ =	strace @p5 $0x90000053  }
0x36: {  	s24 =	sadd.s32 $0x1, s26;
	_ =	strace $0x80000054  }
0x37: {  	_ =	swait.ge [sflag:s24], $0x80  }
0x38: {  	[sflag:s24] =	ssyncset.done $0x0  }
0x39: {  	s20 =	simm.s32 $0x1;
	[sflag:s24] =	ssyncadd.s32 $0xFFFFFF80  }
0x3a: {  	s20 =	simm.s32 @!p5 $0x0;
	_ =	strace $0x90000054  }
0x3b: {  	s14 =	sadd.s32 s20, s14;
	s20 =	sand.u32 $0x1, s16;
	_ =	strace $0x80000055  }
0x3c: {  	s29 =	sshll.u32 s19, $0x7;
	s25 =	sshll.u32 s20, $0xE;
	s26 =	rddreg [dreg:$0x4]  }
0x3d: {  	s29 =	sand.u32 $0x80, s29;
	s22 =	sor.u32 $0x100, s25;
	s30 =	rddreg [dreg:$0x3]  }
0x3e: {  	[tilespmem:s22], [sflag:$0x5] =	stream.indirect.gather [hbm4b:s30+s26], $0x80, s29, s26, $0x2000b8;
	[tilespmem:$0x8100] =	vst v63  }
0x3f: {  	_ =	swait.ge [sflag:s8], $0x4000  }
0x40: {  	s31 =	sadd.s32 $0x1, s17;
	[sflag:s8] =	ssyncset.done $0x0  }
0x41: {  	s23 =	sadd.s32 s4, s11;
	s11 =	smov.u32 s17;
	[sflag:s8] =	ssyncadd.s32 $0xFFFFC000  }
0x42: {  	p3 =	seq.s32 s31, $0xE;
	s17 =	smov.u32 s31;
	_ =	strace $0x90000055  }
0x43: {  	s17 =	simm.s32 @p3 $0x0;
	s31 =	sld [smem:$0x7FD]  }
0x44: {  	p6 =	sne.s32 s12, $0x1;
	p0 =	sne.s32 s21, $0xE;
	p3 =	sne.s32 s11, s17  }
0x45: {  	p5 =	por !p6, !p3;
	p6 =	seq.s32 s21, $0x1;
	s21 =	simm.s32 $0x1  }
0x46: {  	s21 =	simm.s32 @!p0 $0x0;
	p0 =	seq.s32 s31, $0x1  }
.Ltmp0:
0x47: {  	s30 =	sld [smem:$0x7FC];
	(pc) =	sbr.rel @p0 .LBB2_2-.Ltmp0, $4  }
0x48: {  	_ = 	snop  }
0x49: {  	p4 =	seq.s32 s12, $0xE  }
0x4a: {  	p1 =	por p2, p2;
	p2 =	por p4, p4;
	p4 =	seq.s32 s30, $0x1  }
0x4b: {  	p6 =	por p6, p4  }
0x4c: {  	_ =	strace @p6 $0x80000056;
	s23 =	sshll.u32 @p6 s23, $0xB  }
0x4d: {  	s18 =	rddreg [dreg:$0x5];
	s23 =	sand.u32 @p6 $0x1FFFF800, s23  }
0x4e: {  	s20 =	sadd.s32 @p6 $0x3, s20;
	s18 =	sadd.s32 @p6 s18, s23;
	s23 =	simm.s32 @p6 $0x0  }
0x4f: {  	[hbm4b:s18+s23] =	stream.linear.scatter @p6 [tilespmem:s22], [sflag:s20], $0x4000, $0x200038;
	[tilespmem:$0x8100] =	vst v63  }
0x50: {  	p0 =	por !p5, !p5;
	_ =	strace @p6 $0x90000056  }
0x51: {  	s15 =	sadd.s32 @!p1 $0x3, s15;
	s17 =	sadd.s32 @p0 s4, s17;
	_ =	strace @!p1 $0x80000057  }
0x52: {  	s14 =	sand.u32 @p0 $0x1, s14;
	s17 =	sshll.u32 @p0 s17, $0x4;
	_ =	swait.ge @!p1 [sflag:s15], $0x4000  }
0x53: {  	s18 =	simm.s32 $0x1;
	s20 =	sshll.u32 @p0 s14, $0x7;
	[sflag:s15] =	ssyncset.done @!p1 $0x0  }
0x54: {  	s14 =	sadd.s32 @p0 $0x1, s14;
	s18 =	simm.s32 @!p6 $0x0;
	[sflag:s15] =	ssyncadd.s32 @!p1 $0xFFFFC000  }
0x55: {  	s19 =	sadd.s32 s18, s19;
	s15 =	sand.u32 @p0 $0x1FFFFFF0, s17;
	_ =	strace @!p1 $0x90000057  }
0x56: {  	s17 =	simm.s32 @p0 $0x0;
	s15 =	sadd.s32 @p0 s1, s15;
	_ =	strace @p0 $0x80000053  }
0x57: {  	[tilespmem:s20], [sflag:s14] =	stream.linear.gather @p0 [hbm4b:s15+s17], $0x80, $0x200038;
	[tilespmem:$0x8100] =	vst v63  }
0x58: {  	s25 =	sand.u32 $0x1, s19;
	_ =	strace @p0 $0x90000053  }
0x59: {  	s14 =	sadd.s32 $0x1, s25;
	_ =	strace $0x80000054  }
0x5a: {  	_ =	swait.ge [sflag:s14], $0x80  }
0x5b: {  	[sflag:s14] =	ssyncset.done $0x0  }
0x5c: {  	[sflag:s14] =	ssyncadd.s32 $0xFFFFFF80  }
0x5d: {  	s26 =	sadd.s32 s18, s16;
	_ =	strace $0x90000054  }
0x5e: {  	s14 =	sand.u32 $0x1, s26;
	_ =	strace $0x80000055  }
0x5f: {  	s30 =	sshll.u32 s19, $0x7;
	s31 =	sshll.u32 s14, $0xE;
	s28 =	rddreg [dreg:$0x4]  }
0x60: {  	s17 =	sand.u32 $0x80, s30;
	s18 =	sor.u32 $0x100, s31;
	s29 =	rddreg [dreg:$0x3]  }
0x61: {  	[tilespmem:s18], [sflag:$0x5] =	stream.indirect.gather [hbm4b:s29+s28], $0x80, s17, s28, $0x2000b8;
	[tilespmem:$0x8100] =	vst v63  }
0x62: {  	_ =	swait.ge [sflag:s8], $0x4000  }
0x63: {  	[sflag:s8] =	ssyncset.done $0x0  }
0x64: {  	p5 =	por p3, p3;
	p6 =	seq.s32 s12, $0x1;
	[sflag:s8] =	ssyncadd.s32 $0xFFFFC000  }
0x65: {  	s11 =	sadd.s32 s4, s11;
	p0 =	por p6, p5;
	_ =	strace $0x90000055  }
0x66: {  	s11 =	sshll.u32 @p0 s11, $0xB;
	_ =	strace @p0 $0x80000056  }
0x67: {  	s13 =	sadd.s32 s21, s13;
	s11 =	sand.u32 @p0 $0x1FFFF800, s11;
	s12 =	rddreg [dreg:$0x5]  }
0x68: {  	s14 =	sadd.s32 @p0 $0x3, s14;
	s11 =	sadd.s32 @p0 s12, s11;
	s12 =	simm.s32 @p0 $0x0  }
0x69: {  	[hbm4b:s11+s12] =	stream.linear.scatter @p0 [tilespmem:s18], [sflag:s14], $0x4000, $0x200038;
	[tilespmem:$0x8100] =	vst v63  }
0x6a: {  	p1 =	por p2, p2;
	s11 =	sand.u32 @!p2 $0x1, s13;
	_ =	strace @p0 $0x90000056  }
0x6b: {  	s11 =	sadd.s32 @!p1 $0x3, s11;
	_ =	strace @!p1 $0x80000057  }
0x6c: {  	_ =	swait.ge @!p1 [sflag:s11], $0x4000  }
0x6d: {  	[sflag:s11] =	ssyncset.done @!p1 $0x0  }
0x6e: {  	s10 =	sadd.s32 $0x1, s10;
	[sflag:s11] =	ssyncadd.s32 @!p1 $0xFFFFC000  }
0x6f: {  	p0 =	sne.s32 s10, s6;
	_ =	strace @!p1 $0x90000057  }
.Ltmp1:
0x70: {  	_ =	strace $0x80000058;
	(pc) =	sbr.rel @p0 .LBB2_1-.Ltmp1, $4  }
0x71: {  	_ =	swait.ge [sflag:s9], $0x4000  }
0x72: {  	[sflag:s9] =	ssyncset.done $0x0  }
0x73: {  	[sflag:s9] =	ssyncadd.s32 $0xFFFFC000  }
0x74: {  	_ =	strace $0x90000058  }
0x75: {  	_ =	sfence.sel $0x180000  }
0x76: {  	[bflag:$0x0] =	sbarrier.arrive $0xFFFF  }
0x77: {  	p0 =	sne.s32 s3, $0x0;
	_ =	strace $0x90000051  }
0x78: {  	s0 =	sadd.s32 @!p0 $0x100000, s0;
	[bflag:$0x2] =	sbarrier.arrive $0xFFFF  }
0x79: {  	[sflag:s0] =	ssyncadd.tile.s32 @!p0 $0x1;
	_ =	shalt  }
.Lfunc_end2:
_tile_overlayer_lowered:
.L_overlay_start_2:
0x7a: {  	(tag) =	ssettag $0x2  }
0x7b: {  	s0 =	rddreg [dreg:$0x0];
	s2 =	stileid.u32  }
0x7c: {  	s1 =	rddreg [dreg:$0x1];
	p0 =	sne.s32 s2, $0x0  }
0x7d: {  	s3 =	rddreg [dreg:$0x2];
	[bflag:$0x3] =	sbarrier.arrive $0xFFFF;
	s2 =	simm.s32 @!p0 $0x1C01  }
0x7e: {  	[timem:s3], [sflag:s2] =	dma.local @!p0 [hbm:s0], s1  }
0x7f: {  	s0 =	simm.s32 @!p0 $0x1  }
0x80: {  	_ =	swait.ge @!p0 [sflag:s0], s1  }
0x81: {  	s1 =	ssub.s32 @!p0 $0x0, s1;
	[sflag:s0] =	ssyncset.done @!p0 $0x0  }
0x82: {  	[sflag:s0] =	ssyncadd.s32 @!p0 s1  }
0x83: {  	[bflag:$0x3] =	sbarrier.arrive $0xFFFF  }
0x84: {  	_ =	shalt  }

// kernel: kernel.7.cloned.1.call-start
scs
__scs_entry_jumppad:
0x0: {  	(pc) =	sbr.rel $0x88, $3  }
0x1: {  	(tag) =	ssettag $0x0;
	lr =	simm.s32 $0x1  }
0x2: {  	[smem:$0x3F9D] =	sst lr;
	_ =	strace $0xD0000000  }
0x3: {  	_ = 	snop  }
0x4: {  	_ = 	snop  }
0x5: {  	_ = 	snop  }
0x6: {  	_ = 	snop  }
0x7: {  	_ = 	snop  }
__scs_overlays_trampoline_lowered:
0x8: {  	[smem:$0x3FAC] =	sst s0  }
0x9: {  	[smem:$0x3FAD] =	sst s1  }
0xa: {  	[smem:$0x3FAE] =	sst s2  }
0xb: {  	[smem:$0x3FAF] =	sst s3  }
0xc: {  	[smem:$0x3FB0] =	sst s4  }
0xd: {  	[smem:$0x3FB1] =	sst s5  }
0xe: {  	[smem:$0x3FB2] =	sst s6  }
0xf: {  	[smem:$0x3FB3] =	sst s7  }
0x10: {  	[smem:$0x3FB4] =	sst s8  }
0x11: {  	[smem:$0x3FB5] =	sst s9;
	s0 =	simm.s32 @!p0 $0x0  }
0x12: {  	s1 =	sld [smem:$0x3F9B];
	s0 =	simm.s32 @p0 $0x1  }
0x13: {  	[smem:$0x3FB6] =	sst s0;
	s0 =	simm.s32 @!p1 $0x0  }
0x14: {  	s2 =	sld [smem:$0x3F9A];
	s0 =	simm.s32 @p1 $0x1  }
0x15: {  	[smem:$0x3FB7] =	sst s0;
	s0 =	simm.s32 @!p2 $0x0  }
0x16: {  	s3 =	sld [smem:$0x3FDB];
	s0 =	simm.s32 @p2 $0x1  }
0x17: {  	s4 =	simm.s32 $0x1BF5;
	[smem:$0x3FB9] =	sst s0  }
0x18: {  	s0 =	sld [smem:$0x3F9C];
	_ =	swait.ge [sflag:s4], $0x0  }
0x19: {  	s7 =	sld [smem:$0x3F9D]  }
0x1a: {  	s8 =	sadd.s32 $0xFFFFE003, lr  }
0x1b: {  	s9 =	sadd.s32 $0xFFFFFEF7, lr;
	s5 =	simm.s32 $0xFFFFFFFF;
	p2 =	slt.u32 s8, $0xFFFFF086  }
0x1c: {  	p1 =	slt.u32 s9, $0xF7A;
	s5 =	simm.s32 @!p2 $0x0  }
0x1d: {  	s5 =	simm.s32 @p1 $0x1;
	p0 =	seq.s32 s7, s2  }
0x1e: {  	s7 =	smul.u32 @!p0 $0xF7A, s2;
	p2 =	seq.s32 @!p0 s5, $0x0  }
0x1f: {  	s9 =	smul.u32 $0xF7A, s1;
	s8 =	simm.s32 @!p0 $0x1BF5;
	p2 =	por !p2, p0  }
0x20: {  	[sflag:s8] =	ssyncset.s32 @!p0 $0xFFFFF086;
	s6 =	sadd.s32 @!p0 s3, s7;
	s7 =	simm.s32 @!p0 $0x108  }
0x21: {  	s3 =	sadd.s32 s3, s9;
	s6 =	sadd.s32 @!p0 $0x88, s6;
	s7 =	simm.s32 @p2 $0x1082  }
0x22: {  	[simem:s7], [sflag:s8] =	dma.local @!p0 [hbm:s6], $0xF7A  }
0x23: {  	s9 =	sor.u32 $0xD0000000, s2;
	s6 =	simm.s32 $0x108;
	_ =	swait.ge @!p0 [sflag:s8], $0x0  }
0x24: {  	s3 =	sadd.s32 $0x88, s3;
	s6 =	simm.s32 @!p1 $0x1082;
	[sflag:s4] =	ssyncset.s32 $0xFFFFF086  }
0x25: {  	[simem:s6], [sflag:s4] =	dma.local [hbm:s3], $0xF7A  }
0x26: {  	[smem:$0x3F9D] =	sst s1;
	(tag) =	ssettag s2;
	_ =	strace s9  }
0x27: {  	s1 =	sld [smem:$0x3FAD]  }
0x28: {  	s2 =	sld [smem:$0x3FAE]  }
0x29: {  	s4 =	sld [smem:$0x3FB0]  }
0x2a: {  	p0 =	seq.s32 s5, $0x0;
	s5 =	sld [smem:$0x3FB1]  }
0x2b: {  	s6 =	sld [smem:$0x3FB2]  }
0x2c: {  	s7 =	sld [smem:$0x3FB3]  }
0x2d: {  	s3 =	simm.s32 $0x108;
	s8 =	sld [smem:$0x3FB4]  }
0x2e: {  	s3 =	simm.s32 @!p0 $0x1082;
	s9 =	sld [smem:$0x3FB5]  }
0x2f: {  	lr =	sadd.s32 s0, s3;
	s0 =	sld [smem:$0x3FAC]  }
0x30: {  	s3 =	sld [smem:$0x3FAF]  }
0x31: {  	[smem:$0x3FB8] =	sst s10  }
0x32: {  	s10 =	sld [smem:$0x3FB6];
	_ =	sdelay $0x3  }
0x33: {  	p0 =	seq.s32 s10, $0x1;
	s10 =	sld [smem:$0x3FB8];
	_ =	sdelay $0x3  }
0x34: {  	[smem:$0x3FB8] =	sst s10  }
0x35: {  	s10 =	sld [smem:$0x3FB7];
	_ =	sdelay $0x3  }
0x36: {  	p1 =	seq.s32 s10, $0x1;
	s10 =	sld [smem:$0x3FB8];
	_ =	sdelay $0x3  }
0x37: {  	[smem:$0x3FB8] =	sst s10  }
0x38: {  	s10 =	sld [smem:$0x3FB9]  }
0x39: {  	_ = 	snop;
	(pc) =	sbr.ind lr, $3  }
0x3a: {  	_ = 	snop  }
0x3b: {  	_ = 	snop  }
0x3c: {  	p2 =	seq.s32 s10, $0x1;
	s10 =	sld [smem:$0x3FB8]  }
0x3d: {  	_ =	shalt  }
0x3e: {  	_ =	shalt  }
0x3f: {  	_ =	shalt  }
0x40: {  	_ =	shalt  }
0x41: {  	_ =	shalt  }
0x42: {  	_ =	shalt  }
0x43: {  	_ =	shalt  }
0x44: {  	_ =	shalt  }
0x45: {  	_ =	shalt  }
0x46: {  	_ =	shalt  }
0x47: {  	_ =	shalt  }
0x48: {  	_ =	shalt  }
0x49: {  	_ =	shalt  }
0x4a: {  	_ =	shalt  }
0x4b: {  	_ =	shalt  }
0x4c: {  	_ =	shalt  }
0x4d: {  	_ =	shalt  }
0x4e: {  	_ =	shalt  }
0x4f: {  	_ =	shalt  }
0x50: {  	_ =	shalt  }
0x51: {  	_ =	shalt  }
0x52: {  	_ =	shalt  }
0x53: {  	_ =	shalt  }
0x54: {  	_ =	shalt  }
0x55: {  	_ =	shalt  }
0x56: {  	_ =	shalt  }
0x57: {  	_ =	shalt  }
0x58: {  	_ =	shalt  }
0x59: {  	_ =	shalt  }
0x5a: {  	_ =	shalt  }
0x5b: {  	_ =	shalt  }
0x5c: {  	_ =	shalt  }
0x5d: {  	_ =	shalt  }
0x5e: {  	_ =	shalt  }
0x5f: {  	_ =	shalt  }
0x60: {  	_ =	shalt  }
0x61: {  	_ =	shalt  }
0x62: {  	_ =	shalt  }
0x63: {  	_ =	shalt  }
0x64: {  	_ =	shalt  }
0x65: {  	_ =	shalt  }
0x66: {  	_ =	shalt  }
0x67: {  	_ =	shalt  }
0x68: {  	_ =	shalt  }
0x69: {  	_ =	shalt  }
0x6a: {  	_ =	shalt  }
0x6b: {  	_ =	shalt  }
0x6c: {  	_ =	shalt  }
0x6d: {  	_ =	shalt  }
0x6e: {  	_ =	shalt  }
0x6f: {  	_ =	shalt  }
0x70: {  	_ =	shalt  }
0x71: {  	_ =	shalt  }
0x72: {  	_ =	shalt  }
0x73: {  	_ =	shalt  }
0x74: {  	_ =	shalt  }
0x75: {  	_ =	shalt  }
0x76: {  	_ =	shalt  }
0x77: {  	_ =	shalt  }
0x78: {  	_ =	shalt  }
0x79: {  	_ =	shalt  }
0x7a: {  	_ =	shalt  }
0x7b: {  	_ =	shalt  }
0x7c: {  	_ =	shalt  }
0x7d: {  	_ =	shalt  }
0x7e: {  	_ =	shalt  }
0x7f: {  	_ =	shalt  }
0x80: {  	_ =	shalt  }
0x81: {  	_ =	shalt  }
0x82: {  	_ =	shalt  }
0x83: {  	_ =	shalt  }
0x84: {  	_ =	shalt  }
0x85: {  	_ =	shalt  }
0x86: {  	_ =	shalt  }
0x87: {  	_ =	shalt  }
.Lfunc_end0:
.L_simem_size_0:
called_computation_lowered:
.L_overlay_start_0:
0x88: {  	s2 =	sld [smem:$0x3FD9]  }
0x89: {  	s3 =	sld [smem:$0x3FFE];
	_ =	sdelay $0x1  }
0x8a: {  	s1 =	srdreg.scid  }
0x8b: {  	s0 =	sand.u32 $0x1, s1  }
0x8c: {  	s14 =	sshll.u32 s0, $0xA;
	s2 =	sadd.s32 s3, s2  }
0x8d: {  	s2 =	sadd.s32 s2, s14  }
0x8e: {  	[smem:$0x3FC4] =	sst s2  }
0x8f: {  	_ = 	snop  }
0x90: {  	s2 =	sld [smem:$0x3FD0];
	_ =	sdelay $0x2  }
0x91: {  	s15 =	simm.s32 $0xA;
	s4 =	simm.s32 $0x10  }
0x92: {  	[smem:s4], [sflag:s15] =	dma.local [hbm:s2], $0x1  }
0x93: {  	_ =	swait.eq [sflag:s15], $0x1  }
0x94: {  	[sflag:s15] =	ssyncset.done $0x0  }
0x95: {  	s16 =	sld [smem:$0x10];
	[sflag:s15] =	ssyncadd.s32 $0xFFFFFFFF  }
0x96: {  	s17 =	sld [smem:$0x11];
	(tm) =	ssettm $0x1  }
0x97: {  	s18 =	sld [smem:$0x3FFB];
	_ =	sdelay $0x3  }
0x98: {  	_ =	strace s18  }
0x99: {  	s4 =	sld [smem:$0x3FFC];
	_ =	sdelay $0x3  }
0x9a: {  	_ =	strace s4  }
0x9b: {  	s4 =	sld [smem:$0x3FFD];
	_ =	sdelay $0x3  }
0x9c: {  	_ =	strace s4  }
0x9d: {  	_ =	strace $0x8FFFFFFF  }
0x9e: {  	s19 =	sld [smem:$0x3FDB];
	_ =	sdelay $0x1  }
0x9f: {  	s5 =	simm.s32 $_scs_section_size  }
0xa0: {  	s6 =	simm.s32 $_size__tile_overlayer_lowered;
	s7 =	simm.s32 $_tile_overlayer_lowered  }
0xa1: {  	s22 =	simm.s32 $0x1BFF;
	s21 =	sshll.u32 s7, $0x1;
	s4 =	sadd.s32 s5, s19  }
0xa2: {  	s8 =	simm.s32 $0x0;
	s20 =	sshll.u32 s6, $0x1;
	s6 =	sadd.s32 s21, s4  }
0xa3: {  	[timem:s8], [sflag:s22] =	dma.local [hbm:s6], s20  }
0xa4: {  	_ =	swait.ge [sflag:s22], s20  }
0xa5: {  	s5 =	ssub.s32 $0x0, s20;
	[sflag:s22] =	ssyncset.done $0x0  }
0xa6: {  	[sflag:s22] =	ssyncadd.s32 s5;
	_ =	sdelay $0x1  }
0xa7: {  	s23 =	simm.s32 $0x1B8B  }
0xa8: {  	_ =	swait.ge [sflag:s23], $0x1  }
0xa9: {  	[sflag:s23] =	ssyncset.done $0x0  }
0xaa: {  	s25 =	simm.s32 $0x1B8E;
	s24 =	sld [smem:$0x3FFE];
	[sflag:s23] =	ssyncadd.s32 $0xFFFFFFFF  }
0xab: {  	s26 =	simm.s32 $execute0_lowered;
	[smem:$0x3FD2] =	sst s25  }
0xac: {  	s6 =	sshll.u32 s26, $0x1;
	_ =	strace $0x80000046;
	[dreg:$0x1] =	wrdreg $0xFFFFFFFF  }
0xad: {  	s28 =	simm.s32 $_size_execute0_lowered;
	s4 =	sadd.s32 s4, s6;
	[dreg:$0x0] =	wrdreg $0x0  }
0xae: {  	s6 =	sshll.u32 s28, $0x1;
	[dreg:$0x2] =	wrdreg s4  }
0xaf: {  	[dreg:$0x3] =	wrdreg s6  }
0xb0: {  	[dreg:$0x4] =	wrdreg $0xC0  }
0xb1: {  	_ =	task [dreg:s8], $0x5FFFF  }
0xb2: {  	[dreg:$0x1] =	wrdreg $0xFFFFFFFF  }
0xb3: {  	[dreg:$0x0] =	wrdreg $0x60  }
0xb4: {  	[dreg:$0x2] =	wrdreg s24  }
0xb5: {  	[dreg:$0x3] =	wrdreg s17  }
0xb6: {  	[dreg:$0x4] =	wrdreg s16  }
0xb7: {  	[dreg:$0x5] =	wrdreg $0x9  }
0xb8: {  	_ =	task.clear_ibuf [dreg:s8], $0x6FFFF;
	_ =	strace $0x90000046  }
0xb9: {  	s29 =	simm.s32 $0x9;
	_ =	strace $0x8000004F  }
0xba: {  	_ =	swait.ge [sflag:s29], $0x1  }
0xbb: {  	[sflag:s29] =	ssyncadd.s32 $0xFFFFFFFF  }
0xbc: {  	_ =	strace $0x9000004F  }
0xbd: {  	_ =	sfence  }
0xbe: {  	s30 =	sld [smem:$0x0];
	_ =	sdelay $0x2  }
0xbf: {  	s31 =	sshll.u32 s1, $0xD;
	s1 =	sshrl.u32 s1, $0x2  }
0xc0: {  	s3 =	sand.u32 $0x4000, s31;
	s1 =	sadd.s32 s1, s30  }
0xc1: {  	s0 =	sor.u32 s3, s0;
	s1 =	sshll.u32 s1, $0x11  }
0xc2: {  	s0 =	sor.u32 s1, s0  }
0xc3: {  	s0 =	sadd.s32 $0x8F2B, s0  }
0xc4: {  	[sflag:s0] =	ssyncadd.remote.s32 $0x1  }
0xc5: {  	_ =	sfence.sel $0xFFFF  }
0xc6: {  	[dreg:$0x0] =	wrdreg $0xFFFFFFFF;
	(pc) =	sbr.abs _section_cstart, $3  }
0xc7: {  	[dreg:$0x1] =	wrdreg $0xFFFFFFFF  }
0xc8: {  	_ =	task.clear_ibuf [dreg:s8], $0x2FFFF;
	_ =	strace $0x9FFFFFFF  }
0xc9: {  	(tm) =	ssettm $0x7FFFFFFF  }
tec
execute0_lowered:
.L_overlay_start_1:
0x0: {  	(tag) =	ssettag $0x1  }
0x1: {  	s14 =	rddreg [dreg:$0x0]  }
0x2: {  	s3 =	rddreg [dreg:$0x1];
	s2 =	srdreg.scid  }
0x3: {  	s4 =	rddreg [dreg:$0x2];
	s1 =	stileid.u32;
	s17 =	sand.u32 $0x1, s2  }
0x4: {  	s2 =	simm.s32 $0x0;
	s6 =	sshll.u32 s1, $0x7;
	s5 =	sshll.u32 s17, $0xB  }
0x5: {  	[smem:$0x7FF] =	sst s2;
	s15 =	sor.u32 s6, s5  }
0x6: {  	s0 =	rddreg [dreg:$0x3];
	_ =	strace $0x80000047;
	s5 =	sshrl.u32 s15, $0x3  }
0x7: {  	_ =	strace $0x80000048;
	s3 =	sadd.s32 s3, s5  }
0x8: {  	[tilespmem:s2], [sflag:$0x1] =	stream.linear.gather [hbm4b:s3+s2], $0x80, $0x200038;
	[tilespmem:$0x10200] =	vst v63  }
0x9: {  	s4 =	sadd.s32 s4, s5;
	s5 =	simm.s32 $0x100  }
0xa: {  	[tilespmem:s5], [sflag:$0x3] =	stream.linear.gather [hbm4b:s4+s2], $0x80, $0x200038;
	[tilespmem:$0x10200] =	vst v63  }
0xb: {  	_ =	strace $0x90000048  }
0xc: {  	s6 =	simm.s32 $0x1;
	_ =	strace $0x80000049  }
0xd: {  	_ =	swait.ge [sflag:s6], $0x80  }
0xe: {  	[sflag:s6] =	ssyncset.done $0x0  }
0xf: {  	[sflag:s6] =	ssyncadd.s32 $0xFFFFFF80  }
0x10: {  	_ =	strace $0x90000049  }
0x11: {  	s7 =	simm.s32 $0x3;
	_ =	strace $0x8000004A  }
0x12: {  	_ =	swait.ge [sflag:s7], $0x80  }
0x13: {  	[sflag:s7] =	ssyncset.done $0x0  }
0x14: {  	[sflag:s7] =	ssyncadd.s32 $0xFFFFFF80  }
0x15: {  	s9 =	simm.s32 $0x80;
	s10 =	simm.s32 $0x200;
	_ =	strace $0x9000004A  }
0x16: {  	s11 =	simm.s32 $0x9;
	s8 =	sadd.s32 $0x11600, s14;
	_ =	strace $0x8000004B  }
0x17: {  	[tilespmem:s10], [sflag:$0x9] =	stream.indirect.gather [hbm4b:s8+s9], $0x80, s2, s9, $0x2000b8;
	[tilespmem:$0x10200] =	vst v63  }
0x18: {  	_ =	swait.ge [sflag:s11], $0x4000  }
0x19: {  	[sflag:s11] =	ssyncset.done $0x0  }
0x1a: {  	s13 =	simm.s32 $0x8200;
	s12 =	sadd.s32 $0x1C00, s14;
	[sflag:s11] =	ssyncadd.s32 $0xFFFFC000  }
0x1b: {  	[tilespmem:s13], [sflag:$0x9] =	stream.indirect.gather [hbm4b:s12+s9], $0x80, s5, s9, $0x2000b8;
	[tilespmem:$0x10200] =	vst v63  }
0x1c: {  	_ =	swait.ge [sflag:s11], $0x4000  }
0x1d: {  	[sflag:s11] =	ssyncset.done $0x0  }
0x1e: {  	s15 =	sshll.u32 s15, $0x4;
	[sflag:s11] =	ssyncadd.s32 $0xFFFFC000  }
0x1f: {  	s15 =	sadd.s32 s15, s14;
	_ =	strace $0x9000004B  }
0x20: {  	s14 =	sadd.s32 $0x62BE00, s15;
	_ =	strace $0x8000004C  }
0x21: {  	[hbm4b:s14+s2] =	stream.linear.scatter [tilespmem:s10], [sflag:$0x5], $0x4000, $0x200038;
	[tilespmem:$0x10200] =	vst v63  }
0x22: {  	s17 =	ssub.s32 $0x2, s17;
	_ =	strace $0x9000004C  }
0x23: {  	s18 =	sshrl.u32 s17, $0x1;
	s15 =	sadd.s32 $0x63BE00, s15;
	_ =	strace $0x8000004D  }
0x24: {  	[hbm4b:s15+s2] =	stream.linear.scatter [tilespmem:s13], [sflag:$0x7], $0x4000, $0x200038;
	[tilespmem:$0x10200] =	vst v63  }
0x25: {  	s18 =	ssub.s32 s17, s18;
	_ =	strace $0x9000004D  }
0x26: {  	s16 =	simm.s32 $0x5;
	s18 =	smax.u32 s18, $0x1;
	_ =	strace $0x8000004E  }
0x27: {  	p0 =	sne.s32 s18, $0x1;
	_ =	swait.ge [sflag:s16], $0x4000  }
.Ltmp0:
0x28: {  	[sflag:s16] =	ssyncset.done $0x0;
	(pc) =	sbr.rel @!p0 .LBB2_2-.Ltmp0, $4  }
0x29: {  	s17 =	simm.s32 $0x7;
	[sflag:s16] =	ssyncadd.s32 $0xFFFFC000  }
0x2a: {  	_ =	swait.ge [sflag:s17], $0x4000  }
0x2b: {  	[sflag:s17] =	ssyncset.done $0x0  }
0x2c: {  	s18 =	sadd.s32 $0xFFFFFFFF, s18;
	[sflag:s17] =	ssyncadd.s32 $0xFFFFC000  }
.LBB2_1:
0x2d: {  	p0 =	sne.s32 s18, $0x1;
	s18 =	sadd.s32 $0xFFFFFFFF, s18;
	_ =	strace $0x9000004E  }
0x2e: {  	_ =	strace $0x80000048  }
0x2f: {  	[tilespmem:s2], [sflag:$0x1] =	stream.linear.gather [hbm4b:s3+s2], $0x80, $0x200038;
	[tilespmem:$0x10200] =	vst v63  }
0x30: {  	_ = 	snop  }
0x31: {  	[tilespmem:s5], [sflag:$0x3] =	stream.linear.gather [hbm4b:s4+s2], $0x80, $0x200038;
	[tilespmem:$0x10200] =	vst v63  }
0x32: {  	_ =	strace $0x90000048  }
0x33: {  	_ =	strace $0x80000049  }
0x34: {  	_ =	swait.ge [sflag:s6], $0x80  }
0x35: {  	[sflag:s6] =	ssyncset.done $0x0  }
0x36: {  	[sflag:s6] =	ssyncadd.s32 $0xFFFFFF80  }
0x37: {  	_ =	strace $0x90000049  }
0x38: {  	_ =	strace $0x8000004A  }
0x39: {  	_ =	swait.ge [sflag:s7], $0x80  }
0x3a: {  	[sflag:s7] =	ssyncset.done $0x0  }
0x3b: {  	[sflag:s7] =	ssyncadd.s32 $0xFFFFFF80  }
0x3c: {  	_ =	strace $0x9000004A  }
0x3d: {  	_ =	strace $0x8000004B  }
0x3e: {  	[tilespmem:s10], [sflag:$0x9] =	stream.indirect.gather [hbm4b:s8+s9], $0x80, s2, s9, $0x2000b8;
	[tilespmem:$0x10200] =	vst v63  }
0x3f: {  	_ =	swait.ge [sflag:s11], $0x4000  }
0x40: {  	[sflag:s11] =	ssyncset.done $0x0  }
0x41: {  	[sflag:s11] =	ssyncadd.s32 $0xFFFFC000  }
0x42: {  	[tilespmem:s13], [sflag:$0x9] =	stream.indirect.gather [hbm4b:s12+s9], $0x80, s5, s9, $0x2000b8;
	[tilespmem:$0x10200] =	vst v63  }
0x43: {  	_ =	swait.ge [sflag:s11], $0x4000  }
0x44: {  	[sflag:s11] =	ssyncset.done $0x0  }
0x45: {  	[sflag:s11] =	ssyncadd.s32 $0xFFFFC000  }
0x46: {  	_ =	strace $0x9000004B  }
0x47: {  	_ =	strace $0x8000004C  }
0x48: {  	[hbm4b:s14+s2] =	stream.linear.scatter [tilespmem:s10], [sflag:$0x5], $0x4000, $0x200038;
	[tilespmem:$0x10200] =	vst v63  }
0x49: {  	_ =	strace $0x9000004C  }
0x4a: {  	_ =	strace $0x8000004D  }
0x4b: {  	[hbm4b:s15+s2] =	stream.linear.scatter [tilespmem:s13], [sflag:$0x7], $0x4000, $0x200038;
	[tilespmem:$0x10200] =	vst v63  }
0x4c: {  	_ =	strace $0x9000004D  }
0x4d: {  	_ =	strace $0x8000004E  }
0x4e: {  	_ =	swait.ge [sflag:s16], $0x4000  }
.Ltmp1:
0x4f: {  	[sflag:s16] =	ssyncset.done $0x0;
	(pc) =	sbr.rel @p0 .LBB2_1-.Ltmp1, $4  }
0x50: {  	[sflag:s16] =	ssyncadd.s32 $0xFFFFC000  }
0x51: {  	_ =	swait.ge [sflag:s17], $0x4000  }
0x52: {  	[sflag:s17] =	ssyncset.done $0x0  }
0x53: {  	[sflag:s17] =	ssyncadd.s32 $0xFFFFC000  }
.LBB2_2:
0x54: {  	_ =	strace $0x9000004E  }
0x55: {  	_ =	sfence.sel $0x180000  }
0x56: {  	[bflag:$0x0] =	sbarrier.arrive $0xFFFF  }
0x57: {  	p0 =	sne.s32 s1, $0x0;
	_ =	strace $0x90000047  }
0x58: {  	s0 =	sadd.s32 @!p0 $0x100000, s0;
	[bflag:$0x2] =	sbarrier.arrive $0xFFFF  }
0x59: {  	[sflag:s0] =	ssyncadd.tile.s32 @!p0 $0x1;
	_ =	shalt  }
.Lfunc_end2:
_tile_overlayer_lowered:
.L_overlay_start_2:
0x5a: {  	(tag) =	ssettag $0x2  }
0x5b: {  	s0 =	rddreg [dreg:$0x0];
	s2 =	stileid.u32  }
0x5c: {  	s1 =	rddreg [dreg:$0x1];
	p0 =	sne.s32 s2, $0x0  }
0x5d: {  	s3 =	rddreg [dreg:$0x2];
	[bflag:$0x3] =	sbarrier.arrive $0xFFFF;
	s2 =	simm.s32 @!p0 $0x1C01  }
0x5e: {  	[timem:s3], [sflag:s2] =	dma.local @!p0 [hbm:s0], s1  }
0x5f: {  	s0 =	simm.s32 @!p0 $0x1  }
0x60: {  	_ =	swait.ge @!p0 [sflag:s0], s1  }
0x61: {  	s1 =	ssub.s32 @!p0 $0x0, s1;
	[sflag:s0] =	ssyncset.done @!p0 $0x0  }
0x62: {  	[sflag:s0] =	ssyncadd.s32 @!p0 s1  }
0x63: {  	[bflag:$0x3] =	sbarrier.arrive $0xFFFF  }
0x64: {  	_ =	shalt  }

</sc_bundles>
